<compile_context>
chip_gen: v7x
topology: tpu7x:2x2x1
jax: 0.10.2.dev20260603
libtpu: 0.0.44.dev20260713+nightly
codegen_flags: <defaults>
</compile_context>

<pallas_src>
import jax
import jax.numpy as jnp
from jax import lax
from jax.experimental import pallas as pl
from jax.experimental.pallas import tpu as pltpu
from jax.experimental.pallas import tpu_sc as plsc

N = 10000
E = 320000
D = 128
H = 4
C = D // H

ET = E + N
NTILES = 32
BE = 128
CHUNK = 10752
EPAD = CHUNK * NTILES
NBLK = CHUNK // BE
BE1 = CHUNK // 16
NBLK1 = CHUNK // BE1
EW = 8
NPAD = 10240
ROWS_PER_TILE = NPAD // 16

BN = 1000
NG = N // BN


def _phase_a_body(x_ref, w_ref, as_ref, ad_ref, h_ref, asrc_ref, adst_ref,
                  k_ref, ms_ref, md_ref):
    i = pl.program_id(0)
    h = jnp.dot(x_ref[...], w_ref[...], preferred_element_type=jnp.float32)
    h_ref[...] = h
    asrc = jnp.dot(h, as_ref[...], preferred_element_type=jnp.float32)
    adst = jnp.dot(h, ad_ref[...], preferred_element_type=jnp.float32)
    asrc_ref[...] = asrc
    adst_ref[...] = adst
    bs = jnp.max(asrc, axis=0, keepdims=True)
    bd = jnp.max(adst, axis=0, keepdims=True)

    @pl.when(i == 0)
    def _():
        ms_ref[...] = bs
        md_ref[...] = bd

    @pl.when(i > 0)
    def _():
        ms_ref[...] = jnp.maximum(ms_ref[...], bs)
        md_ref[...] = jnp.maximum(md_ref[...], bd)

    @pl.when(i == NG - 1)
    def _():
        ks = ms_ref[...] + md_ref[...]
        k_ref[...] = jnp.where(ks >= 0.0, ks, 0.2 * ks)


def _phase_a(x, w, a_src_m, a_dst_m):
    return pl.pallas_call(
        _phase_a_body,
        grid=(NG,),
        in_specs=[
            pl.BlockSpec((BN, D), lambda i: (i, 0)),
            pl.BlockSpec((D, D), lambda i: (0, 0)),
            pl.BlockSpec((D, H), lambda i: (0, 0)),
            pl.BlockSpec((D, H), lambda i: (0, 0)),
        ],
        out_specs=[
            pl.BlockSpec((BN, D), lambda i: (i, 0)),
            pl.BlockSpec((BN, H), lambda i: (i, 0)),
            pl.BlockSpec((BN, H), lambda i: (i, 0)),
            pl.BlockSpec((1, H), lambda i: (0, 0)),
        ],
        out_shape=[
            jax.ShapeDtypeStruct((N, D), jnp.float32),
            jax.ShapeDtypeStruct((N, H), jnp.float32),
            jax.ShapeDtypeStruct((N, H), jnp.float32),
            jax.ShapeDtypeStruct((1, H), jnp.float32),
        ],
        scratch_shapes=[
            pltpu.VMEM((1, H), jnp.float32),
            pltpu.VMEM((1, H), jnp.float32),
        ],
    )(x, w, a_src_m, a_dst_m)


def _splat(vec, lane):
    idx = jnp.full((16,), lane, dtype=jnp.int32)
    dn = lax.GatherDimensionNumbers(
        offset_dims=(), collapsed_slice_dims=(0,), start_index_map=(0,))
    return lax.gather(vec, idx[:, None], dn, (1,),
                      mode=lax.GatherScatterMode.PROMISE_IN_BOUNDS)


def _pass1_body(asrc_hbm, adst_hbm, k_hbm, src_hbm, dst_hbm, p_hbm, den_hbm,
                asrc_v, adst_v, k_v, srcb, dstb, pblk, dloc):
    cid = lax.axis_index("c")
    sid = lax.axis_index("s")
    wid = cid * 16 + sid
    base0 = wid * CHUNK
    zeros16 = jnp.zeros((16,), jnp.float32)
    lanes = lax.iota(jnp.int32, 16)

    pltpu.sync_copy(asrc_hbm, asrc_v)
    pltpu.sync_copy(adst_hbm, adst_v)
    pltpu.sync_copy(k_hbm, k_v)

    def zloc(i, _):
        dloc[pl.ds(i * 16, 16)] = zeros16
        return 0

    lax.fori_loop(0, N * H // 16, zloc, 0)

    kb = [_splat(k_v[...], h) for h in range(H)]

    def block(b, _):
        base = base0 + b * BE1
        pltpu.sync_copy(src_hbm.at[pl.ds(base, BE1)], srcb)
        pltpu.sync_copy(dst_hbm.at[pl.ds(base, BE1)], dstb)

        def group(g, _):
            sv = srcb[pl.ds(g * 16, 16)]
            dv = jnp.minimum(dstb[pl.ds(g * 16, 16)], N - 1)
            gid = base + g * 16 + lanes
            valid = gid < ET
            rec = (g * 16 + lanes) * EW
            plsc.store_scatter(pblk, [rec],
                               plsc.bitcast(sv, jnp.float32))
            plsc.store_scatter(pblk, [rec + 1],
                               plsc.bitcast(dstb[pl.ds(g * 16, 16)],
                                            jnp.float32))
            for h in range(H):
                av = plsc.load_gather(asrc_v, [sv * H + h])
                bv = plsc.load_gather(adst_v, [dv * H + h])
                e = av + bv
                e = jnp.where(e >= 0.0, e, 0.2 * e) - kb[h]
                p = jnp.where(valid, jnp.exp(e), 0.0)
                plsc.store_scatter(pblk, [rec + 2 + h], p)
                plsc.addupdate_scatter(dloc, [dv * H + h], p)
            return 0

        lax.fori_loop(0, BE1 // 16, group, 0)
        pltpu.sync_copy(pblk, p_hbm.at[pl.ds(base * EW, BE1 * EW)])
        return 0

    lax.fori_loop(0, NBLK1, block, 0)

    pltpu.sync_copy(dloc, den_hbm.at[wid])


def _pass1(asrc, adst, k, src, dst):
    mesh = plsc.VectorSubcoreMesh(core_axis_name="c", subcore_axis_name="s",
                                  num_cores=2, num_subcores=16)
    f = pl.kernel(
        _pass1_body,
        out_type=(
            jax.ShapeDtypeStruct((EPAD * EW,), jnp.float32),
            jax.ShapeDtypeStruct((NTILES, N * H), jnp.float32),
        ),
        mesh=mesh,
        scratch_types=[
            pltpu.VMEM((N * H,), jnp.float32),
            pltpu.VMEM((N * H,), jnp.float32),
            pltpu.VMEM((16,), jnp.float32),
            pltpu.VMEM((BE1,), jnp.int32),
            pltpu.VMEM((BE1,), jnp.int32),
            pltpu.VMEM((BE1 * EW,), jnp.float32),
            pltpu.VMEM((N * H,), jnp.float32),
        ],
        compiler_params=pltpu.CompilerParams(needs_layout_passes=False),
    )
    return f(asrc, adst, k, src, dst)


def _pass2_body(h_hbm, ed_hbm, out_hbm,
                hrows0, hrows1, eb0, eb1, srcb0, srcb1, dstb0, dstb1, acc,
                gsem0, gsem1, esem0, esem1, ssem0, ssem1):
    cid = lax.axis_index("c")
    sid = lax.axis_index("s")
    wid = cid * 16 + sid
    base0 = wid * CHUNK
    zeros16 = jnp.zeros((16,), jnp.float32)
    lanes = lax.iota(jnp.int32, 16)
    qoff = (lanes >> 2) * EW + 2 + (lanes & 3)

    hrows = [hrows0, hrows1]
    eb = [eb0, eb1]
    srcb = [srcb0, srcb1]
    dstb = [dstb0, dstb1]
    gsem = [gsem0, gsem1]
    esem = [esem0, esem1]
    ssem = [ssem0, ssem1]

    def zrow(r, _):
        for k in range(D // 16):
            hrows0[r, pl.ds(k * 16, 16)] = zeros16
        return 0

    lax.fori_loop(0, BE, zrow, 0)
    for k in range(ROWS_PER_TILE // BE):
        pltpu.sync_copy(hrows0,
                        acc.at[pl.ds(sid * ROWS_PER_TILE + k * BE, BE)])
    plsc.subcore_barrier()

    def fetch_ed(b, q):
        base = base0 + b * BE
        pltpu.async_copy(ed_hbm.at[pl.ds(base * EW, BE * EW)], eb[q],
                         esem[q])

    def extract_idx(q):
        for g in range(BE // 16):
            rec = (g * 16 + lanes) * EW
            sv = plsc.load_gather(eb[q], [rec])
            dv = plsc.load_gather(eb[q], [rec + 1])
            srcb[q][pl.ds(g * 16, 16)] = plsc.bitcast(sv, jnp.int32)
            dstb[q][pl.ds(g * 16, 16)] = plsc.bitcast(dv, jnp.int32)

    def compute(q):
        def quad(i, _):
            pvec = plsc.load_gather(eb[q], [qoff + i * (4 * EW)])
            for j in range(4):
                e = i * 4 + j
                for h in range(H):
                    s = _splat(pvec, j * H + h)
                    for sub in range(2):
                        cg = h * 2 + sub
                        hrows[q][e, pl.ds(cg * 16, 16)] = (
                            hrows[q][e, pl.ds(cg * 16, 16)] * s)
            return 0

        lax.fori_loop(0, BE // 4, quad, 0)

    fetch_ed(0, 0)
    pltpu.make_async_copy(ed_hbm.at[pl.ds(base0 * EW, BE * EW)], eb[0],
                          esem[0]).wait()
    extract_idx(0)
    pltpu.async_copy(h_hbm.at[srcb[0]], hrows[0], gsem[0])
    fetch_ed(1, 1)

    def pair(t, _):
        for k in range(2):
            b = 2 * t + k
            q = k
            r = 1 - k
            pltpu.make_async_copy(h_hbm.at[srcb[q]], hrows[q],
                                  gsem[q]).wait()
            pltpu.make_async_copy(ed_hbm.at[pl.ds(0, BE * EW)], eb[r],
                                  esem[r]).wait()
            if k == 1:
                pltpu.make_async_copy(hrows[r], acc.at[dstb[r]],
                                      ssem[r]).wait()
            else:
                @pl.when(t > 0)
                def _():
                    pltpu.make_async_copy(hrows[r], acc.at[dstb[r]],
                                          ssem[r]).wait()
            extract_idx(r)
            pltpu.async_copy(h_hbm.at[srcb[r]], hrows[r], gsem[r])
            compute(q)
            bn = jnp.minimum(b + 2, NBLK - 1)
            fetch_ed(bn, q)
            pltpu.async_copy(hrows[q], acc.at[dstb[q]], ssem[q], add=True)
        return 0

    lax.fori_loop(0, NBLK // 2, pair, 0)

    pltpu.make_async_copy(h_hbm.at[srcb[0]], hrows[0], gsem[0]).wait()
    pltpu.make_async_copy(ed_hbm.at[pl.ds(0, BE * EW)], eb[1],
                          esem[1]).wait()
    pltpu.make_async_copy(hrows[1], acc.at[dstb[1]], ssem[1]).wait()

    plsc.subcore_barrier()
    pltpu.sync_copy(acc.at[pl.ds(sid * ROWS_PER_TILE, ROWS_PER_TILE)],
                    out_hbm.at[cid, pl.ds(sid * ROWS_PER_TILE, ROWS_PER_TILE)])


def _pass2(h, ed):
    mesh = plsc.VectorSubcoreMesh(core_axis_name="c", subcore_axis_name="s",
                                  num_cores=2, num_subcores=16)
    f = pl.kernel(
        _pass2_body,
        out_type=jax.ShapeDtypeStruct((2, NPAD, D), jnp.float32),
        mesh=mesh,
        scratch_types=[
            pltpu.VMEM((BE, D), jnp.float32),
            pltpu.VMEM((BE, D), jnp.float32),
            pltpu.VMEM((BE * EW,), jnp.float32),
            pltpu.VMEM((BE * EW,), jnp.float32),
            pltpu.VMEM((BE,), jnp.int32),
            pltpu.VMEM((BE,), jnp.int32),
            pltpu.VMEM((BE,), jnp.int32),
            pltpu.VMEM((BE,), jnp.int32),
            pltpu.VMEM_SHARED((NPAD, D), jnp.float32),
            pltpu.SemaphoreType.DMA,
            pltpu.SemaphoreType.DMA,
            pltpu.SemaphoreType.DMA,
            pltpu.SemaphoreType.DMA,
            pltpu.SemaphoreType.DMA,
            pltpu.SemaphoreType.DMA,
        ],
        compiler_params=pltpu.CompilerParams(needs_layout_passes=False),
    )
    return f(h, ed)


def _phase_d_body(part_ref, den_ref, x_ref, ms_ref, bias_ref, lnw_ref,
                  lnb_ref, out_ref):
    num = part_ref[0] + part_ref[1]
    den = jnp.dot(den_ref[...], ms_ref[...],
                  preferred_element_type=jnp.float32)
    g = num / den + bias_ref[...]
    mean = jnp.mean(g, axis=1, keepdims=True)
    cen = g - mean
    var = jnp.mean(cen * cen, axis=1, keepdims=True)
    norm = cen / jnp.sqrt(var + 1e-12)
    out_ref[...] = x_ref[...] + norm * lnw_ref[...] + lnb_ref[...]


def _phase_d(part, den, x, ms, bias, lnw, lnb):
    return pl.pallas_call(
        _phase_d_body,
        grid=(NG,),
        in_specs=[
            pl.BlockSpec((2, BN, D), lambda i: (0, i, 0)),
            pl.BlockSpec((BN, NTILES * H), lambda i: (i, 0)),
            pl.BlockSpec((BN, D), lambda i: (i, 0)),
            pl.BlockSpec((NTILES * H, D), lambda i: (0, 0)),
            pl.BlockSpec((1, D), lambda i: (0, 0)),
            pl.BlockSpec((1, D), lambda i: (0, 0)),
            pl.BlockSpec((1, D), lambda i: (0, 0)),
        ],
        out_specs=pl.BlockSpec((BN, D), lambda i: (i, 0)),
        out_shape=jax.ShapeDtypeStruct((N, D), jnp.float32),
    )(part, den, x, ms, bias, lnw, lnb)


def kernel(x, edge_index, W, att_src, att_dst, bias, ln_weight, ln_bias):
    f32 = jnp.float32
    blk = jnp.repeat(jnp.eye(H, dtype=f32), C, axis=0)
    a_src_m = blk * att_src.reshape(D, 1)
    a_dst_m = blk * att_dst.reshape(D, 1)
    s_exp = jnp.repeat(jnp.eye(H, dtype=f32), C, axis=1)
    ms_fold = jnp.tile(s_exp, (NTILES, 1))

    loops = jnp.arange(N, dtype=edge_index.dtype)
    pad_ar = jnp.arange(EPAD - ET, dtype=edge_index.dtype)
    pad_dst = N + pad_ar % (NPAD - N)
    pad_src = pad_ar % N
    src = jnp.concatenate([edge_index[0], loops, pad_src])
    dst = jnp.concatenate([edge_index[1], loops, pad_dst])

    h, asrc, adst, k = _phase_a(x, W, a_src_m, a_dst_m)
    kpad = jnp.concatenate([k.reshape(-1), jnp.zeros((16 - H,), f32)])
    ed, den = _pass1(asrc.reshape(-1), adst.reshape(-1), kpad, src, dst)
    part = _pass2(h, ed)
    den_t = den.reshape(NTILES, N, H).transpose(1, 0, 2).reshape(N,
                                                                 NTILES * H)
    return _phase_d(part, den_t, x, ms_fold,
                    bias.reshape(1, D), ln_weight.reshape(1, D),
                    ln_bias.reshape(1, D))

# --- scband reference (transcript-rebuilt; emitter-appended) ---
"""Pipeline reference for scband-graph-attention-layer-90357521973579 (READ-ONLY COPY).

The authoritative reference and input builder live on the scoring server;
editing this copy changes nothing except your own understanding.
"""

import jax, jax.numpy as jnp
import numpy as np

N = 10000
E = 320000
D = 128
H = 4
C = D // H


def setup_inputs(seed: int = 0) -> dict:
    key = jax.random.key(seed)
    ks = jax.random.split(key, 6)
    x = jax.random.normal(ks[0], (N, D), dtype=jnp.float32)
    edge_index = jax.random.randint(ks[1], (2, E), 0, N, dtype=jnp.int32)
    W = jax.random.normal(ks[2], (D, D), dtype=jnp.float32) * (1.0 / np.sqrt(D))
    att_src = jax.random.normal(ks[3], (H, C), dtype=jnp.float32) * 0.1
    att_dst = jax.random.normal(ks[4], (H, C), dtype=jnp.float32) * 0.1
    bias = jnp.zeros((D,), dtype=jnp.float32)
    ln_weight = jnp.ones((D,), dtype=jnp.float32)
    ln_bias = jnp.zeros((D,), dtype=jnp.float32)
    return {"x": x, "edge_index": edge_index, "W": W, "att_src": att_src,
            "att_dst": att_dst, "bias": bias, "ln_weight": ln_weight, "ln_bias": ln_bias}


def reference(x, edge_index, W, att_src, att_dst, bias, ln_weight, ln_bias):
    # GATConv (PyG semantics, eval mode: dropout = identity, add_self_loops=True)
    loops = jnp.arange(N, dtype=edge_index.dtype)
    src = jnp.concatenate([edge_index[0], loops])
    dst = jnp.concatenate([edge_index[1], loops])
    h = (x @ W).reshape(N, H, C)
    a_src = (h * att_src[None, :, :]).sum(-1)  # [N, H]
    a_dst = (h * att_dst[None, :, :]).sum(-1)  # [N, H]
    e = a_src[src] + a_dst[dst]                # [Et, H]  (gather)
    e = jax.nn.leaky_relu(e, negative_slope=0.2)
    # softmax over incoming edges per destination node
    m = jax.ops.segment_max(e, dst, num_segments=N)
    ex = jnp.exp(e - m[dst])
    denom = jax.ops.segment_sum(ex, dst, num_segments=N)
    alpha = ex / (denom[dst] + 1e-16)
    msg = h[src] * alpha[:, :, None]           # [Et, H, C]
    out = jax.ops.segment_sum(msg, dst, num_segments=N).reshape(N, D) + bias
    # custom LayerNorm (eps=1e-12)
    mean = out.mean(-1, keepdims=True)
    var = ((out - mean) ** 2).mean(-1, keepdims=True)
    norm = (out - mean) / jnp.sqrt(var + 1e-12)
    norm = norm * ln_weight + ln_bias
    # residual; dropout is identity in eval mode
    return x + norm

if __name__ == "__main__":
    import jax
    _d = setup_inputs()
    print(jax.jit(kernel)(*tuple(_d.values())))

</pallas_src>

<mosaic_0001>
#map = affine_map<(d0, d1) -> (0, 0)>
#map1 = affine_map<(d0, d1) -> (0)>
#map2 = affine_map<(d0, d1) -> (0, 0, 0)>
module attributes {stable_mosaic.version = 14 : i64} {
  func.func @_pass2_body(%arg0: i32, %arg1: i32, %arg2: memref<10000x128xf32, #tpu.memory_space<hbm>>, %arg3: memref<2752512xf32, #tpu.memory_space<hbm>>, %arg4: memref<2x10240x128xf32, #tpu.memory_space<hbm>>, %arg5: memref<128x128xf32, #tpu.memory_space<vmem>>, %arg6: memref<128x128xf32, #tpu.memory_space<vmem>>, %arg7: memref<1024xf32, #tpu.memory_space<vmem>>, %arg8: memref<1024xf32, #tpu.memory_space<vmem>>, %arg9: memref<128xi32, #tpu.memory_space<vmem>>, %arg10: memref<128xi32, #tpu.memory_space<vmem>>, %arg11: memref<128xi32, #tpu.memory_space<vmem>>, %arg12: memref<128xi32, #tpu.memory_space<vmem>>, %arg13: memref<10240x128xf32, #tpu.memory_space<vmem_shared>>, %arg14: memref<!tpu.dma_semaphore, #tpu.memory_space<semaphore_mem>>, %arg15: memref<!tpu.dma_semaphore, #tpu.memory_space<semaphore_mem>>, %arg16: memref<!tpu.dma_semaphore, #tpu.memory_space<semaphore_mem>>, %arg17: memref<!tpu.dma_semaphore, #tpu.memory_space<semaphore_mem>>, %arg18: memref<!tpu.dma_semaphore, #tpu.memory_space<semaphore_mem>>, %arg19: memref<!tpu.dma_semaphore, #tpu.memory_space<semaphore_mem>>) attributes {dimension_semantics = [#tpu.dimension_semantics<core_parallel>, #tpu.dimension_semantics<subcore_parallel>], iteration_bounds = array<i64: 2, 16>, scalar_prefetch = 0 : i64, scratch_operands = 15 : i64, tpu.core_type = #tpu.core_type<sc_vector_subcore>, window_params = [{transform_indices = #map}, {transform_indices = #map1}, {transform_indices = #map2}]} {
    %mul3A = arith.constant 16 : i32
    %mul3A_0 = arith.muli %arg0, %mul3A : i32
    %add3A = arith.addi %mul3A_0, %arg1 : i32
    %mul3A_1 = arith.constant 10752 : i32
    %mul3A_2 = arith.muli %add3A, %mul3A_1 : i32
    %broadcast_in_dim3A = arith.constant 0.000000e+00 : f32
    %broadcast_in_dim3A_3 = vector.broadcast %broadcast_in_dim3A : f32 to vector<16xf32>
    %iota3A = tpu.iota {dimensions = array<i32: 0>} : vector<16xi32>
    %shift_right_arithmetic3A = arith.constant 2 : i32
    %shift_right_arithmetic3A_4 = vector.broadcast %shift_right_arithmetic3A : i32 to vector<16xi32>
    %shift_right_arithmetic3A_5 = arith.shrsi %iota3A, %shift_right_arithmetic3A_4 : vector<16xi32>
    %mul3A_6 = arith.constant 8 : i32
    %mul3A_7 = vector.broadcast %mul3A_6 : i32 to vector<16xi32>
    %mul3A_8 = arith.muli %shift_right_arithmetic3A_5, %mul3A_7 : vector<16xi32>
    %add3A_9 = arith.constant 2 : i32
    %add3A_10 = vector.broadcast %add3A_9 : i32 to vector<16xi32>
    %add3A_11 = arith.addi %mul3A_8, %add3A_10 : vector<16xi32>
    %and3A = arith.constant 3 : i32
    %and3A_12 = vector.broadcast %and3A : i32 to vector<16xi32>
    %and3A_13 = arith.andi %iota3A, %and3A_12 : vector<16xi32>
    %add3A_14 = arith.addi %add3A_11, %and3A_13 : vector<16xi32>
    %scan3A = arith.constant 0 : i32
    %scan3A_15 = arith.constant 0 : i32
    %scan3A_16 = arith.constant 128 : i32
    %scan3A_17 = arith.addi %scan3A_15, %scan3A_16 : i32
    %scan3A_18 = arith.constant 1 : i32
    %scan3A_19 = scf.for %scan3A_213 = %scan3A_15 to %scan3A_17 step %scan3A_18 iter_args(%scan3A_214 = %scan3A) -> (i32)  : i32 {
      %swap3A_215 = arith.index_cast %scan3A_213 : i32 to index
      %swap3A_216 = arith.constant 0 : index
      %swap3A_217 = tpu.vector_load %arg5[%swap3A_215, %swap3A_216] {strides = array<i32>} : memref<128x128xf32, #tpu.memory_space<vmem>>, vector<16xf32>,
      tpu.vector_store %arg5[%swap3A_215, %swap3A_216], %broadcast_in_dim3A_3 {strides = array<i32>} : memref<128x128xf32, #tpu.memory_space<vmem>>, vector<16xf32>,
      %swap3A_218 = arith.index_cast %scan3A_213 : i32 to index
      %swap3A_219 = arith.constant 16 : index
      %swap3A_220 = tpu.vector_load %arg5[%swap3A_218, %swap3A_219] {strides = array<i32>} : memref<128x128xf32, #tpu.memory_space<vmem>>, vector<16xf32>,
      tpu.vector_store %arg5[%swap3A_218, %swap3A_219], %broadcast_in_dim3A_3 {strides = array<i32>} : memref<128x128xf32, #tpu.memory_space<vmem>>, vector<16xf32>,
      %swap3A_221 = arith.index_cast %scan3A_213 : i32 to index
      %swap3A_222 = arith.constant 32 : index
      %swap3A_223 = tpu.vector_load %arg5[%swap3A_221, %swap3A_222] {strides = array<i32>} : memref<128x128xf32, #tpu.memory_space<vmem>>, vector<16xf32>,
      tpu.vector_store %arg5[%swap3A_221, %swap3A_222], %broadcast_in_dim3A_3 {strides = array<i32>} : memref<128x128xf32, #tpu.memory_space<vmem>>, vector<16xf32>,
      %swap3A_224 = arith.index_cast %scan3A_213 : i32 to index
      %swap3A_225 = arith.constant 48 : index
      %swap3A_226 = tpu.vector_load %arg5[%swap3A_224, %swap3A_225] {strides = array<i32>} : memref<128x128xf32, #tpu.memory_space<vmem>>, vector<16xf32>,
      tpu.vector_store %arg5[%swap3A_224, %swap3A_225], %broadcast_in_dim3A_3 {strides = array<i32>} : memref<128x128xf32, #tpu.memory_space<vmem>>, vector<16xf32>,
      %swap3A_227 = arith.index_cast %scan3A_213 : i32 to index
      %swap3A_228 = arith.constant 64 : index
      %swap3A_229 = tpu.vector_load %arg5[%swap3A_227, %swap3A_228] {strides = array<i32>} : memref<128x128xf32, #tpu.memory_space<vmem>>, vector<16xf32>,
      tpu.vector_store %arg5[%swap3A_227, %swap3A_228], %broadcast_in_dim3A_3 {strides = array<i32>} : memref<128x128xf32, #tpu.memory_space<vmem>>, vector<16xf32>,
      %swap3A_230 = arith.index_cast %scan3A_213 : i32 to index
      %swap3A_231 = arith.constant 80 : index
      %swap3A_232 = tpu.vector_load %arg5[%swap3A_230, %swap3A_231] {strides = array<i32>} : memref<128x128xf32, #tpu.memory_space<vmem>>, vector<16xf32>,
      tpu.vector_store %arg5[%swap3A_230, %swap3A_231], %broadcast_in_dim3A_3 {strides = array<i32>} : memref<128x128xf32, #tpu.memory_space<vmem>>, vector<16xf32>,
      %swap3A_233 = arith.index_cast %scan3A_213 : i32 to index
      %swap3A_234 = arith.constant 96 : index
      %swap3A_235 = tpu.vector_load %arg5[%swap3A_233, %swap3A_234] {strides = array<i32>} : memref<128x128xf32, #tpu.memory_space<vmem>>, vector<16xf32>,
      tpu.vector_store %arg5[%swap3A_233, %swap3A_234], %broadcast_in_dim3A_3 {strides = array<i32>} : memref<128x128xf32, #tpu.memory_space<vmem>>, vector<16xf32>,
      %swap3A_236 = arith.index_cast %scan3A_213 : i32 to index
      %swap3A_237 = arith.constant 112 : index
      %swap3A_238 = tpu.vector_load %arg5[%swap3A_236, %swap3A_237] {strides = array<i32>} : memref<128x128xf32, #tpu.memory_space<vmem>>, vector<16xf32>,
      tpu.vector_store %arg5[%swap3A_236, %swap3A_237], %broadcast_in_dim3A_3 {strides = array<i32>} : memref<128x128xf32, #tpu.memory_space<vmem>>, vector<16xf32>,
      %scan3A_239 = arith.constant 0 : i32
      scf.yield %scan3A_239 : i32
    }
    %scan3A_20 = arith.constant 128 : i32
    %mul3A_21 = arith.constant 640 : i32
    %mul3A_22 = arith.muli %arg1, %mul3A_21 : i32
    %add3A_23 = arith.constant 0 : i32
    %add3A_24 = arith.addi %mul3A_22, %add3A_23 : i32
    "tpu.region"() ({
      %run_scoped3A = tpu.sem_alloc : memref<!tpu.dma_semaphore, #tpu.memory_space<semaphore_mem>>
      %dma_start3A_213 = arith.constant 0 : i32
      %dma_start3A_214 = tpu.memref_slice %arg13[%add3A_24, %dma_start3A_213] : memref<10240x128xf32, #tpu.memory_space<vmem_shared>> -> memref<128x128xf32, #tpu.memory_space<vmem_shared>>
      %dma_start3A_215 = arith.constant 0 : i32
      %dma_start3A_216 = tpu.memref_slice %arg13[%add3A_24, %dma_start3A_215] : memref<10240x128xf32, #tpu.memory_space<vmem_shared>> -> memref<128x128xf32, #tpu.memory_space<vmem_shared>>
      tpu.enqueue_dma source(%arg5 : memref<128x128xf32, #tpu.memory_space<vmem>>) target(%dma_start3A_216 : memref<128x128xf32, #tpu.memory_space<vmem_shared>>) target_semaphore(%run_scoped3A : memref<!tpu.dma_semaphore, #tpu.memory_space<semaphore_mem>>)
      %dma_wait3A_217 = arith.constant 0 : i32
      %dma_wait3A_218 = tpu.memref_slice %arg13[%add3A_24, %dma_wait3A_217] : memref<10240x128xf32, #tpu.memory_space<vmem_shared>> -> memref<128x128xf32, #tpu.memory_space<vmem_shared>>
      %dma_wait3A_219 = arith.constant 0 : i32
      %dma_wait3A_220 = tpu.memref_slice %arg13[%add3A_24, %dma_wait3A_219] : memref<10240x128xf32, #tpu.memory_space<vmem_shared>> -> memref<128x128xf32, #tpu.memory_space<vmem_shared>>
      tpu.wait_dma2 semaphore(%run_scoped3A : memref<!tpu.dma_semaphore, #tpu.memory_space<semaphore_mem>>) src(%arg5 : memref<128x128xf32, #tpu.memory_space<vmem>>) dst(%dma_wait3A_220 : memref<128x128xf32, #tpu.memory_space<vmem_shared>>)
      tpu.yield
    }) : () -> ()
    %mul3A_25 = arith.constant 640 : i32
    %mul3A_26 = arith.muli %arg1, %mul3A_25 : i32
    %add3A_27 = arith.constant 128 : i32
    %add3A_28 = arith.addi %mul3A_26, %add3A_27 : i32
    "tpu.region"() ({
      %run_scoped3A = tpu.sem_alloc : memref<!tpu.dma_semaphore, #tpu.memory_space<semaphore_mem>>
      %dma_start3A_213 = arith.constant 0 : i32
      %dma_start3A_214 = tpu.memref_slice %arg13[%add3A_28, %dma_start3A_213] : memref<10240x128xf32, #tpu.memory_space<vmem_shared>> -> memref<128x128xf32, #tpu.memory_space<vmem_shared>>
      %dma_start3A_215 = arith.constant 0 : i32
      %dma_start3A_216 = tpu.memref_slice %arg13[%add3A_28, %dma_start3A_215] : memref<10240x128xf32, #tpu.memory_space<vmem_shared>> -> memref<128x128xf32, #tpu.memory_space<vmem_shared>>
      tpu.enqueue_dma source(%arg5 : memref<128x128xf32, #tpu.memory_space<vmem>>) target(%dma_start3A_216 : memref<128x128xf32, #tpu.memory_space<vmem_shared>>) target_semaphore(%run_scoped3A : memref<!tpu.dma_semaphore, #tpu.memory_space<semaphore_mem>>)
      %dma_wait3A_217 = arith.constant 0 : i32
      %dma_wait3A_218 = tpu.memref_slice %arg13[%add3A_28, %dma_wait3A_217] : memref<10240x128xf32, #tpu.memory_space<vmem_shared>> -> memref<128x128xf32, #tpu.memory_space<vmem_shared>>
      %dma_wait3A_219 = arith.constant 0 : i32
      %dma_wait3A_220 = tpu.memref_slice %arg13[%add3A_28, %dma_wait3A_219] : memref<10240x128xf32, #tpu.memory_space<vmem_shared>> -> memref<128x128xf32, #tpu.memory_space<vmem_shared>>
      tpu.wait_dma2 semaphore(%run_scoped3A : memref<!tpu.dma_semaphore, #tpu.memory_space<semaphore_mem>>) src(%arg5 : memref<128x128xf32, #tpu.memory_space<vmem>>) dst(%dma_wait3A_220 : memref<128x128xf32, #tpu.memory_space<vmem_shared>>)
      tpu.yield
    }) : () -> ()
    %mul3A_29 = arith.constant 640 : i32
    %mul3A_30 = arith.muli %arg1, %mul3A_29 : i32
    %add3A_31 = arith.constant 256 : i32
    %add3A_32 = arith.addi %mul3A_30, %add3A_31 : i32
    "tpu.region"() ({
      %run_scoped3A = tpu.sem_alloc : memref<!tpu.dma_semaphore, #tpu.memory_space<semaphore_mem>>
      %dma_start3A_213 = arith.constant 0 : i32
      %dma_start3A_214 = tpu.memref_slice %arg13[%add3A_32, %dma_start3A_213] : memref<10240x128xf32, #tpu.memory_space<vmem_shared>> -> memref<128x128xf32, #tpu.memory_space<vmem_shared>>
      %dma_start3A_215 = arith.constant 0 : i32
      %dma_start3A_216 = tpu.memref_slice %arg13[%add3A_32, %dma_start3A_215] : memref<10240x128xf32, #tpu.memory_space<vmem_shared>> -> memref<128x128xf32, #tpu.memory_space<vmem_shared>>
      tpu.enqueue_dma source(%arg5 : memref<128x128xf32, #tpu.memory_space<vmem>>) target(%dma_start3A_216 : memref<128x128xf32, #tpu.memory_space<vmem_shared>>) target_semaphore(%run_scoped3A : memref<!tpu.dma_semaphore, #tpu.memory_space<semaphore_mem>>)
      %dma_wait3A_217 = arith.constant 0 : i32
      %dma_wait3A_218 = tpu.memref_slice %arg13[%add3A_32, %dma_wait3A_217] : memref<10240x128xf32, #tpu.memory_space<vmem_shared>> -> memref<128x128xf32, #tpu.memory_space<vmem_shared>>
      %dma_wait3A_219 = arith.constant 0 : i32
      %dma_wait3A_220 = tpu.memref_slice %arg13[%add3A_32, %dma_wait3A_219] : memref<10240x128xf32, #tpu.memory_space<vmem_shared>> -> memref<128x128xf32, #tpu.memory_space<vmem_shared>>
      tpu.wait_dma2 semaphore(%run_scoped3A : memref<!tpu.dma_semaphore, #tpu.memory_space<semaphore_mem>>) src(%arg5 : memref<128x128xf32, #tpu.memory_space<vmem>>) dst(%dma_wait3A_220 : memref<128x128xf32, #tpu.memory_space<vmem_shared>>)
      tpu.yield
    }) : () -> ()
    %mul3A_33 = arith.constant 640 : i32
    %mul3A_34 = arith.muli %arg1, %mul3A_33 : i32
    %add3A_35 = arith.constant 384 : i32
    %add3A_36 = arith.addi %mul3A_34, %add3A_35 : i32
    "tpu.region"() ({
      %run_scoped3A = tpu.sem_alloc : memref<!tpu.dma_semaphore, #tpu.memory_space<semaphore_mem>>
      %dma_start3A_213 = arith.constant 0 : i32
      %dma_start3A_214 = tpu.memref_slice %arg13[%add3A_36, %dma_start3A_213] : memref<10240x128xf32, #tpu.memory_space<vmem_shared>> -> memref<128x128xf32, #tpu.memory_space<vmem_shared>>
      %dma_start3A_215 = arith.constant 0 : i32
      %dma_start3A_216 = tpu.memref_slice %arg13[%add3A_36, %dma_start3A_215] : memref<10240x128xf32, #tpu.memory_space<vmem_shared>> -> memref<128x128xf32, #tpu.memory_space<vmem_shared>>
      tpu.enqueue_dma source(%arg5 : memref<128x128xf32, #tpu.memory_space<vmem>>) target(%dma_start3A_216 : memref<128x128xf32, #tpu.memory_space<vmem_shared>>) target_semaphore(%run_scoped3A : memref<!tpu.dma_semaphore, #tpu.memory_space<semaphore_mem>>)
      %dma_wait3A_217 = arith.constant 0 : i32
      %dma_wait3A_218 = tpu.memref_slice %arg13[%add3A_36, %dma_wait3A_217] : memref<10240x128xf32, #tpu.memory_space<vmem_shared>> -> memref<128x128xf32, #tpu.memory_space<vmem_shared>>
      %dma_wait3A_219 = arith.constant 0 : i32
      %dma_wait3A_220 = tpu.memref_slice %arg13[%add3A_36, %dma_wait3A_219] : memref<10240x128xf32, #tpu.memory_space<vmem_shared>> -> memref<128x128xf32, #tpu.memory_space<vmem_shared>>
      tpu.wait_dma2 semaphore(%run_scoped3A : memref<!tpu.dma_semaphore, #tpu.memory_space<semaphore_mem>>) src(%arg5 : memref<128x128xf32, #tpu.memory_space<vmem>>) dst(%dma_wait3A_220 : memref<128x128xf32, #tpu.memory_space<vmem_shared>>)
      tpu.yield
    }) : () -> ()
    %mul3A_37 = arith.constant 640 : i32
    %mul3A_38 = arith.muli %arg1, %mul3A_37 : i32
    %add3A_39 = arith.constant 512 : i32
    %add3A_40 = arith.addi %mul3A_38, %add3A_39 : i32
    "tpu.region"() ({
      %run_scoped3A = tpu.sem_alloc : memref<!tpu.dma_semaphore, #tpu.memory_space<semaphore_mem>>
      %dma_start3A_213 = arith.constant 0 : i32
      %dma_start3A_214 = tpu.memref_slice %arg13[%add3A_40, %dma_start3A_213] : memref<10240x128xf32, #tpu.memory_space<vmem_shared>> -> memref<128x128xf32, #tpu.memory_space<vmem_shared>>
      %dma_start3A_215 = arith.constant 0 : i32
      %dma_start3A_216 = tpu.memref_slice %arg13[%add3A_40, %dma_start3A_215] : memref<10240x128xf32, #tpu.memory_space<vmem_shared>> -> memref<128x128xf32, #tpu.memory_space<vmem_shared>>
      tpu.enqueue_dma source(%arg5 : memref<128x128xf32, #tpu.memory_space<vmem>>) target(%dma_start3A_216 : memref<128x128xf32, #tpu.memory_space<vmem_shared>>) target_semaphore(%run_scoped3A : memref<!tpu.dma_semaphore, #tpu.memory_space<semaphore_mem>>)
      %dma_wait3A_217 = arith.constant 0 : i32
      %dma_wait3A_218 = tpu.memref_slice %arg13[%add3A_40, %dma_wait3A_217] : memref<10240x128xf32, #tpu.memory_space<vmem_shared>> -> memref<128x128xf32, #tpu.memory_space<vmem_shared>>
      %dma_wait3A_219 = arith.constant 0 : i32
      %dma_wait3A_220 = tpu.memref_slice %arg13[%add3A_40, %dma_wait3A_219] : memref<10240x128xf32, #tpu.memory_space<vmem_shared>> -> memref<128x128xf32, #tpu.memory_space<vmem_shared>>
      tpu.wait_dma2 semaphore(%run_scoped3A : memref<!tpu.dma_semaphore, #tpu.memory_space<semaphore_mem>>) src(%arg5 : memref<128x128xf32, #tpu.memory_space<vmem>>) dst(%dma_wait3A_220 : memref<128x128xf32, #tpu.memory_space<vmem_shared>>)
      tpu.yield
    }) : () -> ()
    %barrier3A = arith.constant 0 : index
    tpu.barrier barrier_id(%barrier3A)
    %add3A_41 = arith.constant 0 : i32
    %add3A_42 = arith.addi %mul3A_2, %add3A_41 : i32
    %mul3A_43 = arith.constant 8 : i32
    %mul3A_44 = arith.muli %add3A_42, %mul3A_43 : i32
    %dma_start3A = tpu.memref_slice %arg3[%mul3A_44] : memref<2752512xf32, #tpu.memory_space<hbm>> -> memref<1024xf32, #tpu.memory_space<hbm>>
    %dma_start3A_45 = tpu.memref_slice %arg3[%mul3A_44] : memref<2752512xf32, #tpu.memory_space<hbm>> -> memref<1024xf32, #tpu.memory_space<hbm>>
    tpu.enqueue_dma source(%dma_start3A_45 : memref<1024xf32, #tpu.memory_space<hbm>>) target(%arg7 : memref<1024xf32, #tpu.memory_space<vmem>>) target_semaphore(%arg16 : memref<!tpu.dma_semaphore, #tpu.memory_space<semaphore_mem>>)
    %mul3A_46 = arith.constant 8 : i32
    %mul3A_47 = arith.muli %mul3A_2, %mul3A_46 : i32
    %dma_wait3A = tpu.memref_slice %arg3[%mul3A_47] : memref<2752512xf32, #tpu.memory_space<hbm>> -> memref<1024xf32, #tpu.memory_space<hbm>>
    %dma_wait3A_48 = tpu.memref_slice %arg3[%mul3A_47] : memref<2752512xf32, #tpu.memory_space<hbm>> -> memref<1024xf32, #tpu.memory_space<hbm>>
    tpu.wait_dma2 semaphore(%arg16 : memref<!tpu.dma_semaphore, #tpu.memory_space<semaphore_mem>>) src(%dma_wait3A_48 : memref<1024xf32, #tpu.memory_space<hbm>>) dst(%arg7 : memref<1024xf32, #tpu.memory_space<vmem>>)
    %add3A_49 = arith.constant 0 : i32
    %add3A_50 = vector.broadcast %add3A_49 : i32 to vector<16xi32>
    %add3A_51 = arith.addi %add3A_50, %iota3A : vector<16xi32>
    %mul3A_52 = arith.constant 8 : i32
    %mul3A_53 = vector.broadcast %mul3A_52 : i32 to vector<16xi32>
    %mul3A_54 = arith.muli %add3A_51, %mul3A_53 : vector<16xi32>
    %gather3A = tpu.vector_load_idx %arg7[%mul3A_54] : memref<1024xf32, #tpu.memory_space<vmem>>[vector<16xi32>], vector<16xf32>,
    %add3A_55 = arith.constant 1 : i32
    %add3A_56 = vector.broadcast %add3A_55 : i32 to vector<16xi32>
    %add3A_57 = arith.addi %mul3A_54, %add3A_56 : vector<16xi32>
    %gather3A_58 = tpu.vector_load_idx %arg7[%add3A_57] : memref<1024xf32, #tpu.memory_space<vmem>>[vector<16xi32>], vector<16xf32>,
    %bitcast3A = vector.bitcast %gather3A : vector<16xf32> to vector<16xi32>
    %swap3A = arith.constant 0 : index
    %swap3A_59 = tpu.vector_load %arg9[%swap3A] {strides = array<i32>} : memref<128xi32, #tpu.memory_space<vmem>>, vector<16xi32>,
    tpu.vector_store %arg9[%swap3A], %bitcast3A {strides = array<i32>} : memref<128xi32, #tpu.memory_space<vmem>>, vector<16xi32>,
    %bitcast3A_60 = vector.bitcast %gather3A_58 : vector<16xf32> to vector<16xi32>
    %swap3A_61 = arith.constant 0 : index
    %swap3A_62 = tpu.vector_load %arg11[%swap3A_61] {strides = array<i32>} : memref<128xi32, #tpu.memory_space<vmem>>, vector<16xi32>,
    tpu.vector_store %arg11[%swap3A_61], %bitcast3A_60 {strides = array<i32>} : memref<128xi32, #tpu.memory_space<vmem>>, vector<16xi32>,
    %add3A_63 = arith.constant 16 : i32
    %add3A_64 = vector.broadcast %add3A_63 : i32 to vector<16xi32>
    %add3A_65 = arith.addi %add3A_64, %iota3A : vector<16xi32>
    %mul3A_66 = arith.constant 8 : i32
    %mul3A_67 = vector.broadcast %mul3A_66 : i32 to vector<16xi32>
    %mul3A_68 = arith.muli %add3A_65, %mul3A_67 : vector<16xi32>
    %gather3A_69 = tpu.vector_load_idx %arg7[%mul3A_68] : memref<1024xf32, #tpu.memory_space<vmem>>[vector<16xi32>], vector<16xf32>,
    %add3A_70 = arith.constant 1 : i32
    %add3A_71 = vector.broadcast %add3A_70 : i32 to vector<16xi32>
    %add3A_72 = arith.addi %mul3A_68, %add3A_71 : vector<16xi32>
    %gather3A_73 = tpu.vector_load_idx %arg7[%add3A_72] : memref<1024xf32, #tpu.memory_space<vmem>>[vector<16xi32>], vector<16xf32>,
    %bitcast3A_74 = vector.bitcast %gather3A_69 : vector<16xf32> to vector<16xi32>
    %swap3A_75 = arith.constant 16 : index
    %swap3A_76 = tpu.vector_load %arg9[%swap3A_75] {strides = array<i32>} : memref<128xi32, #tpu.memory_space<vmem>>, vector<16xi32>,
    tpu.vector_store %arg9[%swap3A_75], %bitcast3A_74 {strides = array<i32>} : memref<128xi32, #tpu.memory_space<vmem>>, vector<16xi32>,
    %bitcast3A_77 = vector.bitcast %gather3A_73 : vector<16xf32> to vector<16xi32>
    %swap3A_78 = arith.constant 16 : index
    %swap3A_79 = tpu.vector_load %arg11[%swap3A_78] {strides = array<i32>} : memref<128xi32, #tpu.memory_space<vmem>>, vector<16xi32>,
    tpu.vector_store %arg11[%swap3A_78], %bitcast3A_77 {strides = array<i32>} : memref<128xi32, #tpu.memory_space<vmem>>, vector<16xi32>,
    %add3A_80 = arith.constant 32 : i32
    %add3A_81 = vector.broadcast %add3A_80 : i32 to vector<16xi32>
    %add3A_82 = arith.addi %add3A_81, %iota3A : vector<16xi32>
    %mul3A_83 = arith.constant 8 : i32
    %mul3A_84 = vector.broadcast %mul3A_83 : i32 to vector<16xi32>
    %mul3A_85 = arith.muli %add3A_82, %mul3A_84 : vector<16xi32>
    %gather3A_86 = tpu.vector_load_idx %arg7[%mul3A_85] : memref<1024xf32, #tpu.memory_space<vmem>>[vector<16xi32>], vector<16xf32>,
    %add3A_87 = arith.constant 1 : i32
    %add3A_88 = vector.broadcast %add3A_87 : i32 to vector<16xi32>
    %add3A_89 = arith.addi %mul3A_85, %add3A_88 : vector<16xi32>
    %gather3A_90 = tpu.vector_load_idx %arg7[%add3A_89] : memref<1024xf32, #tpu.memory_space<vmem>>[vector<16xi32>], vector<16xf32>,
    %bitcast3A_91 = vector.bitcast %gather3A_86 : vector<16xf32> to vector<16xi32>
    %swap3A_92 = arith.constant 32 : index
    %swap3A_93 = tpu.vector_load %arg9[%swap3A_92] {strides = array<i32>} : memref<128xi32, #tpu.memory_space<vmem>>, vector<16xi32>,
    tpu.vector_store %arg9[%swap3A_92], %bitcast3A_91 {strides = array<i32>} : memref<128xi32, #tpu.memory_space<vmem>>, vector<16xi32>,
    %bitcast3A_94 = vector.bitcast %gather3A_90 : vector<16xf32> to vector<16xi32>
    %swap3A_95 = arith.constant 32 : index
    %swap3A_96 = tpu.vector_load %arg11[%swap3A_95] {strides = array<i32>} : memref<128xi32, #tpu.memory_space<vmem>>, vector<16xi32>,
    tpu.vector_store %arg11[%swap3A_95], %bitcast3A_94 {strides = array<i32>} : memref<128xi32, #tpu.memory_space<vmem>>, vector<16xi32>,
    %add3A_97 = arith.constant 48 : i32
    %add3A_98 = vector.broadcast %add3A_97 : i32 to vector<16xi32>
    %add3A_99 = arith.addi %add3A_98, %iota3A : vector<16xi32>
    %mul3A_100 = arith.constant 8 : i32
    %mul3A_101 = vector.broadcast %mul3A_100 : i32 to vector<16xi32>
    %mul3A_102 = arith.muli %add3A_99, %mul3A_101 : vector<16xi32>
    %gather3A_103 = tpu.vector_load_idx %arg7[%mul3A_102] : memref<1024xf32, #tpu.memory_space<vmem>>[vector<16xi32>], vector<16xf32>,
    %add3A_104 = arith.constant 1 : i32
    %add3A_105 = vector.broadcast %add3A_104 : i32 to vector<16xi32>
    %add3A_106 = arith.addi %mul3A_102, %add3A_105 : vector<16xi32>
    %gather3A_107 = tpu.vector_load_idx %arg7[%add3A_106] : memref<1024xf32, #tpu.memory_space<vmem>>[vector<16xi32>], vector<16xf32>,
    %bitcast3A_108 = vector.bitcast %gather3A_103 : vector<16xf32> to vector<16xi32>
    %swap3A_109 = arith.constant 48 : index
    %swap3A_110 = tpu.vector_load %arg9[%swap3A_109] {strides = array<i32>} : memref<128xi32, #tpu.memory_space<vmem>>, vector<16xi32>,
    tpu.vector_store %arg9[%swap3A_109], %bitcast3A_108 {strides = array<i32>} : memref<128xi32, #tpu.memory_space<vmem>>, vector<16xi32>,
    %bitcast3A_111 = vector.bitcast %gather3A_107 : vector<16xf32> to vector<16xi32>
    %swap3A_112 = arith.constant 48 : index
    %swap3A_113 = tpu.vector_load %arg11[%swap3A_112] {strides = array<i32>} : memref<128xi32, #tpu.memory_space<vmem>>, vector<16xi32>,
    tpu.vector_store %arg11[%swap3A_112], %bitcast3A_111 {strides = array<i32>} : memref<128xi32, #tpu.memory_space<vmem>>, vector<16xi32>,
    %add3A_114 = arith.constant 64 : i32
    %add3A_115 = vector.broadcast %add3A_114 : i32 to vector<16xi32>
    %add3A_116 = arith.addi %add3A_115, %iota3A : vector<16xi32>
    %mul3A_117 = arith.constant 8 : i32
    %mul3A_118 = vector.broadcast %mul3A_117 : i32 to vector<16xi32>
    %mul3A_119 = arith.muli %add3A_116, %mul3A_118 : vector<16xi32>
    %gather3A_120 = tpu.vector_load_idx %arg7[%mul3A_119] : memref<1024xf32, #tpu.memory_space<vmem>>[vector<16xi32>], vector<16xf32>,
    %add3A_121 = arith.constant 1 : i32
    %add3A_122 = vector.broadcast %add3A_121 : i32 to vector<16xi32>
    %add3A_123 = arith.addi %mul3A_119, %add3A_122 : vector<16xi32>
    %gather3A_124 = tpu.vector_load_idx %arg7[%add3A_123] : memref<1024xf32, #tpu.memory_space<vmem>>[vector<16xi32>], vector<16xf32>,
    %bitcast3A_125 = vector.bitcast %gather3A_120 : vector<16xf32> to vector<16xi32>
    %swap3A_126 = arith.constant 64 : index
    %swap3A_127 = tpu.vector_load %arg9[%swap3A_126] {strides = array<i32>} : memref<128xi32, #tpu.memory_space<vmem>>, vector<16xi32>,
    tpu.vector_store %arg9[%swap3A_126], %bitcast3A_125 {strides = array<i32>} : memref<128xi32, #tpu.memory_space<vmem>>, vector<16xi32>,
    %bitcast3A_128 = vector.bitcast %gather3A_124 : vector<16xf32> to vector<16xi32>
    %swap3A_129 = arith.constant 64 : index
    %swap3A_130 = tpu.vector_load %arg11[%swap3A_129] {strides = array<i32>} : memref<128xi32, #tpu.memory_space<vmem>>, vector<16xi32>,
    tpu.vector_store %arg11[%swap3A_129], %bitcast3A_128 {strides = array<i32>} : memref<128xi32, #tpu.memory_space<vmem>>, vector<16xi32>,
    %add3A_131 = arith.constant 80 : i32
    %add3A_132 = vector.broadcast %add3A_131 : i32 to vector<16xi32>
    %add3A_133 = arith.addi %add3A_132, %iota3A : vector<16xi32>
    %mul3A_134 = arith.constant 8 : i32
    %mul3A_135 = vector.broadcast %mul3A_134 : i32 to vector<16xi32>
    %mul3A_136 = arith.muli %add3A_133, %mul3A_135 : vector<16xi32>
    %gather3A_137 = tpu.vector_load_idx %arg7[%mul3A_136] : memref<1024xf32, #tpu.memory_space<vmem>>[vector<16xi32>], vector<16xf32>,
    %add3A_138 = arith.constant 1 : i32
    %add3A_139 = vector.broadcast %add3A_138 : i32 to vector<16xi32>
    %add3A_140 = arith.addi %mul3A_136, %add3A_139 : vector<16xi32>
    %gather3A_141 = tpu.vector_load_idx %arg7[%add3A_140] : memref<1024xf32, #tpu.memory_space<vmem>>[vector<16xi32>], vector<16xf32>,
    %bitcast3A_142 = vector.bitcast %gather3A_137 : vector<16xf32> to vector<16xi32>
    %swap3A_143 = arith.constant 80 : index
    %swap3A_144 = tpu.vector_load %arg9[%swap3A_143] {strides = array<i32>} : memref<128xi32, #tpu.memory_space<vmem>>, vector<16xi32>,
    tpu.vector_store %arg9[%swap3A_143], %bitcast3A_142 {strides = array<i32>} : memref<128xi32, #tpu.memory_space<vmem>>, vector<16xi32>,
    %bitcast3A_145 = vector.bitcast %gather3A_141 : vector<16xf32> to vector<16xi32>
    %swap3A_146 = arith.constant 80 : index
    %swap3A_147 = tpu.vector_load %arg11[%swap3A_146] {strides = array<i32>} : memref<128xi32, #tpu.memory_space<vmem>>, vector<16xi32>,
    tpu.vector_store %arg11[%swap3A_146], %bitcast3A_145 {strides = array<i32>} : memref<128xi32, #tpu.memory_space<vmem>>, vector<16xi32>,
    %add3A_148 = arith.constant 96 : i32
    %add3A_149 = vector.broadcast %add3A_148 : i32 to vector<16xi32>
    %add3A_150 = arith.addi %add3A_149, %iota3A : vector<16xi32>
    %mul3A_151 = arith.constant 8 : i32
    %mul3A_152 = vector.broadcast %mul3A_151 : i32 to vector<16xi32>
    %mul3A_153 = arith.muli %add3A_150, %mul3A_152 : vector<16xi32>
    %gather3A_154 = tpu.vector_load_idx %arg7[%mul3A_153] : memref<1024xf32, #tpu.memory_space<vmem>>[vector<16xi32>], vector<16xf32>,
    %add3A_155 = arith.constant 1 : i32
    %add3A_156 = vector.broadcast %add3A_155 : i32 to vector<16xi32>
    %add3A_157 = arith.addi %mul3A_153, %add3A_156 : vector<16xi32>
    %gather3A_158 = tpu.vector_load_idx %arg7[%add3A_157] : memref<1024xf32, #tpu.memory_space<vmem>>[vector<16xi32>], vector<16xf32>,
    %bitcast3A_159 = vector.bitcast %gather3A_154 : vector<16xf32> to vector<16xi32>
    %swap3A_160 = arith.constant 96 : index
    %swap3A_161 = tpu.vector_load %arg9[%swap3A_160] {strides = array<i32>} : memref<128xi32, #tpu.memory_space<vmem>>, vector<16xi32>,
    tpu.vector_store %arg9[%swap3A_160], %bitcast3A_159 {strides = array<i32>} : memref<128xi32, #tpu.memory_space<vmem>>, vector<16xi32>,
    %bitcast3A_162 = vector.bitcast %gather3A_158 : vector<16xf32> to vector<16xi32>
    %swap3A_163 = arith.constant 96 : index
    %swap3A_164 = tpu.vector_load %arg11[%swap3A_163] {strides = array<i32>} : memref<128xi32, #tpu.memory_space<vmem>>, vector<16xi32>,
    tpu.vector_store %arg11[%swap3A_163], %bitcast3A_162 {strides = array<i32>} : memref<128xi32, #tpu.memory_space<vmem>>, vector<16xi32>,
    %add3A_165 = arith.constant 112 : i32
    %add3A_166 = vector.broadcast %add3A_165 : i32 to vector<16xi32>
    %add3A_167 = arith.addi %add3A_166, %iota3A : vector<16xi32>
    %mul3A_168 = arith.constant 8 : i32
    %mul3A_169 = vector.broadcast %mul3A_168 : i32 to vector<16xi32>
    %mul3A_170 = arith.muli %add3A_167, %mul3A_169 : vector<16xi32>
    %gather3A_171 = tpu.vector_load_idx %arg7[%mul3A_170] : memref<1024xf32, #tpu.memory_space<vmem>>[vector<16xi32>], vector<16xf32>,
    %add3A_172 = arith.constant 1 : i32
    %add3A_173 = vector.broadcast %add3A_172 : i32 to vector<16xi32>
    %add3A_174 = arith.addi %mul3A_170, %add3A_173 : vector<16xi32>
    %gather3A_175 = tpu.vector_load_idx %arg7[%add3A_174] : memref<1024xf32, #tpu.memory_space<vmem>>[vector<16xi32>], vector<16xf32>,
    %bitcast3A_176 = vector.bitcast %gather3A_171 : vector<16xf32> to vector<16xi32>
    %swap3A_177 = arith.constant 112 : index
    %swap3A_178 = tpu.vector_load %arg9[%swap3A_177] {strides = array<i32>} : memref<128xi32, #tpu.memory_space<vmem>>, vector<16xi32>,
    tpu.vector_store %arg9[%swap3A_177], %bitcast3A_176 {strides = array<i32>} : memref<128xi32, #tpu.memory_space<vmem>>, vector<16xi32>,
    %bitcast3A_179 = vector.bitcast %gather3A_175 : vector<16xf32> to vector<16xi32>
    %swap3A_180 = arith.constant 112 : index
    %swap3A_181 = tpu.vector_load %arg11[%swap3A_180] {strides = array<i32>} : memref<128xi32, #tpu.memory_space<vmem>>, vector<16xi32>,
    tpu.vector_store %arg11[%swap3A_180], %bitcast3A_179 {strides = array<i32>} : memref<128xi32, #tpu.memory_space<vmem>>, vector<16xi32>,
    %dma_start3A_182 = arith.constant 0 : i32
    %dma_start3A_183 = arith.constant 0 : i32
    %dma_start3A_184 = tpu.memref_slice %arg2[%dma_start3A_182, %dma_start3A_183] : memref<10000x128xf32, #tpu.memory_space<hbm>> -> memref<10000x128xf32, #tpu.memory_space<hbm>>
    tpu.enqueue_indirect_dma source(%dma_start3A_184 : memref<10000x128xf32, #tpu.memory_space<hbm>>) target(%arg5 : memref<128x128xf32, #tpu.memory_space<vmem>>) offsets(%arg9 : memref<128xi32, #tpu.memory_space<vmem>>) semaphore(%arg14 : memref<!tpu.dma_semaphore, #tpu.memory_space<semaphore_mem>>)
    %add3A_185 = arith.constant 128 : i32
    %add3A_186 = arith.addi %mul3A_2, %add3A_185 : i32
    %mul3A_187 = arith.constant 8 : i32
    %mul3A_188 = arith.muli %add3A_186, %mul3A_187 : i32
    %dma_start3A_189 = tpu.memref_slice %arg3[%mul3A_188] : memref<2752512xf32, #tpu.memory_space<hbm>> -> memref<1024xf32, #tpu.memory_space<hbm>>
    %dma_start3A_190 = tpu.memref_slice %arg3[%mul3A_188] : memref<2752512xf32, #tpu.memory_space<hbm>> -> memref<1024xf32, #tpu.memory_space<hbm>>
    tpu.enqueue_dma source(%dma_start3A_190 : memref<1024xf32, #tpu.memory_space<hbm>>) target(%arg8 : memref<1024xf32, #tpu.memory_space<vmem>>) target_semaphore(%arg17 : memref<!tpu.dma_semaphore, #tpu.memory_space<semaphore_mem>>)
    %scan3A_191 = arith.constant 0 : i32
    %scan3A_192 = arith.constant 0 : i32
    %scan3A_193 = arith.constant 42 : i32
    %scan3A_194 = arith.addi %scan3A_192, %scan3A_193 : i32
    %scan3A_195 = arith.constant 1 : i32
    %scan3A_196 = scf.for %scan3A_213 = %scan3A_192 to %scan3A_194 step %scan3A_195 iter_args(%scan3A_214 = %scan3A_191) -> (i32)  : i32 {
      %mul3A_215 = arith.constant 2 : i32
      %mul3A_216 = arith.muli %mul3A_215, %scan3A_213 : i32
      %add3A_217 = arith.constant 0 : i32
      %add3A_218 = arith.addi %mul3A_216, %add3A_217 : i32
      %dma_wait3A_219 = arith.constant 0 : i32
      %dma_wait3A_220 = arith.constant 0 : i32
      %dma_wait3A_221 = tpu.memref_slice %arg2[%dma_wait3A_219, %dma_wait3A_220] : memref<10000x128xf32, #tpu.memory_space<hbm>> -> memref<10000x128xf32, #tpu.memory_space<hbm>>
      tpu.wait_indirect_dma semaphore(%arg14 : memref<!tpu.dma_semaphore, #tpu.memory_space<semaphore_mem>>) src(%dma_wait3A_221 : memref<10000x128xf32, #tpu.memory_space<hbm>>) dst(%arg5 : memref<128x128xf32, #tpu.memory_space<vmem>>)
      %dma_wait3A_222 = arith.constant 0 : i32
      %dma_wait3A_223 = tpu.memref_slice %arg3[%dma_wait3A_222] : memref<2752512xf32, #tpu.memory_space<hbm>> -> memref<1024xf32, #tpu.memory_space<hbm>>
      %dma_wait3A_224 = arith.constant 0 : i32
      %dma_wait3A_225 = tpu.memref_slice %arg3[%dma_wait3A_224] : memref<2752512xf32, #tpu.memory_space<hbm>> -> memref<1024xf32, #tpu.memory_space<hbm>>
      tpu.wait_dma2 semaphore(%arg17 : memref<!tpu.dma_semaphore, #tpu.memory_space<semaphore_mem>>) src(%dma_wait3A_225 : memref<1024xf32, #tpu.memory_space<hbm>>) dst(%arg8 : memref<1024xf32, #tpu.memory_space<vmem>>)
      %gt3A = arith.constant 0 : i32
      %gt3A_226 = arith.cmpi sgt, %scan3A_213, %gt3A : i32
      %convert_element_type3A = arith.extui %gt3A_226 : i1 to i32
      %cond3A = arith.constant 0 : i32
      %cond3A_227 = arith.cmpi ne, %convert_element_type3A, %cond3A : i32
      scf.if %cond3A_227 {
        %dma_wait3A_562 = arith.constant 0 : i32
        %dma_wait3A_563 = arith.constant 0 : i32
        %dma_wait3A_564 = tpu.memref_slice %arg13[%dma_wait3A_562, %dma_wait3A_563] : memref<10240x128xf32, #tpu.memory_space<vmem_shared>> -> memref<10240x128xf32, #tpu.memory_space<vmem_shared>>
        tpu.wait_indirect_dma semaphore(%arg19 : memref<!tpu.dma_semaphore, #tpu.memory_space<semaphore_mem>>) src(%arg6 : memref<128x128xf32, #tpu.memory_space<vmem>>) dst(%dma_wait3A_564 : memref<10240x128xf32, #tpu.memory_space<vmem_shared>>)
      } else {
      }
      %add3A_228 = arith.constant 0 : i32
      %add3A_229 = vector.broadcast %add3A_228 : i32 to vector<16xi32>
      %add3A_230 = arith.addi %add3A_229, %iota3A : vector<16xi32>
      %mul3A_231 = arith.constant 8 : i32
      %mul3A_232 = vector.broadcast %mul3A_231 : i32 to vector<16xi32>
      %mul3A_233 = arith.muli %add3A_230, %mul3A_232 : vector<16xi32>
      %gather3A_234 = tpu.vector_load_idx %arg8[%mul3A_233] : memref<1024xf32, #tpu.memory_space<vmem>>[vector<16xi32>], vector<16xf32>,
      %add3A_235 = arith.constant 1 : i32
      %add3A_236 = vector.broadcast %add3A_235 : i32 to vector<16xi32>
      %add3A_237 = arith.addi %mul3A_233, %add3A_236 : vector<16xi32>
      %gather3A_238 = tpu.vector_load_idx %arg8[%add3A_237] : memref<1024xf32, #tpu.memory_space<vmem>>[vector<16xi32>], vector<16xf32>,
      %bitcast3A_239 = vector.bitcast %gather3A_234 : vector<16xf32> to vector<16xi32>
      %swap3A_240 = arith.constant 0 : index
      %swap3A_241 = tpu.vector_load %arg10[%swap3A_240] {strides = array<i32>} : memref<128xi32, #tpu.memory_space<vmem>>, vector<16xi32>,
      tpu.vector_store %arg10[%swap3A_240], %bitcast3A_239 {strides = array<i32>} : memref<128xi32, #tpu.memory_space<vmem>>, vector<16xi32>,
      %bitcast3A_242 = vector.bitcast %gather3A_238 : vector<16xf32> to vector<16xi32>
      %swap3A_243 = arith.constant 0 : index
      %swap3A_244 = tpu.vector_load %arg12[%swap3A_243] {strides = array<i32>} : memref<128xi32, #tpu.memory_space<vmem>>, vector<16xi32>,
      tpu.vector_store %arg12[%swap3A_243], %bitcast3A_242 {strides = array<i32>} : memref<128xi32, #tpu.memory_space<vmem>>, vector<16xi32>,
      %add3A_245 = arith.constant 16 : i32
      %add3A_246 = vector.broadcast %add3A_245 : i32 to vector<16xi32>
      %add3A_247 = arith.addi %add3A_246, %iota3A : vector<16xi32>
      %mul3A_248 = arith.constant 8 : i32
      %mul3A_249 = vector.broadcast %mul3A_248 : i32 to vector<16xi32>
      %mul3A_250 = arith.muli %add3A_247, %mul3A_249 : vector<16xi32>
      %gather3A_251 = tpu.vector_load_idx %arg8[%mul3A_250] : memref<1024xf32, #tpu.memory_space<vmem>>[vector<16xi32>], vector<16xf32>,
      %add3A_252 = arith.constant 1 : i32
      %add3A_253 = vector.broadcast %add3A_252 : i32 to vector<16xi32>
      %add3A_254 = arith.addi %mul3A_250, %add3A_253 : vector<16xi32>
      %gather3A_255 = tpu.vector_load_idx %arg8[%add3A_254] : memref<1024xf32, #tpu.memory_space<vmem>>[vector<16xi32>], vector<16xf32>,
      %bitcast3A_256 = vector.bitcast %gather3A_251 : vector<16xf32> to vector<16xi32>
      %swap3A_257 = arith.constant 16 : index
      %swap3A_258 = tpu.vector_load %arg10[%swap3A_257] {strides = array<i32>} : memref<128xi32, #tpu.memory_space<vmem>>, vector<16xi32>,
      tpu.vector_store %arg10[%swap3A_257], %bitcast3A_256 {strides = array<i32>} : memref<128xi32, #tpu.memory_space<vmem>>, vector<16xi32>,
      %bitcast3A_259 = vector.bitcast %gather3A_255 : vector<16xf32> to vector<16xi32>
      %swap3A_260 = arith.constant 16 : index
      %swap3A_261 = tpu.vector_load %arg12[%swap3A_260] {strides = array<i32>} : memref<128xi32, #tpu.memory_space<vmem>>, vector<16xi32>,
      tpu.vector_store %arg12[%swap3A_260], %bitcast3A_259 {strides = array<i32>} : memref<128xi32, #tpu.memory_space<vmem>>, vector<16xi32>,
      %add3A_262 = arith.constant 32 : i32
      %add3A_263 = vector.broadcast %add3A_262 : i32 to vector<16xi32>
      %add3A_264 = arith.addi %add3A_263, %iota3A : vector<16xi32>
      %mul3A_265 = arith.constant 8 : i32
      %mul3A_266 = vector.broadcast %mul3A_265 : i32 to vector<16xi32>
      %mul3A_267 = arith.muli %add3A_264, %mul3A_266 : vector<16xi32>
      %gather3A_268 = tpu.vector_load_idx %arg8[%mul3A_267] : memref<1024xf32, #tpu.memory_space<vmem>>[vector<16xi32>], vector<16xf32>,
      %add3A_269 = arith.constant 1 : i32
      %add3A_270 = vector.broadcast %add3A_269 : i32 to vector<16xi32>
      %add3A_271 = arith.addi %mul3A_267, %add3A_270 : vector<16xi32>
      %gather3A_272 = tpu.vector_load_idx %arg8[%add3A_271] : memref<1024xf32, #tpu.memory_space<vmem>>[vector<16xi32>], vector<16xf32>,
      %bitcast3A_273 = vector.bitcast %gather3A_268 : vector<16xf32> to vector<16xi32>
      %swap3A_274 = arith.constant 32 : index
      %swap3A_275 = tpu.vector_load %arg10[%swap3A_274] {strides = array<i32>} : memref<128xi32, #tpu.memory_space<vmem>>, vector<16xi32>,
      tpu.vector_store %arg10[%swap3A_274], %bitcast3A_273 {strides = array<i32>} : memref<128xi32, #tpu.memory_space<vmem>>, vector<16xi32>,
      %bitcast3A_276 = vector.bitcast %gather3A_272 : vector<16xf32> to vector<16xi32>
      %swap3A_277 = arith.constant 32 : index
      %swap3A_278 = tpu.vector_load %arg12[%swap3A_277] {strides = array<i32>} : memref<128xi32, #tpu.memory_space<vmem>>, vector<16xi32>,
      tpu.vector_store %arg12[%swap3A_277], %bitcast3A_276 {strides = array<i32>} : memref<128xi32, #tpu.memory_space<vmem>>, vector<16xi32>,
      %add3A_279 = arith.constant 48 : i32
      %add3A_280 = vector.broadcast %add3A_279 : i32 to vector<16xi32>
      %add3A_281 = arith.addi %add3A_280, %iota3A : vector<16xi32>
      %mul3A_282 = arith.constant 8 : i32
      %mul3A_283 = vector.broadcast %mul3A_282 : i32 to vector<16xi32>
      %mul3A_284 = arith.muli %add3A_281, %mul3A_283 : vector<16xi32>
      %gather3A_285 = tpu.vector_load_idx %arg8[%mul3A_284] : memref<1024xf32, #tpu.memory_space<vmem>>[vector<16xi32>], vector<16xf32>,
      %add3A_286 = arith.constant 1 : i32
      %add3A_287 = vector.broadcast %add3A_286 : i32 to vector<16xi32>
      %add3A_288 = arith.addi %mul3A_284, %add3A_287 : vector<16xi32>
      %gather3A_289 = tpu.vector_load_idx %arg8[%add3A_288] : memref<1024xf32, #tpu.memory_space<vmem>>[vector<16xi32>], vector<16xf32>,
      %bitcast3A_290 = vector.bitcast %gather3A_285 : vector<16xf32> to vector<16xi32>
      %swap3A_291 = arith.constant 48 : index
      %swap3A_292 = tpu.vector_load %arg10[%swap3A_291] {strides = array<i32>} : memref<128xi32, #tpu.memory_space<vmem>>, vector<16xi32>,
      tpu.vector_store %arg10[%swap3A_291], %bitcast3A_290 {strides = array<i32>} : memref<128xi32, #tpu.memory_space<vmem>>, vector<16xi32>,
      %bitcast3A_293 = vector.bitcast %gather3A_289 : vector<16xf32> to vector<16xi32>
      %swap3A_294 = arith.constant 48 : index
      %swap3A_295 = tpu.vector_load %arg12[%swap3A_294] {strides = array<i32>} : memref<128xi32, #tpu.memory_space<vmem>>, vector<16xi32>,
      tpu.vector_store %arg12[%swap3A_294], %bitcast3A_293 {strides = array<i32>} : memref<128xi32, #tpu.memory_space<vmem>>, vector<16xi32>,
      %add3A_296 = arith.constant 64 : i32
      %add3A_297 = vector.broadcast %add3A_296 : i32 to vector<16xi32>
      %add3A_298 = arith.addi %add3A_297, %iota3A : vector<16xi32>
      %mul3A_299 = arith.constant 8 : i32
      %mul3A_300 = vector.broadcast %mul3A_299 : i32 to vector<16xi32>
      %mul3A_301 = arith.muli %add3A_298, %mul3A_300 : vector<16xi32>
      %gather3A_302 = tpu.vector_load_idx %arg8[%mul3A_301] : memref<1024xf32, #tpu.memory_space<vmem>>[vector<16xi32>], vector<16xf32>,
      %add3A_303 = arith.constant 1 : i32
      %add3A_304 = vector.broadcast %add3A_303 : i32 to vector<16xi32>
      %add3A_305 = arith.addi %mul3A_301, %add3A_304 : vector<16xi32>
      %gather3A_306 = tpu.vector_load_idx %arg8[%add3A_305] : memref<1024xf32, #tpu.memory_space<vmem>>[vector<16xi32>], vector<16xf32>,
      %bitcast3A_307 = vector.bitcast %gather3A_302 : vector<16xf32> to vector<16xi32>
      %swap3A_308 = arith.constant 64 : index
      %swap3A_309 = tpu.vector_load %arg10[%swap3A_308] {strides = array<i32>} : memref<128xi32, #tpu.memory_space<vmem>>, vector<16xi32>,
      tpu.vector_store %arg10[%swap3A_308], %bitcast3A_307 {strides = array<i32>} : memref<128xi32, #tpu.memory_space<vmem>>, vector<16xi32>,
      %bitcast3A_310 = vector.bitcast %gather3A_306 : vector<16xf32> to vector<16xi32>
      %swap3A_311 = arith.constant 64 : index
      %swap3A_312 = tpu.vector_load %arg12[%swap3A_311] {strides = array<i32>} : memref<128xi32, #tpu.memory_space<vmem>>, vector<16xi32>,
      tpu.vector_store %arg12[%swap3A_311], %bitcast3A_310 {strides = array<i32>} : memref<128xi32, #tpu.memory_space<vmem>>, vector<16xi32>,
      %add3A_313 = arith.constant 80 : i32
      %add3A_314 = vector.broadcast %add3A_313 : i32 to vector<16xi32>
      %add3A_315 = arith.addi %add3A_314, %iota3A : vector<16xi32>
      %mul3A_316 = arith.constant 8 : i32
      %mul3A_317 = vector.broadcast %mul3A_316 : i32 to vector<16xi32>
      %mul3A_318 = arith.muli %add3A_315, %mul3A_317 : vector<16xi32>
      %gather3A_319 = tpu.vector_load_idx %arg8[%mul3A_318] : memref<1024xf32, #tpu.memory_space<vmem>>[vector<16xi32>], vector<16xf32>,
      %add3A_320 = arith.constant 1 : i32
      %add3A_321 = vector.broadcast %add3A_320 : i32 to vector<16xi32>
      %add3A_322 = arith.addi %mul3A_318, %add3A_321 : vector<16xi32>
      %gather3A_323 = tpu.vector_load_idx %arg8[%add3A_322] : memref<1024xf32, #tpu.memory_space<vmem>>[vector<16xi32>], vector<16xf32>,
      %bitcast3A_324 = vector.bitcast %gather3A_319 : vector<16xf32> to vector<16xi32>
      %swap3A_325 = arith.constant 80 : index
      %swap3A_326 = tpu.vector_load %arg10[%swap3A_325] {strides = array<i32>} : memref<128xi32, #tpu.memory_space<vmem>>, vector<16xi32>,
      tpu.vector_store %arg10[%swap3A_325], %bitcast3A_324 {strides = array<i32>} : memref<128xi32, #tpu.memory_space<vmem>>, vector<16xi32>,
      %bitcast3A_327 = vector.bitcast %gather3A_323 : vector<16xf32> to vector<16xi32>
      %swap3A_328 = arith.constant 80 : index
      %swap3A_329 = tpu.vector_load %arg12[%swap3A_328] {strides = array<i32>} : memref<128xi32, #tpu.memory_space<vmem>>, vector<16xi32>,
      tpu.vector_store %arg12[%swap3A_328], %bitcast3A_327 {strides = array<i32>} : memref<128xi32, #tpu.memory_space<vmem>>, vector<16xi32>,
      %add3A_330 = arith.constant 96 : i32
      %add3A_331 = vector.broadcast %add3A_330 : i32 to vector<16xi32>
      %add3A_332 = arith.addi %add3A_331, %iota3A : vector<16xi32>
      %mul3A_333 = arith.constant 8 : i32
      %mul3A_334 = vector.broadcast %mul3A_333 : i32 to vector<16xi32>
      %mul3A_335 = arith.muli %add3A_332, %mul3A_334 : vector<16xi32>
      %gather3A_336 = tpu.vector_load_idx %arg8[%mul3A_335] : memref<1024xf32, #tpu.memory_space<vmem>>[vector<16xi32>], vector<16xf32>,
      %add3A_337 = arith.constant 1 : i32
      %add3A_338 = vector.broadcast %add3A_337 : i32 to vector<16xi32>
      %add3A_339 = arith.addi %mul3A_335, %add3A_338 : vector<16xi32>
      %gather3A_340 = tpu.vector_load_idx %arg8[%add3A_339] : memref<1024xf32, #tpu.memory_space<vmem>>[vector<16xi32>], vector<16xf32>,
      %bitcast3A_341 = vector.bitcast %gather3A_336 : vector<16xf32> to vector<16xi32>
      %swap3A_342 = arith.constant 96 : index
      %swap3A_343 = tpu.vector_load %arg10[%swap3A_342] {strides = array<i32>} : memref<128xi32, #tpu.memory_space<vmem>>, vector<16xi32>,
      tpu.vector_store %arg10[%swap3A_342], %bitcast3A_341 {strides = array<i32>} : memref<128xi32, #tpu.memory_space<vmem>>, vector<16xi32>,
      %bitcast3A_344 = vector.bitcast %gather3A_340 : vector<16xf32> to vector<16xi32>
      %swap3A_345 = arith.constant 96 : index
      %swap3A_346 = tpu.vector_load %arg12[%swap3A_345] {strides = array<i32>} : memref<128xi32, #tpu.memory_space<vmem>>, vector<16xi32>,
      tpu.vector_store %arg12[%swap3A_345], %bitcast3A_344 {strides = array<i32>} : memref<128xi32, #tpu.memory_space<vmem>>, vector<16xi32>,
      %add3A_347 = arith.constant 112 : i32
      %add3A_348 = vector.broadcast %add3A_347 : i32 to vector<16xi32>
      %add3A_349 = arith.addi %add3A_348, %iota3A : vector<16xi32>
      %mul3A_350 = arith.constant 8 : i32
      %mul3A_351 = vector.broadcast %mul3A_350 : i32 to vector<16xi32>
      %mul3A_352 = arith.muli %add3A_349, %mul3A_351 : vector<16xi32>
      %gather3A_353 = tpu.vector_load_idx %arg8[%mul3A_352] : memref<1024xf32, #tpu.memory_space<vmem>>[vector<16xi32>], vector<16xf32>,
      %add3A_354 = arith.constant 1 : i32
      %add3A_355 = vector.broadcast %add3A_354 : i32 to vector<16xi32>
      %add3A_356 = arith.addi %mul3A_352, %add3A_355 : vector<16xi32>
      %gather3A_357 = tpu.vector_load_idx %arg8[%add3A_356] : memref<1024xf32, #tpu.memory_space<vmem>>[vector<16xi32>], vector<16xf32>,
      %bitcast3A_358 = vector.bitcast %gather3A_353 : vector<16xf32> to vector<16xi32>
      %swap3A_359 = arith.constant 112 : index
      %swap3A_360 = tpu.vector_load %arg10[%swap3A_359] {strides = array<i32>} : memref<128xi32, #tpu.memory_space<vmem>>, vector<16xi32>,
      tpu.vector_store %arg10[%swap3A_359], %bitcast3A_358 {strides = array<i32>} : memref<128xi32, #tpu.memory_space<vmem>>, vector<16xi32>,
      %bitcast3A_361 = vector.bitcast %gather3A_357 : vector<16xf32> to vector<16xi32>
      %swap3A_362 = arith.constant 112 : index
      %swap3A_363 = tpu.vector_load %arg12[%swap3A_362] {strides = array<i32>} : memref<128xi32, #tpu.memory_space<vmem>>, vector<16xi32>,
      tpu.vector_store %arg12[%swap3A_362], %bitcast3A_361 {strides = array<i32>} : memref<128xi32, #tpu.memory_space<vmem>>, vector<16xi32>,
      %dma_start3A_364 = arith.constant 0 : i32
      %dma_start3A_365 = arith.constant 0 : i32
      %dma_start3A_366 = tpu.memref_slice %arg2[%dma_start3A_364, %dma_start3A_365] : memref<10000x128xf32, #tpu.memory_space<hbm>> -> memref<10000x128xf32, #tpu.memory_space<hbm>>
      tpu.enqueue_indirect_dma source(%dma_start3A_366 : memref<10000x128xf32, #tpu.memory_space<hbm>>) target(%arg6 : memref<128x128xf32, #tpu.memory_space<vmem>>) offsets(%arg10 : memref<128xi32, #tpu.memory_space<vmem>>) semaphore(%arg15 : memref<!tpu.dma_semaphore, #tpu.memory_space<semaphore_mem>>)
      %scan3A_367 = arith.constant 0 : i32
      %scan3A_368 = arith.constant 0 : i32
      %scan3A_369 = arith.constant 32 : i32
      %scan3A_370 = arith.addi %scan3A_368, %scan3A_369 : i32
      %scan3A_371 = arith.constant 1 : i32
      %scan3A_372 = scf.for %scan3A_562 = %scan3A_368 to %scan3A_370 step %scan3A_371 iter_args(%scan3A_563 = %scan3A_367) -> (i32)  : i32 {
        %mul3A_564 = arith.constant 32 : i32
        %mul3A_565 = arith.muli %scan3A_562, %mul3A_564 : i32
        %add3A_566 = vector.broadcast %mul3A_565 : i32 to vector<16xi32>
        %add3A_567 = arith.addi %add3A_14, %add3A_566 : vector<16xi32>
        %gather3A_568 = tpu.vector_load_idx %arg7[%add3A_567] : memref<1024xf32, #tpu.memory_space<vmem>>[vector<16xi32>], vector<16xf32>,
        %mul3A_569 = arith.constant 4 : i32
        %mul3A_570 = arith.muli %scan3A_562, %mul3A_569 : i32
        %add3A_571 = arith.constant 0 : i32
        %add3A_572 = arith.addi %mul3A_570, %add3A_571 : i32
        %broadcast_in_dim3A_573 = arith.constant 0 : i32
        %broadcast_in_dim3A_574 = vector.broadcast %broadcast_in_dim3A_573 : i32 to vector<16xi32>
        %broadcast_in_dim3A_575 = vector.shape_cast %broadcast_in_dim3A_574 : vector<16xi32> to vector<16x1xi32>
        %gather3A_576 = vector.shape_cast %broadcast_in_dim3A_575 : vector<16x1xi32> to vector<16xi32>
        %gather3A_577 = tpu.dynamic_gather %gather3A_568[%gather3A_576] in [0] : vector<16xf32>, vector<16xi32> -> vector<16xf32>
        %get3A = arith.index_cast %add3A_572 : i32 to index
        %get3A_578 = arith.constant 0 : index
        %get3A_579 = tpu.vector_load %arg5[%get3A, %get3A_578] {strides = array<i32>} : memref<128x128xf32, #tpu.memory_space<vmem>>, vector<16xf32>,
        %mul3A_580 = arith.mulf %get3A_579, %gather3A_577 : vector<16xf32>
        %swap3A_581 = arith.index_cast %add3A_572 : i32 to index
        %swap3A_582 = arith.constant 0 : index
        %swap3A_583 = tpu.vector_load %arg5[%swap3A_581, %swap3A_582] {strides = array<i32>} : memref<128x128xf32, #tpu.memory_space<vmem>>, vector<16xf32>,
        tpu.vector_store %arg5[%swap3A_581, %swap3A_582], %mul3A_580 {strides = array<i32>} : memref<128x128xf32, #tpu.memory_space<vmem>>, vector<16xf32>,
        %get3A_584 = arith.index_cast %add3A_572 : i32 to index
        %get3A_585 = arith.constant 16 : index
        %get3A_586 = tpu.vector_load %arg5[%get3A_584, %get3A_585] {strides = array<i32>} : memref<128x128xf32, #tpu.memory_space<vmem>>, vector<16xf32>,
        %mul3A_587 = arith.mulf %get3A_586, %gather3A_577 : vector<16xf32>
        %swap3A_588 = arith.index_cast %add3A_572 : i32 to index
        %swap3A_589 = arith.constant 16 : index
        %swap3A_590 = tpu.vector_load %arg5[%swap3A_588, %swap3A_589] {strides = array<i32>} : memref<128x128xf32, #tpu.memory_space<vmem>>, vector<16xf32>,
        tpu.vector_store %arg5[%swap3A_588, %swap3A_589], %mul3A_587 {strides = array<i32>} : memref<128x128xf32, #tpu.memory_space<vmem>>, vector<16xf32>,
        %broadcast_in_dim3A_591 = arith.constant 1 : i32
        %broadcast_in_dim3A_592 = vector.broadcast %broadcast_in_dim3A_591 : i32 to vector<16xi32>
        %broadcast_in_dim3A_593 = vector.shape_cast %broadcast_in_dim3A_592 : vector<16xi32> to vector<16x1xi32>
        %gather3A_594 = vector.shape_cast %broadcast_in_dim3A_593 : vector<16x1xi32> to vector<16xi32>
        %gather3A_595 = tpu.dynamic_gather %gather3A_568[%gather3A_594] in [0] : vector<16xf32>, vector<16xi32> -> vector<16xf32>
        %get3A_596 = arith.index_cast %add3A_572 : i32 to index
        %get3A_597 = arith.constant 32 : index
        %get3A_598 = tpu.vector_load %arg5[%get3A_596, %get3A_597] {strides = array<i32>} : memref<128x128xf32, #tpu.memory_space<vmem>>, vector<16xf32>,
        %mul3A_599 = arith.mulf %get3A_598, %gather3A_595 : vector<16xf32>
        %swap3A_600 = arith.index_cast %add3A_572 : i32 to index
        %swap3A_601 = arith.constant 32 : index
        %swap3A_602 = tpu.vector_load %arg5[%swap3A_600, %swap3A_601] {strides = array<i32>} : memref<128x128xf32, #tpu.memory_space<vmem>>, vector<16xf32>,
        tpu.vector_store %arg5[%swap3A_600, %swap3A_601], %mul3A_599 {strides = array<i32>} : memref<128x128xf32, #tpu.memory_space<vmem>>, vector<16xf32>,
        %get3A_603 = arith.index_cast %add3A_572 : i32 to index
        %get3A_604 = arith.constant 48 : index
        %get3A_605 = tpu.vector_load %arg5[%get3A_603, %get3A_604] {strides = array<i32>} : memref<128x128xf32, #tpu.memory_space<vmem>>, vector<16xf32>,
        %mul3A_606 = arith.mulf %get3A_605, %gather3A_595 : vector<16xf32>
        %swap3A_607 = arith.index_cast %add3A_572 : i32 to index
        %swap3A_608 = arith.constant 48 : index
        %swap3A_609 = tpu.vector_load %arg5[%swap3A_607, %swap3A_608] {strides = array<i32>} : memref<128x128xf32, #tpu.memory_space<vmem>>, vector<16xf32>,
        tpu.vector_store %arg5[%swap3A_607, %swap3A_608], %mul3A_606 {strides = array<i32>} : memref<128x128xf32, #tpu.memory_space<vmem>>, vector<16xf32>,
        %broadcast_in_dim3A_610 = arith.constant 2 : i32
        %broadcast_in_dim3A_611 = vector.broadcast %broadcast_in_dim3A_610 : i32 to vector<16xi32>
        %broadcast_in_dim3A_612 = vector.shape_cast %broadcast_in_dim3A_611 : vector<16xi32> to vector<16x1xi32>
        %gather3A_613 = vector.shape_cast %broadcast_in_dim3A_612 : vector<16x1xi32> to vector<16xi32>
        %gather3A_614 = tpu.dynamic_gather %gather3A_568[%gather3A_613] in [0] : vector<16xf32>, vector<16xi32> -> vector<16xf32>
        %get3A_615 = arith.index_cast %add3A_572 : i32 to index
        %get3A_616 = arith.constant 64 : index
        %get3A_617 = tpu.vector_load %arg5[%get3A_615, %get3A_616] {strides = array<i32>} : memref<128x128xf32, #tpu.memory_space<vmem>>, vector<16xf32>,
        %mul3A_618 = arith.mulf %get3A_617, %gather3A_614 : vector<16xf32>
        %swap3A_619 = arith.index_cast %add3A_572 : i32 to index
        %swap3A_620 = arith.constant 64 : index
        %swap3A_621 = tpu.vector_load %arg5[%swap3A_619, %swap3A_620] {strides = array<i32>} : memref<128x128xf32, #tpu.memory_space<vmem>>, vector<16xf32>,
        tpu.vector_store %arg5[%swap3A_619, %swap3A_620], %mul3A_618 {strides = array<i32>} : memref<128x128xf32, #tpu.memory_space<vmem>>, vector<16xf32>,
        %get3A_622 = arith.index_cast %add3A_572 : i32 to index
        %get3A_623 = arith.constant 80 : index
        %get3A_624 = tpu.vector_load %arg5[%get3A_622, %get3A_623] {strides = array<i32>} : memref<128x128xf32, #tpu.memory_space<vmem>>, vector<16xf32>,
        %mul3A_625 = arith.mulf %get3A_624, %gather3A_614 : vector<16xf32>
        %swap3A_626 = arith.index_cast %add3A_572 : i32 to index
        %swap3A_627 = arith.constant 80 : index
        %swap3A_628 = tpu.vector_load %arg5[%swap3A_626, %swap3A_627] {strides = array<i32>} : memref<128x128xf32, #tpu.memory_space<vmem>>, vector<16xf32>,
        tpu.vector_store %arg5[%swap3A_626, %swap3A_627], %mul3A_625 {strides = array<i32>} : memref<128x128xf32, #tpu.memory_space<vmem>>, vector<16xf32>,
        %broadcast_in_dim3A_629 = arith.constant 3 : i32
        %broadcast_in_dim3A_630 = vector.broadcast %broadcast_in_dim3A_629 : i32 to vector<16xi32>
        %broadcast_in_dim3A_631 = vector.shape_cast %broadcast_in_dim3A_630 : vector<16xi32> to vector<16x1xi32>
        %gather3A_632 = vector.shape_cast %broadcast_in_dim3A_631 : vector<16x1xi32> to vector<16xi32>
        %gather3A_633 = tpu.dynamic_gather %gather3A_568[%gather3A_632] in [0] : vector<16xf32>, vector<16xi32> -> vector<16xf32>
        %get3A_634 = arith.index_cast %add3A_572 : i32 to index
        %get3A_635 = arith.constant 96 : index
        %get3A_636 = tpu.vector_load %arg5[%get3A_634, %get3A_635] {strides = array<i32>} : memref<128x128xf32, #tpu.memory_space<vmem>>, vector<16xf32>,
        %mul3A_637 = arith.mulf %get3A_636, %gather3A_633 : vector<16xf32>
        %swap3A_638 = arith.index_cast %add3A_572 : i32 to index
        %swap3A_639 = arith.constant 96 : index
        %swap3A_640 = tpu.vector_load %arg5[%swap3A_638, %swap3A_639] {strides = array<i32>} : memref<128x128xf32, #tpu.memory_space<vmem>>, vector<16xf32>,
        tpu.vector_store %arg5[%swap3A_638, %swap3A_639], %mul3A_637 {strides = array<i32>} : memref<128x128xf32, #tpu.memory_space<vmem>>, vector<16xf32>,
        %get3A_641 = arith.index_cast %add3A_572 : i32 to index
        %get3A_642 = arith.constant 112 : index
        %get3A_643 = tpu.vector_load %arg5[%get3A_641, %get3A_642] {strides = array<i32>} : memref<128x128xf32, #tpu.memory_space<vmem>>, vector<16xf32>,
        %mul3A_644 = arith.mulf %get3A_643, %gather3A_633 : vector<16xf32>
        %swap3A_645 = arith.index_cast %add3A_572 : i32 to index
        %swap3A_646 = arith.constant 112 : index
        %swap3A_647 = tpu.vector_load %arg5[%swap3A_645, %swap3A_646] {strides = array<i32>} : memref<128x128xf32, #tpu.memory_space<vmem>>, vector<16xf32>,
        tpu.vector_store %arg5[%swap3A_645, %swap3A_646], %mul3A_644 {strides = array<i32>} : memref<128x128xf32, #tpu.memory_space<vmem>>, vector<16xf32>,
        %mul3A_648 = arith.constant 4 : i32
        %mul3A_649 = arith.muli %scan3A_562, %mul3A_648 : i32
        %add3A_650 = arith.constant 1 : i32
        %add3A_651 = arith.addi %mul3A_649, %add3A_650 : i32
        %broadcast_in_dim3A_652 = arith.constant 4 : i32
        %broadcast_in_dim3A_653 = vector.broadcast %broadcast_in_dim3A_652 : i32 to vector<16xi32>
        %broadcast_in_dim3A_654 = vector.shape_cast %broadcast_in_dim3A_653 : vector<16xi32> to vector<16x1xi32>
        %gather3A_655 = vector.shape_cast %broadcast_in_dim3A_654 : vector<16x1xi32> to vector<16xi32>
        %gather3A_656 = tpu.dynamic_gather %gather3A_568[%gather3A_655] in [0] : vector<16xf32>, vector<16xi32> -> vector<16xf32>
        %get3A_657 = arith.index_cast %add3A_651 : i32 to index
        %get3A_658 = arith.constant 0 : index
        %get3A_659 = tpu.vector_load %arg5[%get3A_657, %get3A_658] {strides = array<i32>} : memref<128x128xf32, #tpu.memory_space<vmem>>, vector<16xf32>,
        %mul3A_660 = arith.mulf %get3A_659, %gather3A_656 : vector<16xf32>
        %swap3A_661 = arith.index_cast %add3A_651 : i32 to index
        %swap3A_662 = arith.constant 0 : index
        %swap3A_663 = tpu.vector_load %arg5[%swap3A_661, %swap3A_662] {strides = array<i32>} : memref<128x128xf32, #tpu.memory_space<vmem>>, vector<16xf32>,
        tpu.vector_store %arg5[%swap3A_661, %swap3A_662], %mul3A_660 {strides = array<i32>} : memref<128x128xf32, #tpu.memory_space<vmem>>, vector<16xf32>,
        %get3A_664 = arith.index_cast %add3A_651 : i32 to index
        %get3A_665 = arith.constant 16 : index
        %get3A_666 = tpu.vector_load %arg5[%get3A_664, %get3A_665] {strides = array<i32>} : memref<128x128xf32, #tpu.memory_space<vmem>>, vector<16xf32>,
        %mul3A_667 = arith.mulf %get3A_666, %gather3A_656 : vector<16xf32>
        %swap3A_668 = arith.index_cast %add3A_651 : i32 to index
        %swap3A_669 = arith.constant 16 : index
        %swap3A_670 = tpu.vector_load %arg5[%swap3A_668, %swap3A_669] {strides = array<i32>} : memref<128x128xf32, #tpu.memory_space<vmem>>, vector<16xf32>,
        tpu.vector_store %arg5[%swap3A_668, %swap3A_669], %mul3A_667 {strides = array<i32>} : memref<128x128xf32, #tpu.memory_space<vmem>>, vector<16xf32>,
        %broadcast_in_dim3A_671 = arith.constant 5 : i32
        %broadcast_in_dim3A_672 = vector.broadcast %broadcast_in_dim3A_671 : i32 to vector<16xi32>
        %broadcast_in_dim3A_673 = vector.shape_cast %broadcast_in_dim3A_672 : vector<16xi32> to vector<16x1xi32>
        %gather3A_674 = vector.shape_cast %broadcast_in_dim3A_673 : vector<16x1xi32> to vector<16xi32>
        %gather3A_675 = tpu.dynamic_gather %gather3A_568[%gather3A_674] in [0] : vector<16xf32>, vector<16xi32> -> vector<16xf32>
        %get3A_676 = arith.index_cast %add3A_651 : i32 to index
        %get3A_677 = arith.constant 32 : index
        %get3A_678 = tpu.vector_load %arg5[%get3A_676, %get3A_677] {strides = array<i32>} : memref<128x128xf32, #tpu.memory_space<vmem>>, vector<16xf32>,
        %mul3A_679 = arith.mulf %get3A_678, %gather3A_675 : vector<16xf32>
        %swap3A_680 = arith.index_cast %add3A_651 : i32 to index
        %swap3A_681 = arith.constant 32 : index
        %swap3A_682 = tpu.vector_load %arg5[%swap3A_680, %swap3A_681] {strides = array<i32>} : memref<128x128xf32, #tpu.memory_space<vmem>>, vector<16xf32>,
        tpu.vector_store %arg5[%swap3A_680, %swap3A_681], %mul3A_679 {strides = array<i32>} : memref<128x128xf32, #tpu.memory_space<vmem>>, vector<16xf32>,
        %get3A_683 = arith.index_cast %add3A_651 : i32 to index
        %get3A_684 = arith.constant 48 : index
        %get3A_685 = tpu.vector_load %arg5[%get3A_683, %get3A_684] {strides = array<i32>} : memref<128x128xf32, #tpu.memory_space<vmem>>, vector<16xf32>,
        %mul3A_686 = arith.mulf %get3A_685, %gather3A_675 : vector<16xf32>
        %swap3A_687 = arith.index_cast %add3A_651 : i32 to index
        %swap3A_688 = arith.constant 48 : index
        %swap3A_689 = tpu.vector_load %arg5[%swap3A_687, %swap3A_688] {strides = array<i32>} : memref<128x128xf32, #tpu.memory_space<vmem>>, vector<16xf32>,
        tpu.vector_store %arg5[%swap3A_687, %swap3A_688], %mul3A_686 {strides = array<i32>} : memref<128x128xf32, #tpu.memory_space<vmem>>, vector<16xf32>,
        %broadcast_in_dim3A_690 = arith.constant 6 : i32
        %broadcast_in_dim3A_691 = vector.broadcast %broadcast_in_dim3A_690 : i32 to vector<16xi32>
        %broadcast_in_dim3A_692 = vector.shape_cast %broadcast_in_dim3A_691 : vector<16xi32> to vector<16x1xi32>
        %gather3A_693 = vector.shape_cast %broadcast_in_dim3A_692 : vector<16x1xi32> to vector<16xi32>
        %gather3A_694 = tpu.dynamic_gather %gather3A_568[%gather3A_693] in [0] : vector<16xf32>, vector<16xi32> -> vector<16xf32>
        %get3A_695 = arith.index_cast %add3A_651 : i32 to index
        %get3A_696 = arith.constant 64 : index
        %get3A_697 = tpu.vector_load %arg5[%get3A_695, %get3A_696] {strides = array<i32>} : memref<128x128xf32, #tpu.memory_space<vmem>>, vector<16xf32>,
        %mul3A_698 = arith.mulf %get3A_697, %gather3A_694 : vector<16xf32>
        %swap3A_699 = arith.index_cast %add3A_651 : i32 to index
        %swap3A_700 = arith.constant 64 : index
        %swap3A_701 = tpu.vector_load %arg5[%swap3A_699, %swap3A_700] {strides = array<i32>} : memref<128x128xf32, #tpu.memory_space<vmem>>, vector<16xf32>,
        tpu.vector_store %arg5[%swap3A_699, %swap3A_700], %mul3A_698 {strides = array<i32>} : memref<128x128xf32, #tpu.memory_space<vmem>>, vector<16xf32>,
        %get3A_702 = arith.index_cast %add3A_651 : i32 to index
        %get3A_703 = arith.constant 80 : index
        %get3A_704 = tpu.vector_load %arg5[%get3A_702, %get3A_703] {strides = array<i32>} : memref<128x128xf32, #tpu.memory_space<vmem>>, vector<16xf32>,
        %mul3A_705 = arith.mulf %get3A_704, %gather3A_694 : vector<16xf32>
        %swap3A_706 = arith.index_cast %add3A_651 : i32 to index
        %swap3A_707 = arith.constant 80 : index
        %swap3A_708 = tpu.vector_load %arg5[%swap3A_706, %swap3A_707] {strides = array<i32>} : memref<128x128xf32, #tpu.memory_space<vmem>>, vector<16xf32>,
        tpu.vector_store %arg5[%swap3A_706, %swap3A_707], %mul3A_705 {strides = array<i32>} : memref<128x128xf32, #tpu.memory_space<vmem>>, vector<16xf32>,
        %broadcast_in_dim3A_709 = arith.constant 7 : i32
        %broadcast_in_dim3A_710 = vector.broadcast %broadcast_in_dim3A_709 : i32 to vector<16xi32>
        %broadcast_in_dim3A_711 = vector.shape_cast %broadcast_in_dim3A_710 : vector<16xi32> to vector<16x1xi32>
        %gather3A_712 = vector.shape_cast %broadcast_in_dim3A_711 : vector<16x1xi32> to vector<16xi32>
        %gather3A_713 = tpu.dynamic_gather %gather3A_568[%gather3A_712] in [0] : vector<16xf32>, vector<16xi32> -> vector<16xf32>
        %get3A_714 = arith.index_cast %add3A_651 : i32 to index
        %get3A_715 = arith.constant 96 : index
        %get3A_716 = tpu.vector_load %arg5[%get3A_714, %get3A_715] {strides = array<i32>} : memref<128x128xf32, #tpu.memory_space<vmem>>, vector<16xf32>,
        %mul3A_717 = arith.mulf %get3A_716, %gather3A_713 : vector<16xf32>
        %swap3A_718 = arith.index_cast %add3A_651 : i32 to index
        %swap3A_719 = arith.constant 96 : index
        %swap3A_720 = tpu.vector_load %arg5[%swap3A_718, %swap3A_719] {strides = array<i32>} : memref<128x128xf32, #tpu.memory_space<vmem>>, vector<16xf32>,
        tpu.vector_store %arg5[%swap3A_718, %swap3A_719], %mul3A_717 {strides = array<i32>} : memref<128x128xf32, #tpu.memory_space<vmem>>, vector<16xf32>,
        %get3A_721 = arith.index_cast %add3A_651 : i32 to index
        %get3A_722 = arith.constant 112 : index
        %get3A_723 = tpu.vector_load %arg5[%get3A_721, %get3A_722] {strides = array<i32>} : memref<128x128xf32, #tpu.memory_space<vmem>>, vector<16xf32>,
        %mul3A_724 = arith.mulf %get3A_723, %gather3A_713 : vector<16xf32>
        %swap3A_725 = arith.index_cast %add3A_651 : i32 to index
        %swap3A_726 = arith.constant 112 : index
        %swap3A_727 = tpu.vector_load %arg5[%swap3A_725, %swap3A_726] {strides = array<i32>} : memref<128x128xf32, #tpu.memory_space<vmem>>, vector<16xf32>,
        tpu.vector_store %arg5[%swap3A_725, %swap3A_726], %mul3A_724 {strides = array<i32>} : memref<128x128xf32, #tpu.memory_space<vmem>>, vector<16xf32>,
        %mul3A_728 = arith.constant 4 : i32
        %mul3A_729 = arith.muli %scan3A_562, %mul3A_728 : i32
        %add3A_730 = arith.constant 2 : i32
        %add3A_731 = arith.addi %mul3A_729, %add3A_730 : i32
        %broadcast_in_dim3A_732 = arith.constant 8 : i32
        %broadcast_in_dim3A_733 = vector.broadcast %broadcast_in_dim3A_732 : i32 to vector<16xi32>
        %broadcast_in_dim3A_734 = vector.shape_cast %broadcast_in_dim3A_733 : vector<16xi32> to vector<16x1xi32>
        %gather3A_735 = vector.shape_cast %broadcast_in_dim3A_734 : vector<16x1xi32> to vector<16xi32>
        %gather3A_736 = tpu.dynamic_gather %gather3A_568[%gather3A_735] in [0] : vector<16xf32>, vector<16xi32> -> vector<16xf32>
        %get3A_737 = arith.index_cast %add3A_731 : i32 to index
        %get3A_738 = arith.constant 0 : index
        %get3A_739 = tpu.vector_load %arg5[%get3A_737, %get3A_738] {strides = array<i32>} : memref<128x128xf32, #tpu.memory_space<vmem>>, vector<16xf32>,
        %mul3A_740 = arith.mulf %get3A_739, %gather3A_736 : vector<16xf32>
        %swap3A_741 = arith.index_cast %add3A_731 : i32 to index
        %swap3A_742 = arith.constant 0 : index
        %swap3A_743 = tpu.vector_load %arg5[%swap3A_741, %swap3A_742] {strides = array<i32>} : memref<128x128xf32, #tpu.memory_space<vmem>>, vector<16xf32>,
        tpu.vector_store %arg5[%swap3A_741, %swap3A_742], %mul3A_740 {strides = array<i32>} : memref<128x128xf32, #tpu.memory_space<vmem>>, vector<16xf32>,
        %get3A_744 = arith.index_cast %add3A_731 : i32 to index
        %get3A_745 = arith.constant 16 : index
        %get3A_746 = tpu.vector_load %arg5[%get3A_744, %get3A_745] {strides = array<i32>} : memref<128x128xf32, #tpu.memory_space<vmem>>, vector<16xf32>,
        %mul3A_747 = arith.mulf %get3A_746, %gather3A_736 : vector<16xf32>
        %swap3A_748 = arith.index_cast %add3A_731 : i32 to index
        %swap3A_749 = arith.constant 16 : index
        %swap3A_750 = tpu.vector_load %arg5[%swap3A_748, %swap3A_749] {strides = array<i32>} : memref<128x128xf32, #tpu.memory_space<vmem>>, vector<16xf32>,
        tpu.vector_store %arg5[%swap3A_748, %swap3A_749], %mul3A_747 {strides = array<i32>} : memref<128x128xf32, #tpu.memory_space<vmem>>, vector<16xf32>,
        %broadcast_in_dim3A_751 = arith.constant 9 : i32
        %broadcast_in_dim3A_752 = vector.broadcast %broadcast_in_dim3A_751 : i32 to vector<16xi32>
        %broadcast_in_dim3A_753 = vector.shape_cast %broadcast_in_dim3A_752 : vector<16xi32> to vector<16x1xi32>
        %gather3A_754 = vector.shape_cast %broadcast_in_dim3A_753 : vector<16x1xi32> to vector<16xi32>
        %gather3A_755 = tpu.dynamic_gather %gather3A_568[%gather3A_754] in [0] : vector<16xf32>, vector<16xi32> -> vector<16xf32>
        %get3A_756 = arith.index_cast %add3A_731 : i32 to index
        %get3A_757 = arith.constant 32 : index
        %get3A_758 = tpu.vector_load %arg5[%get3A_756, %get3A_757] {strides = array<i32>} : memref<128x128xf32, #tpu.memory_space<vmem>>, vector<16xf32>,
        %mul3A_759 = arith.mulf %get3A_758, %gather3A_755 : vector<16xf32>
        %swap3A_760 = arith.index_cast %add3A_731 : i32 to index
        %swap3A_761 = arith.constant 32 : index
        %swap3A_762 = tpu.vector_load %arg5[%swap3A_760, %swap3A_761] {strides = array<i32>} : memref<128x128xf32, #tpu.memory_space<vmem>>, vector<16xf32>,
        tpu.vector_store %arg5[%swap3A_760, %swap3A_761], %mul3A_759 {strides = array<i32>} : memref<128x128xf32, #tpu.memory_space<vmem>>, vector<16xf32>,
        %get3A_763 = arith.index_cast %add3A_731 : i32 to index
        %get3A_764 = arith.constant 48 : index
        %get3A_765 = tpu.vector_load %arg5[%get3A_763, %get3A_764] {strides = array<i32>} : memref<128x128xf32, #tpu.memory_space<vmem>>, vector<16xf32>,
        %mul3A_766 = arith.mulf %get3A_765, %gather3A_755 : vector<16xf32>
        %swap3A_767 = arith.index_cast %add3A_731 : i32 to index
        %swap3A_768 = arith.constant 48 : index
        %swap3A_769 = tpu.vector_load %arg5[%swap3A_767, %swap3A_768] {strides = array<i32>} : memref<128x128xf32, #tpu.memory_space<vmem>>, vector<16xf32>,
        tpu.vector_store %arg5[%swap3A_767, %swap3A_768], %mul3A_766 {strides = array<i32>} : memref<128x128xf32, #tpu.memory_space<vmem>>, vector<16xf32>,
        %broadcast_in_dim3A_770 = arith.constant 10 : i32
        %broadcast_in_dim3A_771 = vector.broadcast %broadcast_in_dim3A_770 : i32 to vector<16xi32>
        %broadcast_in_dim3A_772 = vector.shape_cast %broadcast_in_dim3A_771 : vector<16xi32> to vector<16x1xi32>
        %gather3A_773 = vector.shape_cast %broadcast_in_dim3A_772 : vector<16x1xi32> to vector<16xi32>
        %gather3A_774 = tpu.dynamic_gather %gather3A_568[%gather3A_773] in [0] : vector<16xf32>, vector<16xi32> -> vector<16xf32>
        %get3A_775 = arith.index_cast %add3A_731 : i32 to index
        %get3A_776 = arith.constant 64 : index
        %get3A_777 = tpu.vector_load %arg5[%get3A_775, %get3A_776] {strides = array<i32>} : memref<128x128xf32, #tpu.memory_space<vmem>>, vector<16xf32>,
        %mul3A_778 = arith.mulf %get3A_777, %gather3A_774 : vector<16xf32>
        %swap3A_779 = arith.index_cast %add3A_731 : i32 to index
        %swap3A_780 = arith.constant 64 : index
        %swap3A_781 = tpu.vector_load %arg5[%swap3A_779, %swap3A_780] {strides = array<i32>} : memref<128x128xf32, #tpu.memory_space<vmem>>, vector<16xf32>,
        tpu.vector_store %arg5[%swap3A_779, %swap3A_780], %mul3A_778 {strides = array<i32>} : memref<128x128xf32, #tpu.memory_space<vmem>>, vector<16xf32>,
        %get3A_782 = arith.index_cast %add3A_731 : i32 to index
        %get3A_783 = arith.constant 80 : index
        %get3A_784 = tpu.vector_load %arg5[%get3A_782, %get3A_783] {strides = array<i32>} : memref<128x128xf32, #tpu.memory_space<vmem>>, vector<16xf32>,
        %mul3A_785 = arith.mulf %get3A_784, %gather3A_774 : vector<16xf32>
        %swap3A_786 = arith.index_cast %add3A_731 : i32 to index
        %swap3A_787 = arith.constant 80 : index
        %swap3A_788 = tpu.vector_load %arg5[%swap3A_786, %swap3A_787] {strides = array<i32>} : memref<128x128xf32, #tpu.memory_space<vmem>>, vector<16xf32>,
        tpu.vector_store %arg5[%swap3A_786, %swap3A_787], %mul3A_785 {strides = array<i32>} : memref<128x128xf32, #tpu.memory_space<vmem>>, vector<16xf32>,
        %broadcast_in_dim3A_789 = arith.constant 11 : i32
        %broadcast_in_dim3A_790 = vector.broadcast %broadcast_in_dim3A_789 : i32 to vector<16xi32>
        %broadcast_in_dim3A_791 = vector.shape_cast %broadcast_in_dim3A_790 : vector<16xi32> to vector<16x1xi32>
        %gather3A_792 = vector.shape_cast %broadcast_in_dim3A_791 : vector<16x1xi32> to vector<16xi32>
        %gather3A_793 = tpu.dynamic_gather %gather3A_568[%gather3A_792] in [0] : vector<16xf32>, vector<16xi32> -> vector<16xf32>
        %get3A_794 = arith.index_cast %add3A_731 : i32 to index
        %get3A_795 = arith.constant 96 : index
        %get3A_796 = tpu.vector_load %arg5[%get3A_794, %get3A_795] {strides = array<i32>} : memref<128x128xf32, #tpu.memory_space<vmem>>, vector<16xf32>,
        %mul3A_797 = arith.mulf %get3A_796, %gather3A_793 : vector<16xf32>
        %swap3A_798 = arith.index_cast %add3A_731 : i32 to index
        %swap3A_799 = arith.constant 96 : index
        %swap3A_800 = tpu.vector_load %arg5[%swap3A_798, %swap3A_799] {strides = array<i32>} : memref<128x128xf32, #tpu.memory_space<vmem>>, vector<16xf32>,
        tpu.vector_store %arg5[%swap3A_798, %swap3A_799], %mul3A_797 {strides = array<i32>} : memref<128x128xf32, #tpu.memory_space<vmem>>, vector<16xf32>,
        %get3A_801 = arith.index_cast %add3A_731 : i32 to index
        %get3A_802 = arith.constant 112 : index
        %get3A_803 = tpu.vector_load %arg5[%get3A_801, %get3A_802] {strides = array<i32>} : memref<128x128xf32, #tpu.memory_space<vmem>>, vector<16xf32>,
        %mul3A_804 = arith.mulf %get3A_803, %gather3A_793 : vector<16xf32>
        %swap3A_805 = arith.index_cast %add3A_731 : i32 to index
        %swap3A_806 = arith.constant 112 : index
        %swap3A_807 = tpu.vector_load %arg5[%swap3A_805, %swap3A_806] {strides = array<i32>} : memref<128x128xf32, #tpu.memory_space<vmem>>, vector<16xf32>,
        tpu.vector_store %arg5[%swap3A_805, %swap3A_806], %mul3A_804 {strides = array<i32>} : memref<128x128xf32, #tpu.memory_space<vmem>>, vector<16xf32>,
        %mul3A_808 = arith.constant 4 : i32
        %mul3A_809 = arith.muli %scan3A_562, %mul3A_808 : i32
        %add3A_810 = arith.constant 3 : i32
        %add3A_811 = arith.addi %mul3A_809, %add3A_810 : i32
        %broadcast_in_dim3A_812 = arith.constant 12 : i32
        %broadcast_in_dim3A_813 = vector.broadcast %broadcast_in_dim3A_812 : i32 to vector<16xi32>
        %broadcast_in_dim3A_814 = vector.shape_cast %broadcast_in_dim3A_813 : vector<16xi32> to vector<16x1xi32>
        %gather3A_815 = vector.shape_cast %broadcast_in_dim3A_814 : vector<16x1xi32> to vector<16xi32>
        %gather3A_816 = tpu.dynamic_gather %gather3A_568[%gather3A_815] in [0] : vector<16xf32>, vector<16xi32> -> vector<16xf32>
        %get3A_817 = arith.index_cast %add3A_811 : i32 to index
        %get3A_818 = arith.constant 0 : index
        %get3A_819 = tpu.vector_load %arg5[%get3A_817, %get3A_818] {strides = array<i32>} : memref<128x128xf32, #tpu.memory_space<vmem>>, vector<16xf32>,
        %mul3A_820 = arith.mulf %get3A_819, %gather3A_816 : vector<16xf32>
        %swap3A_821 = arith.index_cast %add3A_811 : i32 to index
        %swap3A_822 = arith.constant 0 : index
        %swap3A_823 = tpu.vector_load %arg5[%swap3A_821, %swap3A_822] {strides = array<i32>} : memref<128x128xf32, #tpu.memory_space<vmem>>, vector<16xf32>,
        tpu.vector_store %arg5[%swap3A_821, %swap3A_822], %mul3A_820 {strides = array<i32>} : memref<128x128xf32, #tpu.memory_space<vmem>>, vector<16xf32>,
        %get3A_824 = arith.index_cast %add3A_811 : i32 to index
        %get3A_825 = arith.constant 16 : index
        %get3A_826 = tpu.vector_load %arg5[%get3A_824, %get3A_825] {strides = array<i32>} : memref<128x128xf32, #tpu.memory_space<vmem>>, vector<16xf32>,
        %mul3A_827 = arith.mulf %get3A_826, %gather3A_816 : vector<16xf32>
        %swap3A_828 = arith.index_cast %add3A_811 : i32 to index
        %swap3A_829 = arith.constant 16 : index
        %swap3A_830 = tpu.vector_load %arg5[%swap3A_828, %swap3A_829] {strides = array<i32>} : memref<128x128xf32, #tpu.memory_space<vmem>>, vector<16xf32>,
        tpu.vector_store %arg5[%swap3A_828, %swap3A_829], %mul3A_827 {strides = array<i32>} : memref<128x128xf32, #tpu.memory_space<vmem>>, vector<16xf32>,
        %broadcast_in_dim3A_831 = arith.constant 13 : i32
        %broadcast_in_dim3A_832 = vector.broadcast %broadcast_in_dim3A_831 : i32 to vector<16xi32>
        %broadcast_in_dim3A_833 = vector.shape_cast %broadcast_in_dim3A_832 : vector<16xi32> to vector<16x1xi32>
        %gather3A_834 = vector.shape_cast %broadcast_in_dim3A_833 : vector<16x1xi32> to vector<16xi32>
        %gather3A_835 = tpu.dynamic_gather %gather3A_568[%gather3A_834] in [0] : vector<16xf32>, vector<16xi32> -> vector<16xf32>
        %get3A_836 = arith.index_cast %add3A_811 : i32 to index
        %get3A_837 = arith.constant 32 : index
        %get3A_838 = tpu.vector_load %arg5[%get3A_836, %get3A_837] {strides = array<i32>} : memref<128x128xf32, #tpu.memory_space<vmem>>, vector<16xf32>,
        %mul3A_839 = arith.mulf %get3A_838, %gather3A_835 : vector<16xf32>
        %swap3A_840 = arith.index_cast %add3A_811 : i32 to index
        %swap3A_841 = arith.constant 32 : index
        %swap3A_842 = tpu.vector_load %arg5[%swap3A_840, %swap3A_841] {strides = array<i32>} : memref<128x128xf32, #tpu.memory_space<vmem>>, vector<16xf32>,
        tpu.vector_store %arg5[%swap3A_840, %swap3A_841], %mul3A_839 {strides = array<i32>} : memref<128x128xf32, #tpu.memory_space<vmem>>, vector<16xf32>,
        %get3A_843 = arith.index_cast %add3A_811 : i32 to index
        %get3A_844 = arith.constant 48 : index
        %get3A_845 = tpu.vector_load %arg5[%get3A_843, %get3A_844] {strides = array<i32>} : memref<128x128xf32, #tpu.memory_space<vmem>>, vector<16xf32>,
        %mul3A_846 = arith.mulf %get3A_845, %gather3A_835 : vector<16xf32>
        %swap3A_847 = arith.index_cast %add3A_811 : i32 to index
        %swap3A_848 = arith.constant 48 : index
        %swap3A_849 = tpu.vector_load %arg5[%swap3A_847, %swap3A_848] {strides = array<i32>} : memref<128x128xf32, #tpu.memory_space<vmem>>, vector<16xf32>,
        tpu.vector_store %arg5[%swap3A_847, %swap3A_848], %mul3A_846 {strides = array<i32>} : memref<128x128xf32, #tpu.memory_space<vmem>>, vector<16xf32>,
        %broadcast_in_dim3A_850 = arith.constant 14 : i32
        %broadcast_in_dim3A_851 = vector.broadcast %broadcast_in_dim3A_850 : i32 to vector<16xi32>
        %broadcast_in_dim3A_852 = vector.shape_cast %broadcast_in_dim3A_851 : vector<16xi32> to vector<16x1xi32>
        %gather3A_853 = vector.shape_cast %broadcast_in_dim3A_852 : vector<16x1xi32> to vector<16xi32>
        %gather3A_854 = tpu.dynamic_gather %gather3A_568[%gather3A_853] in [0] : vector<16xf32>, vector<16xi32> -> vector<16xf32>
        %get3A_855 = arith.index_cast %add3A_811 : i32 to index
        %get3A_856 = arith.constant 64 : index
        %get3A_857 = tpu.vector_load %arg5[%get3A_855, %get3A_856] {strides = array<i32>} : memref<128x128xf32, #tpu.memory_space<vmem>>, vector<16xf32>,
        %mul3A_858 = arith.mulf %get3A_857, %gather3A_854 : vector<16xf32>
        %swap3A_859 = arith.index_cast %add3A_811 : i32 to index
        %swap3A_860 = arith.constant 64 : index
        %swap3A_861 = tpu.vector_load %arg5[%swap3A_859, %swap3A_860] {strides = array<i32>} : memref<128x128xf32, #tpu.memory_space<vmem>>, vector<16xf32>,
        tpu.vector_store %arg5[%swap3A_859, %swap3A_860], %mul3A_858 {strides = array<i32>} : memref<128x128xf32, #tpu.memory_space<vmem>>, vector<16xf32>,
        %get3A_862 = arith.index_cast %add3A_811 : i32 to index
        %get3A_863 = arith.constant 80 : index
        %get3A_864 = tpu.vector_load %arg5[%get3A_862, %get3A_863] {strides = array<i32>} : memref<128x128xf32, #tpu.memory_space<vmem>>, vector<16xf32>,
        %mul3A_865 = arith.mulf %get3A_864, %gather3A_854 : vector<16xf32>
        %swap3A_866 = arith.index_cast %add3A_811 : i32 to index
        %swap3A_867 = arith.constant 80 : index
        %swap3A_868 = tpu.vector_load %arg5[%swap3A_866, %swap3A_867] {strides = array<i32>} : memref<128x128xf32, #tpu.memory_space<vmem>>, vector<16xf32>,
        tpu.vector_store %arg5[%swap3A_866, %swap3A_867], %mul3A_865 {strides = array<i32>} : memref<128x128xf32, #tpu.memory_space<vmem>>, vector<16xf32>,
        %broadcast_in_dim3A_869 = arith.constant 15 : i32
        %broadcast_in_dim3A_870 = vector.broadcast %broadcast_in_dim3A_869 : i32 to vector<16xi32>
        %broadcast_in_dim3A_871 = vector.shape_cast %broadcast_in_dim3A_870 : vector<16xi32> to vector<16x1xi32>
        %gather3A_872 = vector.shape_cast %broadcast_in_dim3A_871 : vector<16x1xi32> to vector<16xi32>
        %gather3A_873 = tpu.dynamic_gather %gather3A_568[%gather3A_872] in [0] : vector<16xf32>, vector<16xi32> -> vector<16xf32>
        %get3A_874 = arith.index_cast %add3A_811 : i32 to index
        %get3A_875 = arith.constant 96 : index
        %get3A_876 = tpu.vector_load %arg5[%get3A_874, %get3A_875] {strides = array<i32>} : memref<128x128xf32, #tpu.memory_space<vmem>>, vector<16xf32>,
        %mul3A_877 = arith.mulf %get3A_876, %gather3A_873 : vector<16xf32>
        %swap3A_878 = arith.index_cast %add3A_811 : i32 to index
        %swap3A_879 = arith.constant 96 : index
        %swap3A_880 = tpu.vector_load %arg5[%swap3A_878, %swap3A_879] {strides = array<i32>} : memref<128x128xf32, #tpu.memory_space<vmem>>, vector<16xf32>,
        tpu.vector_store %arg5[%swap3A_878, %swap3A_879], %mul3A_877 {strides = array<i32>} : memref<128x128xf32, #tpu.memory_space<vmem>>, vector<16xf32>,
        %get3A_881 = arith.index_cast %add3A_811 : i32 to index
        %get3A_882 = arith.constant 112 : index
        %get3A_883 = tpu.vector_load %arg5[%get3A_881, %get3A_882] {strides = array<i32>} : memref<128x128xf32, #tpu.memory_space<vmem>>, vector<16xf32>,
        %mul3A_884 = arith.mulf %get3A_883, %gather3A_873 : vector<16xf32>
        %swap3A_885 = arith.index_cast %add3A_811 : i32 to index
        %swap3A_886 = arith.constant 112 : index
        %swap3A_887 = tpu.vector_load %arg5[%swap3A_885, %swap3A_886] {strides = array<i32>} : memref<128x128xf32, #tpu.memory_space<vmem>>, vector<16xf32>,
        tpu.vector_store %arg5[%swap3A_885, %swap3A_886], %mul3A_884 {strides = array<i32>} : memref<128x128xf32, #tpu.memory_space<vmem>>, vector<16xf32>,
        %scan3A_888 = arith.constant 0 : i32
        scf.yield %scan3A_888 : i32
      }
      %scan3A_373 = arith.constant 32 : i32
      %add3A_374 = arith.constant 2 : i32
      %add3A_375 = arith.addi %add3A_218, %add3A_374 : i32
      %min3A = arith.constant 83 : i32
      %min3A_376 = arith.minsi %add3A_375, %min3A : i32
      %mul3A_377 = arith.constant 128 : i32
      %mul3A_378 = arith.muli %min3A_376, %mul3A_377 : i32
      %add3A_379 = arith.addi %mul3A_2, %mul3A_378 : i32
      %mul3A_380 = arith.constant 8 : i32
      %mul3A_381 = arith.muli %add3A_379, %mul3A_380 : i32
      %dma_start3A_382 = tpu.memref_slice %arg3[%mul3A_381] : memref<2752512xf32, #tpu.memory_space<hbm>> -> memref<1024xf32, #tpu.memory_space<hbm>>
      %dma_start3A_383 = tpu.memref_slice %arg3[%mul3A_381] : memref<2752512xf32, #tpu.memory_space<hbm>> -> memref<1024xf32, #tpu.memory_space<hbm>>
      tpu.enqueue_dma source(%dma_start3A_383 : memref<1024xf32, #tpu.memory_space<hbm>>) target(%arg7 : memref<1024xf32, #tpu.memory_space<vmem>>) target_semaphore(%arg16 : memref<!tpu.dma_semaphore, #tpu.memory_space<semaphore_mem>>)
      %dma_start3A_384 = arith.constant 0 : i32
      %dma_start3A_385 = arith.constant 0 : i32
      %dma_start3A_386 = tpu.memref_slice %arg13[%dma_start3A_384, %dma_start3A_385] : memref<10240x128xf32, #tpu.memory_space<vmem_shared>> -> memref<10240x128xf32, #tpu.memory_space<vmem_shared>>
      tpu.enqueue_indirect_dma source(%arg5 : memref<128x128xf32, #tpu.memory_space<vmem>>) target(%dma_start3A_386 : memref<10240x128xf32, #tpu.memory_space<vmem_shared>>) offsets(%arg11 : memref<128xi32, #tpu.memory_space<vmem>>) semaphore(%arg18 : memref<!tpu.dma_semaphore, #tpu.memory_space<semaphore_mem>>) {add = true}
      %mul3A_387 = arith.constant 2 : i32
      %mul3A_388 = arith.muli %mul3A_387, %scan3A_213 : i32
      %add3A_389 = arith.constant 1 : i32
      %add3A_390 = arith.addi %mul3A_388, %add3A_389 : i32
      %dma_wait3A_391 = arith.constant 0 : i32
      %dma_wait3A_392 = arith.constant 0 : i32
      %dma_wait3A_393 = tpu.memref_slice %arg2[%dma_wait3A_391, %dma_wait3A_392] : memref<10000x128xf32, #tpu.memory_space<hbm>> -> memref<10000x128xf32, #tpu.memory_space<hbm>>
      tpu.wait_indirect_dma semaphore(%arg15 : memref<!tpu.dma_semaphore, #tpu.memory_space<semaphore_mem>>) src(%dma_wait3A_393 : memref<10000x128xf32, #tpu.memory_space<hbm>>) dst(%arg6 : memref<128x128xf32, #tpu.memory_space<vmem>>)
      %dma_wait3A_394 = arith.constant 0 : i32
      %dma_wait3A_395 = tpu.memref_slice %arg3[%dma_wait3A_394] : memref<2752512xf32, #tpu.memory_space<hbm>> -> memref<1024xf32, #tpu.memory_space<hbm>>
      %dma_wait3A_396 = arith.constant 0 : i32
      %dma_wait3A_397 = tpu.memref_slice %arg3[%dma_wait3A_396] : memref<2752512xf32, #tpu.memory_space<hbm>> -> memref<1024xf32, #tpu.memory_space<hbm>>
      tpu.wait_dma2 semaphore(%arg16 : memref<!tpu.dma_semaphore, #tpu.memory_space<semaphore_mem>>) src(%dma_wait3A_397 : memref<1024xf32, #tpu.memory_space<hbm>>) dst(%arg7 : memref<1024xf32, #tpu.memory_space<vmem>>)
      %dma_wait3A_398 = arith.constant 0 : i32
      %dma_wait3A_399 = arith.constant 0 : i32
      %dma_wait3A_400 = tpu.memref_slice %arg13[%dma_wait3A_398, %dma_wait3A_399] : memref<10240x128xf32, #tpu.memory_space<vmem_shared>> -> memref<10240x128xf32, #tpu.memory_space<vmem_shared>>
      tpu.wait_indirect_dma semaphore(%arg18 : memref<!tpu.dma_semaphore, #tpu.memory_space<semaphore_mem>>) src(%arg5 : memref<128x128xf32, #tpu.memory_space<vmem>>) dst(%dma_wait3A_400 : memref<10240x128xf32, #tpu.memory_space<vmem_shared>>)
      %add3A_401 = arith.constant 0 : i32
      %add3A_402 = vector.broadcast %add3A_401 : i32 to vector<16xi32>
      %add3A_403 = arith.addi %add3A_402, %iota3A : vector<16xi32>
      %mul3A_404 = arith.constant 8 : i32
      %mul3A_405 = vector.broadcast %mul3A_404 : i32 to vector<16xi32>
      %mul3A_406 = arith.muli %add3A_403, %mul3A_405 : vector<16xi32>
      %gather3A_407 = tpu.vector_load_idx %arg7[%mul3A_406] : memref<1024xf32, #tpu.memory_space<vmem>>[vector<16xi32>], vector<16xf32>,
      %add3A_408 = arith.constant 1 : i32
      %add3A_409 = vector.broadcast %add3A_408 : i32 to vector<16xi32>
      %add3A_410 = arith.addi %mul3A_406, %add3A_409 : vector<16xi32>
      %gather3A_411 = tpu.vector_load_idx %arg7[%add3A_410] : memref<1024xf32, #tpu.memory_space<vmem>>[vector<16xi32>], vector<16xf32>,
      %bitcast3A_412 = vector.bitcast %gather3A_407 : vector<16xf32> to vector<16xi32>
      %swap3A_413 = arith.constant 0 : index
      %swap3A_414 = tpu.vector_load %arg9[%swap3A_413] {strides = array<i32>} : memref<128xi32, #tpu.memory_space<vmem>>, vector<16xi32>,
      tpu.vector_store %arg9[%swap3A_413], %bitcast3A_412 {strides = array<i32>} : memref<128xi32, #tpu.memory_space<vmem>>, vector<16xi32>,
      %bitcast3A_415 = vector.bitcast %gather3A_411 : vector<16xf32> to vector<16xi32>
      %swap3A_416 = arith.constant 0 : index
      %swap3A_417 = tpu.vector_load %arg11[%swap3A_416] {strides = array<i32>} : memref<128xi32, #tpu.memory_space<vmem>>, vector<16xi32>,
      tpu.vector_store %arg11[%swap3A_416], %bitcast3A_415 {strides = array<i32>} : memref<128xi32, #tpu.memory_space<vmem>>, vector<16xi32>,
      %add3A_418 = arith.constant 16 : i32
      %add3A_419 = vector.broadcast %add3A_418 : i32 to vector<16xi32>
      %add3A_420 = arith.addi %add3A_419, %iota3A : vector<16xi32>
      %mul3A_421 = arith.constant 8 : i32
      %mul3A_422 = vector.broadcast %mul3A_421 : i32 to vector<16xi32>
      %mul3A_423 = arith.muli %add3A_420, %mul3A_422 : vector<16xi32>
      %gather3A_424 = tpu.vector_load_idx %arg7[%mul3A_423] : memref<1024xf32, #tpu.memory_space<vmem>>[vector<16xi32>], vector<16xf32>,
      %add3A_425 = arith.constant 1 : i32
      %add3A_426 = vector.broadcast %add3A_425 : i32 to vector<16xi32>
      %add3A_427 = arith.addi %mul3A_423, %add3A_426 : vector<16xi32>
      %gather3A_428 = tpu.vector_load_idx %arg7[%add3A_427] : memref<1024xf32, #tpu.memory_space<vmem>>[vector<16xi32>], vector<16xf32>,
      %bitcast3A_429 = vector.bitcast %gather3A_424 : vector<16xf32> to vector<16xi32>
      %swap3A_430 = arith.constant 16 : index
      %swap3A_431 = tpu.vector_load %arg9[%swap3A_430] {strides = array<i32>} : memref<128xi32, #tpu.memory_space<vmem>>, vector<16xi32>,
      tpu.vector_store %arg9[%swap3A_430], %bitcast3A_429 {strides = array<i32>} : memref<128xi32, #tpu.memory_space<vmem>>, vector<16xi32>,
      %bitcast3A_432 = vector.bitcast %gather3A_428 : vector<16xf32> to vector<16xi32>
      %swap3A_433 = arith.constant 16 : index
      %swap3A_434 = tpu.vector_load %arg11[%swap3A_433] {strides = array<i32>} : memref<128xi32, #tpu.memory_space<vmem>>, vector<16xi32>,
      tpu.vector_store %arg11[%swap3A_433], %bitcast3A_432 {strides = array<i32>} : memref<128xi32, #tpu.memory_space<vmem>>, vector<16xi32>,
      %add3A_435 = arith.constant 32 : i32
      %add3A_436 = vector.broadcast %add3A_435 : i32 to vector<16xi32>
      %add3A_437 = arith.addi %add3A_436, %iota3A : vector<16xi32>
      %mul3A_438 = arith.constant 8 : i32
      %mul3A_439 = vector.broadcast %mul3A_438 : i32 to vector<16xi32>
      %mul3A_440 = arith.muli %add3A_437, %mul3A_439 : vector<16xi32>
      %gather3A_441 = tpu.vector_load_idx %arg7[%mul3A_440] : memref<1024xf32, #tpu.memory_space<vmem>>[vector<16xi32>], vector<16xf32>,
      %add3A_442 = arith.constant 1 : i32
      %add3A_443 = vector.broadcast %add3A_442 : i32 to vector<16xi32>
      %add3A_444 = arith.addi %mul3A_440, %add3A_443 : vector<16xi32>
      %gather3A_445 = tpu.vector_load_idx %arg7[%add3A_444] : memref<1024xf32, #tpu.memory_space<vmem>>[vector<16xi32>], vector<16xf32>,
      %bitcast3A_446 = vector.bitcast %gather3A_441 : vector<16xf32> to vector<16xi32>
      %swap3A_447 = arith.constant 32 : index
      %swap3A_448 = tpu.vector_load %arg9[%swap3A_447] {strides = array<i32>} : memref<128xi32, #tpu.memory_space<vmem>>, vector<16xi32>,
      tpu.vector_store %arg9[%swap3A_447], %bitcast3A_446 {strides = array<i32>} : memref<128xi32, #tpu.memory_space<vmem>>, vector<16xi32>,
      %bitcast3A_449 = vector.bitcast %gather3A_445 : vector<16xf32> to vector<16xi32>
      %swap3A_450 = arith.constant 32 : index
      %swap3A_451 = tpu.vector_load %arg11[%swap3A_450] {strides = array<i32>} : memref<128xi32, #tpu.memory_space<vmem>>, vector<16xi32>,
      tpu.vector_store %arg11[%swap3A_450], %bitcast3A_449 {strides = array<i32>} : memref<128xi32, #tpu.memory_space<vmem>>, vector<16xi32>,
      %add3A_452 = arith.constant 48 : i32
      %add3A_453 = vector.broadcast %add3A_452 : i32 to vector<16xi32>
      %add3A_454 = arith.addi %add3A_453, %iota3A : vector<16xi32>
      %mul3A_455 = arith.constant 8 : i32
      %mul3A_456 = vector.broadcast %mul3A_455 : i32 to vector<16xi32>
      %mul3A_457 = arith.muli %add3A_454, %mul3A_456 : vector<16xi32>
      %gather3A_458 = tpu.vector_load_idx %arg7[%mul3A_457] : memref<1024xf32, #tpu.memory_space<vmem>>[vector<16xi32>], vector<16xf32>,
      %add3A_459 = arith.constant 1 : i32
      %add3A_460 = vector.broadcast %add3A_459 : i32 to vector<16xi32>
      %add3A_461 = arith.addi %mul3A_457, %add3A_460 : vector<16xi32>
      %gather3A_462 = tpu.vector_load_idx %arg7[%add3A_461] : memref<1024xf32, #tpu.memory_space<vmem>>[vector<16xi32>], vector<16xf32>,
      %bitcast3A_463 = vector.bitcast %gather3A_458 : vector<16xf32> to vector<16xi32>
      %swap3A_464 = arith.constant 48 : index
      %swap3A_465 = tpu.vector_load %arg9[%swap3A_464] {strides = array<i32>} : memref<128xi32, #tpu.memory_space<vmem>>, vector<16xi32>,
      tpu.vector_store %arg9[%swap3A_464], %bitcast3A_463 {strides = array<i32>} : memref<128xi32, #tpu.memory_space<vmem>>, vector<16xi32>,
      %bitcast3A_466 = vector.bitcast %gather3A_462 : vector<16xf32> to vector<16xi32>
      %swap3A_467 = arith.constant 48 : index
      %swap3A_468 = tpu.vector_load %arg11[%swap3A_467] {strides = array<i32>} : memref<128xi32, #tpu.memory_space<vmem>>, vector<16xi32>,
      tpu.vector_store %arg11[%swap3A_467], %bitcast3A_466 {strides = array<i32>} : memref<128xi32, #tpu.memory_space<vmem>>, vector<16xi32>,
      %add3A_469 = arith.constant 64 : i32
      %add3A_470 = vector.broadcast %add3A_469 : i32 to vector<16xi32>
      %add3A_471 = arith.addi %add3A_470, %iota3A : vector<16xi32>
      %mul3A_472 = arith.constant 8 : i32
      %mul3A_473 = vector.broadcast %mul3A_472 : i32 to vector<16xi32>
      %mul3A_474 = arith.muli %add3A_471, %mul3A_473 : vector<16xi32>
      %gather3A_475 = tpu.vector_load_idx %arg7[%mul3A_474] : memref<1024xf32, #tpu.memory_space<vmem>>[vector<16xi32>], vector<16xf32>,
      %add3A_476 = arith.constant 1 : i32
      %add3A_477 = vector.broadcast %add3A_476 : i32 to vector<16xi32>
      %add3A_478 = arith.addi %mul3A_474, %add3A_477 : vector<16xi32>
      %gather3A_479 = tpu.vector_load_idx %arg7[%add3A_478] : memref<1024xf32, #tpu.memory_space<vmem>>[vector<16xi32>], vector<16xf32>,
      %bitcast3A_480 = vector.bitcast %gather3A_475 : vector<16xf32> to vector<16xi32>
      %swap3A_481 = arith.constant 64 : index
      %swap3A_482 = tpu.vector_load %arg9[%swap3A_481] {strides = array<i32>} : memref<128xi32, #tpu.memory_space<vmem>>, vector<16xi32>,
      tpu.vector_store %arg9[%swap3A_481], %bitcast3A_480 {strides = array<i32>} : memref<128xi32, #tpu.memory_space<vmem>>, vector<16xi32>,
      %bitcast3A_483 = vector.bitcast %gather3A_479 : vector<16xf32> to vector<16xi32>
      %swap3A_484 = arith.constant 64 : index
      %swap3A_485 = tpu.vector_load %arg11[%swap3A_484] {strides = array<i32>} : memref<128xi32, #tpu.memory_space<vmem>>, vector<16xi32>,
      tpu.vector_store %arg11[%swap3A_484], %bitcast3A_483 {strides = array<i32>} : memref<128xi32, #tpu.memory_space<vmem>>, vector<16xi32>,
      %add3A_486 = arith.constant 80 : i32
      %add3A_487 = vector.broadcast %add3A_486 : i32 to vector<16xi32>
      %add3A_488 = arith.addi %add3A_487, %iota3A : vector<16xi32>
      %mul3A_489 = arith.constant 8 : i32
      %mul3A_490 = vector.broadcast %mul3A_489 : i32 to vector<16xi32>
      %mul3A_491 = arith.muli %add3A_488, %mul3A_490 : vector<16xi32>
      %gather3A_492 = tpu.vector_load_idx %arg7[%mul3A_491] : memref<1024xf32, #tpu.memory_space<vmem>>[vector<16xi32>], vector<16xf32>,
      %add3A_493 = arith.constant 1 : i32
      %add3A_494 = vector.broadcast %add3A_493 : i32 to vector<16xi32>
      %add3A_495 = arith.addi %mul3A_491, %add3A_494 : vector<16xi32>
      %gather3A_496 = tpu.vector_load_idx %arg7[%add3A_495] : memref<1024xf32, #tpu.memory_space<vmem>>[vector<16xi32>], vector<16xf32>,
      %bitcast3A_497 = vector.bitcast %gather3A_492 : vector<16xf32> to vector<16xi32>
      %swap3A_498 = arith.constant 80 : index
      %swap3A_499 = tpu.vector_load %arg9[%swap3A_498] {strides = array<i32>} : memref<128xi32, #tpu.memory_space<vmem>>, vector<16xi32>,
      tpu.vector_store %arg9[%swap3A_498], %bitcast3A_497 {strides = array<i32>} : memref<128xi32, #tpu.memory_space<vmem>>, vector<16xi32>,
      %bitcast3A_500 = vector.bitcast %gather3A_496 : vector<16xf32> to vector<16xi32>
      %swap3A_501 = arith.constant 80 : index
      %swap3A_502 = tpu.vector_load %arg11[%swap3A_501] {strides = array<i32>} : memref<128xi32, #tpu.memory_space<vmem>>, vector<16xi32>,
      tpu.vector_store %arg11[%swap3A_501], %bitcast3A_500 {strides = array<i32>} : memref<128xi32, #tpu.memory_space<vmem>>, vector<16xi32>,
      %add3A_503 = arith.constant 96 : i32
      %add3A_504 = vector.broadcast %add3A_503 : i32 to vector<16xi32>
      %add3A_505 = arith.addi %add3A_504, %iota3A : vector<16xi32>
      %mul3A_506 = arith.constant 8 : i32
      %mul3A_507 = vector.broadcast %mul3A_506 : i32 to vector<16xi32>
      %mul3A_508 = arith.muli %add3A_505, %mul3A_507 : vector<16xi32>
      %gather3A_509 = tpu.vector_load_idx %arg7[%mul3A_508] : memref<1024xf32, #tpu.memory_space<vmem>>[vector<16xi32>], vector<16xf32>,
      %add3A_510 = arith.constant 1 : i32
      %add3A_511 = vector.broadcast %add3A_510 : i32 to vector<16xi32>
      %add3A_512 = arith.addi %mul3A_508, %add3A_511 : vector<16xi32>
      %gather3A_513 = tpu.vector_load_idx %arg7[%add3A_512] : memref<1024xf32, #tpu.memory_space<vmem>>[vector<16xi32>], vector<16xf32>,
      %bitcast3A_514 = vector.bitcast %gather3A_509 : vector<16xf32> to vector<16xi32>
      %swap3A_515 = arith.constant 96 : index
      %swap3A_516 = tpu.vector_load %arg9[%swap3A_515] {strides = array<i32>} : memref<128xi32, #tpu.memory_space<vmem>>, vector<16xi32>,
      tpu.vector_store %arg9[%swap3A_515], %bitcast3A_514 {strides = array<i32>} : memref<128xi32, #tpu.memory_space<vmem>>, vector<16xi32>,
      %bitcast3A_517 = vector.bitcast %gather3A_513 : vector<16xf32> to vector<16xi32>
      %swap3A_518 = arith.constant 96 : index
      %swap3A_519 = tpu.vector_load %arg11[%swap3A_518] {strides = array<i32>} : memref<128xi32, #tpu.memory_space<vmem>>, vector<16xi32>,
      tpu.vector_store %arg11[%swap3A_518], %bitcast3A_517 {strides = array<i32>} : memref<128xi32, #tpu.memory_space<vmem>>, vector<16xi32>,
      %add3A_520 = arith.constant 112 : i32
      %add3A_521 = vector.broadcast %add3A_520 : i32 to vector<16xi32>
      %add3A_522 = arith.addi %add3A_521, %iota3A : vector<16xi32>
      %mul3A_523 = arith.constant 8 : i32
      %mul3A_524 = vector.broadcast %mul3A_523 : i32 to vector<16xi32>
      %mul3A_525 = arith.muli %add3A_522, %mul3A_524 : vector<16xi32>
      %gather3A_526 = tpu.vector_load_idx %arg7[%mul3A_525] : memref<1024xf32, #tpu.memory_space<vmem>>[vector<16xi32>], vector<16xf32>,
      %add3A_527 = arith.constant 1 : i32
      %add3A_528 = vector.broadcast %add3A_527 : i32 to vector<16xi32>
      %add3A_529 = arith.addi %mul3A_525, %add3A_528 : vector<16xi32>
      %gather3A_530 = tpu.vector_load_idx %arg7[%add3A_529] : memref<1024xf32, #tpu.memory_space<vmem>>[vector<16xi32>], vector<16xf32>,
      %bitcast3A_531 = vector.bitcast %gather3A_526 : vector<16xf32> to vector<16xi32>
      %swap3A_532 = arith.constant 112 : index
      %swap3A_533 = tpu.vector_load %arg9[%swap3A_532] {strides = array<i32>} : memref<128xi32, #tpu.memory_space<vmem>>, vector<16xi32>,
      tpu.vector_store %arg9[%swap3A_532], %bitcast3A_531 {strides = array<i32>} : memref<128xi32, #tpu.memory_space<vmem>>, vector<16xi32>,
      %bitcast3A_534 = vector.bitcast %gather3A_530 : vector<16xf32> to vector<16xi32>
      %swap3A_535 = arith.constant 112 : index
      %swap3A_536 = tpu.vector_load %arg11[%swap3A_535] {strides = array<i32>} : memref<128xi32, #tpu.memory_space<vmem>>, vector<16xi32>,
      tpu.vector_store %arg11[%swap3A_535], %bitcast3A_534 {strides = array<i32>} : memref<128xi32, #tpu.memory_space<vmem>>, vector<16xi32>,
      %dma_start3A_537 = arith.constant 0 : i32
      %dma_start3A_538 = arith.constant 0 : i32
      %dma_start3A_539 = tpu.memref_slice %arg2[%dma_start3A_537, %dma_start3A_538] : memref<10000x128xf32, #tpu.memory_space<hbm>> -> memref<10000x128xf32, #tpu.memory_space<hbm>>
      tpu.enqueue_indirect_dma source(%dma_start3A_539 : memref<10000x128xf32, #tpu.memory_space<hbm>>) target(%arg5 : memref<128x128xf32, #tpu.memory_space<vmem>>) offsets(%arg9 : memref<128xi32, #tpu.memory_space<vmem>>) semaphore(%arg14 : memref<!tpu.dma_semaphore, #tpu.memory_space<semaphore_mem>>)
      %scan3A_540 = arith.constant 0 : i32
      %scan3A_541 = arith.constant 0 : i32
      %scan3A_542 = arith.constant 32 : i32
      %scan3A_543 = arith.addi %scan3A_541, %scan3A_542 : i32
      %scan3A_544 = arith.constant 1 : i32
      %scan3A_545 = scf.for %scan3A_562 = %scan3A_541 to %scan3A_543 step %scan3A_544 iter_args(%scan3A_563 = %scan3A_540) -> (i32)  : i32 {
        %mul3A_564 = arith.constant 32 : i32
        %mul3A_565 = arith.muli %scan3A_562, %mul3A_564 : i32
        %add3A_566 = vector.broadcast %mul3A_565 : i32 to vector<16xi32>
        %add3A_567 = arith.addi %add3A_14, %add3A_566 : vector<16xi32>
        %gather3A_568 = tpu.vector_load_idx %arg8[%add3A_567] : memref<1024xf32, #tpu.memory_space<vmem>>[vector<16xi32>], vector<16xf32>,
        %mul3A_569 = arith.constant 4 : i32
        %mul3A_570 = arith.muli %scan3A_562, %mul3A_569 : i32
        %add3A_571 = arith.constant 0 : i32
        %add3A_572 = arith.addi %mul3A_570, %add3A_571 : i32
        %broadcast_in_dim3A_573 = arith.constant 0 : i32
        %broadcast_in_dim3A_574 = vector.broadcast %broadcast_in_dim3A_573 : i32 to vector<16xi32>
        %broadcast_in_dim3A_575 = vector.shape_cast %broadcast_in_dim3A_574 : vector<16xi32> to vector<16x1xi32>
        %gather3A_576 = vector.shape_cast %broadcast_in_dim3A_575 : vector<16x1xi32> to vector<16xi32>
        %gather3A_577 = tpu.dynamic_gather %gather3A_568[%gather3A_576] in [0] : vector<16xf32>, vector<16xi32> -> vector<16xf32>
        %get3A = arith.index_cast %add3A_572 : i32 to index
        %get3A_578 = arith.constant 0 : index
        %get3A_579 = tpu.vector_load %arg6[%get3A, %get3A_578] {strides = array<i32>} : memref<128x128xf32, #tpu.memory_space<vmem>>, vector<16xf32>,
        %mul3A_580 = arith.mulf %get3A_579, %gather3A_577 : vector<16xf32>
        %swap3A_581 = arith.index_cast %add3A_572 : i32 to index
        %swap3A_582 = arith.constant 0 : index
        %swap3A_583 = tpu.vector_load %arg6[%swap3A_581, %swap3A_582] {strides = array<i32>} : memref<128x128xf32, #tpu.memory_space<vmem>>, vector<16xf32>,
        tpu.vector_store %arg6[%swap3A_581, %swap3A_582], %mul3A_580 {strides = array<i32>} : memref<128x128xf32, #tpu.memory_space<vmem>>, vector<16xf32>,
        %get3A_584 = arith.index_cast %add3A_572 : i32 to index
        %get3A_585 = arith.constant 16 : index
        %get3A_586 = tpu.vector_load %arg6[%get3A_584, %get3A_585] {strides = array<i32>} : memref<128x128xf32, #tpu.memory_space<vmem>>, vector<16xf32>,
        %mul3A_587 = arith.mulf %get3A_586, %gather3A_577 : vector<16xf32>
        %swap3A_588 = arith.index_cast %add3A_572 : i32 to index
        %swap3A_589 = arith.constant 16 : index
        %swap3A_590 = tpu.vector_load %arg6[%swap3A_588, %swap3A_589] {strides = array<i32>} : memref<128x128xf32, #tpu.memory_space<vmem>>, vector<16xf32>,
        tpu.vector_store %arg6[%swap3A_588, %swap3A_589], %mul3A_587 {strides = array<i32>} : memref<128x128xf32, #tpu.memory_space<vmem>>, vector<16xf32>,
        %broadcast_in_dim3A_591 = arith.constant 1 : i32
        %broadcast_in_dim3A_592 = vector.broadcast %broadcast_in_dim3A_591 : i32 to vector<16xi32>
        %broadcast_in_dim3A_593 = vector.shape_cast %broadcast_in_dim3A_592 : vector<16xi32> to vector<16x1xi32>
        %gather3A_594 = vector.shape_cast %broadcast_in_dim3A_593 : vector<16x1xi32> to vector<16xi32>
        %gather3A_595 = tpu.dynamic_gather %gather3A_568[%gather3A_594] in [0] : vector<16xf32>, vector<16xi32> -> vector<16xf32>
        %get3A_596 = arith.index_cast %add3A_572 : i32 to index
        %get3A_597 = arith.constant 32 : index
        %get3A_598 = tpu.vector_load %arg6[%get3A_596, %get3A_597] {strides = array<i32>} : memref<128x128xf32, #tpu.memory_space<vmem>>, vector<16xf32>,
        %mul3A_599 = arith.mulf %get3A_598, %gather3A_595 : vector<16xf32>
        %swap3A_600 = arith.index_cast %add3A_572 : i32 to index
        %swap3A_601 = arith.constant 32 : index
        %swap3A_602 = tpu.vector_load %arg6[%swap3A_600, %swap3A_601] {strides = array<i32>} : memref<128x128xf32, #tpu.memory_space<vmem>>, vector<16xf32>,
        tpu.vector_store %arg6[%swap3A_600, %swap3A_601], %mul3A_599 {strides = array<i32>} : memref<128x128xf32, #tpu.memory_space<vmem>>, vector<16xf32>,
        %get3A_603 = arith.index_cast %add3A_572 : i32 to index
        %get3A_604 = arith.constant 48 : index
        %get3A_605 = tpu.vector_load %arg6[%get3A_603, %get3A_604] {strides = array<i32>} : memref<128x128xf32, #tpu.memory_space<vmem>>, vector<16xf32>,
        %mul3A_606 = arith.mulf %get3A_605, %gather3A_595 : vector<16xf32>
        %swap3A_607 = arith.index_cast %add3A_572 : i32 to index
        %swap3A_608 = arith.constant 48 : index
        %swap3A_609 = tpu.vector_load %arg6[%swap3A_607, %swap3A_608] {strides = array<i32>} : memref<128x128xf32, #tpu.memory_space<vmem>>, vector<16xf32>,
        tpu.vector_store %arg6[%swap3A_607, %swap3A_608], %mul3A_606 {strides = array<i32>} : memref<128x128xf32, #tpu.memory_space<vmem>>, vector<16xf32>,
        %broadcast_in_dim3A_610 = arith.constant 2 : i32
        %broadcast_in_dim3A_611 = vector.broadcast %broadcast_in_dim3A_610 : i32 to vector<16xi32>
        %broadcast_in_dim3A_612 = vector.shape_cast %broadcast_in_dim3A_611 : vector<16xi32> to vector<16x1xi32>
        %gather3A_613 = vector.shape_cast %broadcast_in_dim3A_612 : vector<16x1xi32> to vector<16xi32>
        %gather3A_614 = tpu.dynamic_gather %gather3A_568[%gather3A_613] in [0] : vector<16xf32>, vector<16xi32> -> vector<16xf32>
        %get3A_615 = arith.index_cast %add3A_572 : i32 to index
        %get3A_616 = arith.constant 64 : index
        %get3A_617 = tpu.vector_load %arg6[%get3A_615, %get3A_616] {strides = array<i32>} : memref<128x128xf32, #tpu.memory_space<vmem>>, vector<16xf32>,
        %mul3A_618 = arith.mulf %get3A_617, %gather3A_614 : vector<16xf32>
        %swap3A_619 = arith.index_cast %add3A_572 : i32 to index
        %swap3A_620 = arith.constant 64 : index
        %swap3A_621 = tpu.vector_load %arg6[%swap3A_619, %swap3A_620] {strides = array<i32>} : memref<128x128xf32, #tpu.memory_space<vmem>>, vector<16xf32>,
        tpu.vector_store %arg6[%swap3A_619, %swap3A_620], %mul3A_618 {strides = array<i32>} : memref<128x128xf32, #tpu.memory_space<vmem>>, vector<16xf32>,
        %get3A_622 = arith.index_cast %add3A_572 : i32 to index
        %get3A_623 = arith.constant 80 : index
        %get3A_624 = tpu.vector_load %arg6[%get3A_622, %get3A_623] {strides = array<i32>} : memref<128x128xf32, #tpu.memory_space<vmem>>, vector<16xf32>,
        %mul3A_625 = arith.mulf %get3A_624, %gather3A_614 : vector<16xf32>
        %swap3A_626 = arith.index_cast %add3A_572 : i32 to index
        %swap3A_627 = arith.constant 80 : index
        %swap3A_628 = tpu.vector_load %arg6[%swap3A_626, %swap3A_627] {strides = array<i32>} : memref<128x128xf32, #tpu.memory_space<vmem>>, vector<16xf32>,
        tpu.vector_store %arg6[%swap3A_626, %swap3A_627], %mul3A_625 {strides = array<i32>} : memref<128x128xf32, #tpu.memory_space<vmem>>, vector<16xf32>,
        %broadcast_in_dim3A_629 = arith.constant 3 : i32
        %broadcast_in_dim3A_630 = vector.broadcast %broadcast_in_dim3A_629 : i32 to vector<16xi32>
        %broadcast_in_dim3A_631 = vector.shape_cast %broadcast_in_dim3A_630 : vector<16xi32> to vector<16x1xi32>
        %gather3A_632 = vector.shape_cast %broadcast_in_dim3A_631 : vector<16x1xi32> to vector<16xi32>
        %gather3A_633 = tpu.dynamic_gather %gather3A_568[%gather3A_632] in [0] : vector<16xf32>, vector<16xi32> -> vector<16xf32>
        %get3A_634 = arith.index_cast %add3A_572 : i32 to index
        %get3A_635 = arith.constant 96 : index
        %get3A_636 = tpu.vector_load %arg6[%get3A_634, %get3A_635] {strides = array<i32>} : memref<128x128xf32, #tpu.memory_space<vmem>>, vector<16xf32>,
        %mul3A_637 = arith.mulf %get3A_636, %gather3A_633 : vector<16xf32>
        %swap3A_638 = arith.index_cast %add3A_572 : i32 to index
        %swap3A_639 = arith.constant 96 : index
        %swap3A_640 = tpu.vector_load %arg6[%swap3A_638, %swap3A_639] {strides = array<i32>} : memref<128x128xf32, #tpu.memory_space<vmem>>, vector<16xf32>,
        tpu.vector_store %arg6[%swap3A_638, %swap3A_639], %mul3A_637 {strides = array<i32>} : memref<128x128xf32, #tpu.memory_space<vmem>>, vector<16xf32>,
        %get3A_641 = arith.index_cast %add3A_572 : i32 to index
        %get3A_642 = arith.constant 112 : index
        %get3A_643 = tpu.vector_load %arg6[%get3A_641, %get3A_642] {strides = array<i32>} : memref<128x128xf32, #tpu.memory_space<vmem>>, vector<16xf32>,
        %mul3A_644 = arith.mulf %get3A_643, %gather3A_633 : vector<16xf32>
        %swap3A_645 = arith.index_cast %add3A_572 : i32 to index
        %swap3A_646 = arith.constant 112 : index
        %swap3A_647 = tpu.vector_load %arg6[%swap3A_645, %swap3A_646] {strides = array<i32>} : memref<128x128xf32, #tpu.memory_space<vmem>>, vector<16xf32>,
        tpu.vector_store %arg6[%swap3A_645, %swap3A_646], %mul3A_644 {strides = array<i32>} : memref<128x128xf32, #tpu.memory_space<vmem>>, vector<16xf32>,
        %mul3A_648 = arith.constant 4 : i32
        %mul3A_649 = arith.muli %scan3A_562, %mul3A_648 : i32
        %add3A_650 = arith.constant 1 : i32
        %add3A_651 = arith.addi %mul3A_649, %add3A_650 : i32
        %broadcast_in_dim3A_652 = arith.constant 4 : i32
        %broadcast_in_dim3A_653 = vector.broadcast %broadcast_in_dim3A_652 : i32 to vector<16xi32>
        %broadcast_in_dim3A_654 = vector.shape_cast %broadcast_in_dim3A_653 : vector<16xi32> to vector<16x1xi32>
        %gather3A_655 = vector.shape_cast %broadcast_in_dim3A_654 : vector<16x1xi32> to vector<16xi32>
        %gather3A_656 = tpu.dynamic_gather %gather3A_568[%gather3A_655] in [0] : vector<16xf32>, vector<16xi32> -> vector<16xf32>
        %get3A_657 = arith.index_cast %add3A_651 : i32 to index
        %get3A_658 = arith.constant 0 : index
        %get3A_659 = tpu.vector_load %arg6[%get3A_657, %get3A_658] {strides = array<i32>} : memref<128x128xf32, #tpu.memory_space<vmem>>, vector<16xf32>,
        %mul3A_660 = arith.mulf %get3A_659, %gather3A_656 : vector<16xf32>
        %swap3A_661 = arith.index_cast %add3A_651 : i32 to index
        %swap3A_662 = arith.constant 0 : index
        %swap3A_663 = tpu.vector_load %arg6[%swap3A_661, %swap3A_662] {strides = array<i32>} : memref<128x128xf32, #tpu.memory_space<vmem>>, vector<16xf32>,
        tpu.vector_store %arg6[%swap3A_661, %swap3A_662], %mul3A_660 {strides = array<i32>} : memref<128x128xf32, #tpu.memory_space<vmem>>, vector<16xf32>,
        %get3A_664 = arith.index_cast %add3A_651 : i32 to index
        %get3A_665 = arith.constant 16 : index
        %get3A_666 = tpu.vector_load %arg6[%get3A_664, %get3A_665] {strides = array<i32>} : memref<128x128xf32, #tpu.memory_space<vmem>>, vector<16xf32>,
        %mul3A_667 = arith.mulf %get3A_666, %gather3A_656 : vector<16xf32>
        %swap3A_668 = arith.index_cast %add3A_651 : i32 to index
        %swap3A_669 = arith.constant 16 : index
        %swap3A_670 = tpu.vector_load %arg6[%swap3A_668, %swap3A_669] {strides = array<i32>} : memref<128x128xf32, #tpu.memory_space<vmem>>, vector<16xf32>,
        tpu.vector_store %arg6[%swap3A_668, %swap3A_669], %mul3A_667 {strides = array<i32>} : memref<128x128xf32, #tpu.memory_space<vmem>>, vector<16xf32>,
        %broadcast_in_dim3A_671 = arith.constant 5 : i32
        %broadcast_in_dim3A_672 = vector.broadcast %broadcast_in_dim3A_671 : i32 to vector<16xi32>
        %broadcast_in_dim3A_673 = vector.shape_cast %broadcast_in_dim3A_672 : vector<16xi32> to vector<16x1xi32>
        %gather3A_674 = vector.shape_cast %broadcast_in_dim3A_673 : vector<16x1xi32> to vector<16xi32>
        %gather3A_675 = tpu.dynamic_gather %gather3A_568[%gather3A_674] in [0] : vector<16xf32>, vector<16xi32> -> vector<16xf32>
        %get3A_676 = arith.index_cast %add3A_651 : i32 to index
        %get3A_677 = arith.constant 32 : index
        %get3A_678 = tpu.vector_load %arg6[%get3A_676, %get3A_677] {strides = array<i32>} : memref<128x128xf32, #tpu.memory_space<vmem>>, vector<16xf32>,
        %mul3A_679 = arith.mulf %get3A_678, %gather3A_675 : vector<16xf32>
        %swap3A_680 = arith.index_cast %add3A_651 : i32 to index
        %swap3A_681 = arith.constant 32 : index
        %swap3A_682 = tpu.vector_load %arg6[%swap3A_680, %swap3A_681] {strides = array<i32>} : memref<128x128xf32, #tpu.memory_space<vmem>>, vector<16xf32>,
        tpu.vector_store %arg6[%swap3A_680, %swap3A_681], %mul3A_679 {strides = array<i32>} : memref<128x128xf32, #tpu.memory_space<vmem>>, vector<16xf32>,
        %get3A_683 = arith.index_cast %add3A_651 : i32 to index
        %get3A_684 = arith.constant 48 : index
        %get3A_685 = tpu.vector_load %arg6[%get3A_683, %get3A_684] {strides = array<i32>} : memref<128x128xf32, #tpu.memory_space<vmem>>, vector<16xf32>,
        %mul3A_686 = arith.mulf %get3A_685, %gather3A_675 : vector<16xf32>
        %swap3A_687 = arith.index_cast %add3A_651 : i32 to index
        %swap3A_688 = arith.constant 48 : index
        %swap3A_689 = tpu.vector_load %arg6[%swap3A_687, %swap3A_688] {strides = array<i32>} : memref<128x128xf32, #tpu.memory_space<vmem>>, vector<16xf32>,
        tpu.vector_store %arg6[%swap3A_687, %swap3A_688], %mul3A_686 {strides = array<i32>} : memref<128x128xf32, #tpu.memory_space<vmem>>, vector<16xf32>,
        %broadcast_in_dim3A_690 = arith.constant 6 : i32
        %broadcast_in_dim3A_691 = vector.broadcast %broadcast_in_dim3A_690 : i32 to vector<16xi32>
        %broadcast_in_dim3A_692 = vector.shape_cast %broadcast_in_dim3A_691 : vector<16xi32> to vector<16x1xi32>
        %gather3A_693 = vector.shape_cast %broadcast_in_dim3A_692 : vector<16x1xi32> to vector<16xi32>
        %gather3A_694 = tpu.dynamic_gather %gather3A_568[%gather3A_693] in [0] : vector<16xf32>, vector<16xi32> -> vector<16xf32>
        %get3A_695 = arith.index_cast %add3A_651 : i32 to index
        %get3A_696 = arith.constant 64 : index
        %get3A_697 = tpu.vector_load %arg6[%get3A_695, %get3A_696] {strides = array<i32>} : memref<128x128xf32, #tpu.memory_space<vmem>>, vector<16xf32>,
        %mul3A_698 = arith.mulf %get3A_697, %gather3A_694 : vector<16xf32>
        %swap3A_699 = arith.index_cast %add3A_651 : i32 to index
        %swap3A_700 = arith.constant 64 : index
        %swap3A_701 = tpu.vector_load %arg6[%swap3A_699, %swap3A_700] {strides = array<i32>} : memref<128x128xf32, #tpu.memory_space<vmem>>, vector<16xf32>,
        tpu.vector_store %arg6[%swap3A_699, %swap3A_700], %mul3A_698 {strides = array<i32>} : memref<128x128xf32, #tpu.memory_space<vmem>>, vector<16xf32>,
        %get3A_702 = arith.index_cast %add3A_651 : i32 to index
        %get3A_703 = arith.constant 80 : index
        %get3A_704 = tpu.vector_load %arg6[%get3A_702, %get3A_703] {strides = array<i32>} : memref<128x128xf32, #tpu.memory_space<vmem>>, vector<16xf32>,
        %mul3A_705 = arith.mulf %get3A_704, %gather3A_694 : vector<16xf32>
        %swap3A_706 = arith.index_cast %add3A_651 : i32 to index
        %swap3A_707 = arith.constant 80 : index
        %swap3A_708 = tpu.vector_load %arg6[%swap3A_706, %swap3A_707] {strides = array<i32>} : memref<128x128xf32, #tpu.memory_space<vmem>>, vector<16xf32>,
        tpu.vector_store %arg6[%swap3A_706, %swap3A_707], %mul3A_705 {strides = array<i32>} : memref<128x128xf32, #tpu.memory_space<vmem>>, vector<16xf32>,
        %broadcast_in_dim3A_709 = arith.constant 7 : i32
        %broadcast_in_dim3A_710 = vector.broadcast %broadcast_in_dim3A_709 : i32 to vector<16xi32>
        %broadcast_in_dim3A_711 = vector.shape_cast %broadcast_in_dim3A_710 : vector<16xi32> to vector<16x1xi32>
        %gather3A_712 = vector.shape_cast %broadcast_in_dim3A_711 : vector<16x1xi32> to vector<16xi32>
        %gather3A_713 = tpu.dynamic_gather %gather3A_568[%gather3A_712] in [0] : vector<16xf32>, vector<16xi32> -> vector<16xf32>
        %get3A_714 = arith.index_cast %add3A_651 : i32 to index
        %get3A_715 = arith.constant 96 : index
        %get3A_716 = tpu.vector_load %arg6[%get3A_714, %get3A_715] {strides = array<i32>} : memref<128x128xf32, #tpu.memory_space<vmem>>, vector<16xf32>,
        %mul3A_717 = arith.mulf %get3A_716, %gather3A_713 : vector<16xf32>
        %swap3A_718 = arith.index_cast %add3A_651 : i32 to index
        %swap3A_719 = arith.constant 96 : index
        %swap3A_720 = tpu.vector_load %arg6[%swap3A_718, %swap3A_719] {strides = array<i32>} : memref<128x128xf32, #tpu.memory_space<vmem>>, vector<16xf32>,
        tpu.vector_store %arg6[%swap3A_718, %swap3A_719], %mul3A_717 {strides = array<i32>} : memref<128x128xf32, #tpu.memory_space<vmem>>, vector<16xf32>,
        %get3A_721 = arith.index_cast %add3A_651 : i32 to index
        %get3A_722 = arith.constant 112 : index
        %get3A_723 = tpu.vector_load %arg6[%get3A_721, %get3A_722] {strides = array<i32>} : memref<128x128xf32, #tpu.memory_space<vmem>>, vector<16xf32>,
        %mul3A_724 = arith.mulf %get3A_723, %gather3A_713 : vector<16xf32>
        %swap3A_725 = arith.index_cast %add3A_651 : i32 to index
        %swap3A_726 = arith.constant 112 : index
        %swap3A_727 = tpu.vector_load %arg6[%swap3A_725, %swap3A_726] {strides = array<i32>} : memref<128x128xf32, #tpu.memory_space<vmem>>, vector<16xf32>,
        tpu.vector_store %arg6[%swap3A_725, %swap3A_726], %mul3A_724 {strides = array<i32>} : memref<128x128xf32, #tpu.memory_space<vmem>>, vector<16xf32>,
        %mul3A_728 = arith.constant 4 : i32
        %mul3A_729 = arith.muli %scan3A_562, %mul3A_728 : i32
        %add3A_730 = arith.constant 2 : i32
        %add3A_731 = arith.addi %mul3A_729, %add3A_730 : i32
        %broadcast_in_dim3A_732 = arith.constant 8 : i32
        %broadcast_in_dim3A_733 = vector.broadcast %broadcast_in_dim3A_732 : i32 to vector<16xi32>
        %broadcast_in_dim3A_734 = vector.shape_cast %broadcast_in_dim3A_733 : vector<16xi32> to vector<16x1xi32>
        %gather3A_735 = vector.shape_cast %broadcast_in_dim3A_734 : vector<16x1xi32> to vector<16xi32>
        %gather3A_736 = tpu.dynamic_gather %gather3A_568[%gather3A_735] in [0] : vector<16xf32>, vector<16xi32> -> vector<16xf32>
        %get3A_737 = arith.index_cast %add3A_731 : i32 to index
        %get3A_738 = arith.constant 0 : index
        %get3A_739 = tpu.vector_load %arg6[%get3A_737, %get3A_738] {strides = array<i32>} : memref<128x128xf32, #tpu.memory_space<vmem>>, vector<16xf32>,
        %mul3A_740 = arith.mulf %get3A_739, %gather3A_736 : vector<16xf32>
        %swap3A_741 = arith.index_cast %add3A_731 : i32 to index
        %swap3A_742 = arith.constant 0 : index
        %swap3A_743 = tpu.vector_load %arg6[%swap3A_741, %swap3A_742] {strides = array<i32>} : memref<128x128xf32, #tpu.memory_space<vmem>>, vector<16xf32>,
        tpu.vector_store %arg6[%swap3A_741, %swap3A_742], %mul3A_740 {strides = array<i32>} : memref<128x128xf32, #tpu.memory_space<vmem>>, vector<16xf32>,
        %get3A_744 = arith.index_cast %add3A_731 : i32 to index
        %get3A_745 = arith.constant 16 : index
        %get3A_746 = tpu.vector_load %arg6[%get3A_744, %get3A_745] {strides = array<i32>} : memref<128x128xf32, #tpu.memory_space<vmem>>, vector<16xf32>,
        %mul3A_747 = arith.mulf %get3A_746, %gather3A_736 : vector<16xf32>
        %swap3A_748 = arith.index_cast %add3A_731 : i32 to index
        %swap3A_749 = arith.constant 16 : index
        %swap3A_750 = tpu.vector_load %arg6[%swap3A_748, %swap3A_749] {strides = array<i32>} : memref<128x128xf32, #tpu.memory_space<vmem>>, vector<16xf32>,
        tpu.vector_store %arg6[%swap3A_748, %swap3A_749], %mul3A_747 {strides = array<i32>} : memref<128x128xf32, #tpu.memory_space<vmem>>, vector<16xf32>,
        %broadcast_in_dim3A_751 = arith.constant 9 : i32
        %broadcast_in_dim3A_752 = vector.broadcast %broadcast_in_dim3A_751 : i32 to vector<16xi32>
        %broadcast_in_dim3A_753 = vector.shape_cast %broadcast_in_dim3A_752 : vector<16xi32> to vector<16x1xi32>
        %gather3A_754 = vector.shape_cast %broadcast_in_dim3A_753 : vector<16x1xi32> to vector<16xi32>
        %gather3A_755 = tpu.dynamic_gather %gather3A_568[%gather3A_754] in [0] : vector<16xf32>, vector<16xi32> -> vector<16xf32>
        %get3A_756 = arith.index_cast %add3A_731 : i32 to index
        %get3A_757 = arith.constant 32 : index
        %get3A_758 = tpu.vector_load %arg6[%get3A_756, %get3A_757] {strides = array<i32>} : memref<128x128xf32, #tpu.memory_space<vmem>>, vector<16xf32>,
        %mul3A_759 = arith.mulf %get3A_758, %gather3A_755 : vector<16xf32>
        %swap3A_760 = arith.index_cast %add3A_731 : i32 to index
        %swap3A_761 = arith.constant 32 : index
        %swap3A_762 = tpu.vector_load %arg6[%swap3A_760, %swap3A_761] {strides = array<i32>} : memref<128x128xf32, #tpu.memory_space<vmem>>, vector<16xf32>,
        tpu.vector_store %arg6[%swap3A_760, %swap3A_761], %mul3A_759 {strides = array<i32>} : memref<128x128xf32, #tpu.memory_space<vmem>>, vector<16xf32>,
        %get3A_763 = arith.index_cast %add3A_731 : i32 to index
        %get3A_764 = arith.constant 48 : index
        %get3A_765 = tpu.vector_load %arg6[%get3A_763, %get3A_764] {strides = array<i32>} : memref<128x128xf32, #tpu.memory_space<vmem>>, vector<16xf32>,
        %mul3A_766 = arith.mulf %get3A_765, %gather3A_755 : vector<16xf32>
        %swap3A_767 = arith.index_cast %add3A_731 : i32 to index
        %swap3A_768 = arith.constant 48 : index
        %swap3A_769 = tpu.vector_load %arg6[%swap3A_767, %swap3A_768] {strides = array<i32>} : memref<128x128xf32, #tpu.memory_space<vmem>>, vector<16xf32>,
        tpu.vector_store %arg6[%swap3A_767, %swap3A_768], %mul3A_766 {strides = array<i32>} : memref<128x128xf32, #tpu.memory_space<vmem>>, vector<16xf32>,
        %broadcast_in_dim3A_770 = arith.constant 10 : i32
        %broadcast_in_dim3A_771 = vector.broadcast %broadcast_in_dim3A_770 : i32 to vector<16xi32>
        %broadcast_in_dim3A_772 = vector.shape_cast %broadcast_in_dim3A_771 : vector<16xi32> to vector<16x1xi32>
        %gather3A_773 = vector.shape_cast %broadcast_in_dim3A_772 : vector<16x1xi32> to vector<16xi32>
        %gather3A_774 = tpu.dynamic_gather %gather3A_568[%gather3A_773] in [0] : vector<16xf32>, vector<16xi32> -> vector<16xf32>
        %get3A_775 = arith.index_cast %add3A_731 : i32 to index
        %get3A_776 = arith.constant 64 : index
        %get3A_777 = tpu.vector_load %arg6[%get3A_775, %get3A_776] {strides = array<i32>} : memref<128x128xf32, #tpu.memory_space<vmem>>, vector<16xf32>,
        %mul3A_778 = arith.mulf %get3A_777, %gather3A_774 : vector<16xf32>
        %swap3A_779 = arith.index_cast %add3A_731 : i32 to index
        %swap3A_780 = arith.constant 64 : index
        %swap3A_781 = tpu.vector_load %arg6[%swap3A_779, %swap3A_780] {strides = array<i32>} : memref<128x128xf32, #tpu.memory_space<vmem>>, vector<16xf32>,
        tpu.vector_store %arg6[%swap3A_779, %swap3A_780], %mul3A_778 {strides = array<i32>} : memref<128x128xf32, #tpu.memory_space<vmem>>, vector<16xf32>,
        %get3A_782 = arith.index_cast %add3A_731 : i32 to index
        %get3A_783 = arith.constant 80 : index
        %get3A_784 = tpu.vector_load %arg6[%get3A_782, %get3A_783] {strides = array<i32>} : memref<128x128xf32, #tpu.memory_space<vmem>>, vector<16xf32>,
        %mul3A_785 = arith.mulf %get3A_784, %gather3A_774 : vector<16xf32>
        %swap3A_786 = arith.index_cast %add3A_731 : i32 to index
        %swap3A_787 = arith.constant 80 : index
        %swap3A_788 = tpu.vector_load %arg6[%swap3A_786, %swap3A_787] {strides = array<i32>} : memref<128x128xf32, #tpu.memory_space<vmem>>, vector<16xf32>,
        tpu.vector_store %arg6[%swap3A_786, %swap3A_787], %mul3A_785 {strides = array<i32>} : memref<128x128xf32, #tpu.memory_space<vmem>>, vector<16xf32>,
        %broadcast_in_dim3A_789 = arith.constant 11 : i32
        %broadcast_in_dim3A_790 = vector.broadcast %broadcast_in_dim3A_789 : i32 to vector<16xi32>
        %broadcast_in_dim3A_791 = vector.shape_cast %broadcast_in_dim3A_790 : vector<16xi32> to vector<16x1xi32>
        %gather3A_792 = vector.shape_cast %broadcast_in_dim3A_791 : vector<16x1xi32> to vector<16xi32>
        %gather3A_793 = tpu.dynamic_gather %gather3A_568[%gather3A_792] in [0] : vector<16xf32>, vector<16xi32> -> vector<16xf32>
        %get3A_794 = arith.index_cast %add3A_731 : i32 to index
        %get3A_795 = arith.constant 96 : index
        %get3A_796 = tpu.vector_load %arg6[%get3A_794, %get3A_795] {strides = array<i32>} : memref<128x128xf32, #tpu.memory_space<vmem>>, vector<16xf32>,
        %mul3A_797 = arith.mulf %get3A_796, %gather3A_793 : vector<16xf32>
        %swap3A_798 = arith.index_cast %add3A_731 : i32 to index
        %swap3A_799 = arith.constant 96 : index
        %swap3A_800 = tpu.vector_load %arg6[%swap3A_798, %swap3A_799] {strides = array<i32>} : memref<128x128xf32, #tpu.memory_space<vmem>>, vector<16xf32>,
        tpu.vector_store %arg6[%swap3A_798, %swap3A_799], %mul3A_797 {strides = array<i32>} : memref<128x128xf32, #tpu.memory_space<vmem>>, vector<16xf32>,
        %get3A_801 = arith.index_cast %add3A_731 : i32 to index
        %get3A_802 = arith.constant 112 : index
        %get3A_803 = tpu.vector_load %arg6[%get3A_801, %get3A_802] {strides = array<i32>} : memref<128x128xf32, #tpu.memory_space<vmem>>, vector<16xf32>,
        %mul3A_804 = arith.mulf %get3A_803, %gather3A_793 : vector<16xf32>
        %swap3A_805 = arith.index_cast %add3A_731 : i32 to index
        %swap3A_806 = arith.constant 112 : index
        %swap3A_807 = tpu.vector_load %arg6[%swap3A_805, %swap3A_806] {strides = array<i32>} : memref<128x128xf32, #tpu.memory_space<vmem>>, vector<16xf32>,
        tpu.vector_store %arg6[%swap3A_805, %swap3A_806], %mul3A_804 {strides = array<i32>} : memref<128x128xf32, #tpu.memory_space<vmem>>, vector<16xf32>,
        %mul3A_808 = arith.constant 4 : i32
        %mul3A_809 = arith.muli %scan3A_562, %mul3A_808 : i32
        %add3A_810 = arith.constant 3 : i32
        %add3A_811 = arith.addi %mul3A_809, %add3A_810 : i32
        %broadcast_in_dim3A_812 = arith.constant 12 : i32
        %broadcast_in_dim3A_813 = vector.broadcast %broadcast_in_dim3A_812 : i32 to vector<16xi32>
        %broadcast_in_dim3A_814 = vector.shape_cast %broadcast_in_dim3A_813 : vector<16xi32> to vector<16x1xi32>
        %gather3A_815 = vector.shape_cast %broadcast_in_dim3A_814 : vector<16x1xi32> to vector<16xi32>
        %gather3A_816 = tpu.dynamic_gather %gather3A_568[%gather3A_815] in [0] : vector<16xf32>, vector<16xi32> -> vector<16xf32>
        %get3A_817 = arith.index_cast %add3A_811 : i32 to index
        %get3A_818 = arith.constant 0 : index
        %get3A_819 = tpu.vector_load %arg6[%get3A_817, %get3A_818] {strides = array<i32>} : memref<128x128xf32, #tpu.memory_space<vmem>>, vector<16xf32>,
        %mul3A_820 = arith.mulf %get3A_819, %gather3A_816 : vector<16xf32>
        %swap3A_821 = arith.index_cast %add3A_811 : i32 to index
        %swap3A_822 = arith.constant 0 : index
        %swap3A_823 = tpu.vector_load %arg6[%swap3A_821, %swap3A_822] {strides = array<i32>} : memref<128x128xf32, #tpu.memory_space<vmem>>, vector<16xf32>,
        tpu.vector_store %arg6[%swap3A_821, %swap3A_822], %mul3A_820 {strides = array<i32>} : memref<128x128xf32, #tpu.memory_space<vmem>>, vector<16xf32>,
        %get3A_824 = arith.index_cast %add3A_811 : i32 to index
        %get3A_825 = arith.constant 16 : index
        %get3A_826 = tpu.vector_load %arg6[%get3A_824, %get3A_825] {strides = array<i32>} : memref<128x128xf32, #tpu.memory_space<vmem>>, vector<16xf32>,
        %mul3A_827 = arith.mulf %get3A_826, %gather3A_816 : vector<16xf32>
        %swap3A_828 = arith.index_cast %add3A_811 : i32 to index
        %swap3A_829 = arith.constant 16 : index
        %swap3A_830 = tpu.vector_load %arg6[%swap3A_828, %swap3A_829] {strides = array<i32>} : memref<128x128xf32, #tpu.memory_space<vmem>>, vector<16xf32>,
        tpu.vector_store %arg6[%swap3A_828, %swap3A_829], %mul3A_827 {strides = array<i32>} : memref<128x128xf32, #tpu.memory_space<vmem>>, vector<16xf32>,
        %broadcast_in_dim3A_831 = arith.constant 13 : i32
        %broadcast_in_dim3A_832 = vector.broadcast %broadcast_in_dim3A_831 : i32 to vector<16xi32>
        %broadcast_in_dim3A_833 = vector.shape_cast %broadcast_in_dim3A_832 : vector<16xi32> to vector<16x1xi32>
        %gather3A_834 = vector.shape_cast %broadcast_in_dim3A_833 : vector<16x1xi32> to vector<16xi32>
        %gather3A_835 = tpu.dynamic_gather %gather3A_568[%gather3A_834] in [0] : vector<16xf32>, vector<16xi32> -> vector<16xf32>
        %get3A_836 = arith.index_cast %add3A_811 : i32 to index
        %get3A_837 = arith.constant 32 : index
        %get3A_838 = tpu.vector_load %arg6[%get3A_836, %get3A_837] {strides = array<i32>} : memref<128x128xf32, #tpu.memory_space<vmem>>, vector<16xf32>,
        %mul3A_839 = arith.mulf %get3A_838, %gather3A_835 : vector<16xf32>
        %swap3A_840 = arith.index_cast %add3A_811 : i32 to index
        %swap3A_841 = arith.constant 32 : index
        %swap3A_842 = tpu.vector_load %arg6[%swap3A_840, %swap3A_841] {strides = array<i32>} : memref<128x128xf32, #tpu.memory_space<vmem>>, vector<16xf32>,
        tpu.vector_store %arg6[%swap3A_840, %swap3A_841], %mul3A_839 {strides = array<i32>} : memref<128x128xf32, #tpu.memory_space<vmem>>, vector<16xf32>,
        %get3A_843 = arith.index_cast %add3A_811 : i32 to index
        %get3A_844 = arith.constant 48 : index
        %get3A_845 = tpu.vector_load %arg6[%get3A_843, %get3A_844] {strides = array<i32>} : memref<128x128xf32, #tpu.memory_space<vmem>>, vector<16xf32>,
        %mul3A_846 = arith.mulf %get3A_845, %gather3A_835 : vector<16xf32>
        %swap3A_847 = arith.index_cast %add3A_811 : i32 to index
        %swap3A_848 = arith.constant 48 : index
        %swap3A_849 = tpu.vector_load %arg6[%swap3A_847, %swap3A_848] {strides = array<i32>} : memref<128x128xf32, #tpu.memory_space<vmem>>, vector<16xf32>,
        tpu.vector_store %arg6[%swap3A_847, %swap3A_848], %mul3A_846 {strides = array<i32>} : memref<128x128xf32, #tpu.memory_space<vmem>>, vector<16xf32>,
        %broadcast_in_dim3A_850 = arith.constant 14 : i32
        %broadcast_in_dim3A_851 = vector.broadcast %broadcast_in_dim3A_850 : i32 to vector<16xi32>
        %broadcast_in_dim3A_852 = vector.shape_cast %broadcast_in_dim3A_851 : vector<16xi32> to vector<16x1xi32>
        %gather3A_853 = vector.shape_cast %broadcast_in_dim3A_852 : vector<16x1xi32> to vector<16xi32>
        %gather3A_854 = tpu.dynamic_gather %gather3A_568[%gather3A_853] in [0] : vector<16xf32>, vector<16xi32> -> vector<16xf32>
        %get3A_855 = arith.index_cast %add3A_811 : i32 to index
        %get3A_856 = arith.constant 64 : index
        %get3A_857 = tpu.vector_load %arg6[%get3A_855, %get3A_856] {strides = array<i32>} : memref<128x128xf32, #tpu.memory_space<vmem>>, vector<16xf32>,
        %mul3A_858 = arith.mulf %get3A_857, %gather3A_854 : vector<16xf32>
        %swap3A_859 = arith.index_cast %add3A_811 : i32 to index
        %swap3A_860 = arith.constant 64 : index
        %swap3A_861 = tpu.vector_load %arg6[%swap3A_859, %swap3A_860] {strides = array<i32>} : memref<128x128xf32, #tpu.memory_space<vmem>>, vector<16xf32>,
        tpu.vector_store %arg6[%swap3A_859, %swap3A_860], %mul3A_858 {strides = array<i32>} : memref<128x128xf32, #tpu.memory_space<vmem>>, vector<16xf32>,
        %get3A_862 = arith.index_cast %add3A_811 : i32 to index
        %get3A_863 = arith.constant 80 : index
        %get3A_864 = tpu.vector_load %arg6[%get3A_862, %get3A_863] {strides = array<i32>} : memref<128x128xf32, #tpu.memory_space<vmem>>, vector<16xf32>,
        %mul3A_865 = arith.mulf %get3A_864, %gather3A_854 : vector<16xf32>
        %swap3A_866 = arith.index_cast %add3A_811 : i32 to index
        %swap3A_867 = arith.constant 80 : index
        %swap3A_868 = tpu.vector_load %arg6[%swap3A_866, %swap3A_867] {strides = array<i32>} : memref<128x128xf32, #tpu.memory_space<vmem>>, vector<16xf32>,
        tpu.vector_store %arg6[%swap3A_866, %swap3A_867], %mul3A_865 {strides = array<i32>} : memref<128x128xf32, #tpu.memory_space<vmem>>, vector<16xf32>,
        %broadcast_in_dim3A_869 = arith.constant 15 : i32
        %broadcast_in_dim3A_870 = vector.broadcast %broadcast_in_dim3A_869 : i32 to vector<16xi32>
        %broadcast_in_dim3A_871 = vector.shape_cast %broadcast_in_dim3A_870 : vector<16xi32> to vector<16x1xi32>
        %gather3A_872 = vector.shape_cast %broadcast_in_dim3A_871 : vector<16x1xi32> to vector<16xi32>
        %gather3A_873 = tpu.dynamic_gather %gather3A_568[%gather3A_872] in [0] : vector<16xf32>, vector<16xi32> -> vector<16xf32>
        %get3A_874 = arith.index_cast %add3A_811 : i32 to index
        %get3A_875 = arith.constant 96 : index
        %get3A_876 = tpu.vector_load %arg6[%get3A_874, %get3A_875] {strides = array<i32>} : memref<128x128xf32, #tpu.memory_space<vmem>>, vector<16xf32>,
        %mul3A_877 = arith.mulf %get3A_876, %gather3A_873 : vector<16xf32>
        %swap3A_878 = arith.index_cast %add3A_811 : i32 to index
        %swap3A_879 = arith.constant 96 : index
        %swap3A_880 = tpu.vector_load %arg6[%swap3A_878, %swap3A_879] {strides = array<i32>} : memref<128x128xf32, #tpu.memory_space<vmem>>, vector<16xf32>,
        tpu.vector_store %arg6[%swap3A_878, %swap3A_879], %mul3A_877 {strides = array<i32>} : memref<128x128xf32, #tpu.memory_space<vmem>>, vector<16xf32>,
        %get3A_881 = arith.index_cast %add3A_811 : i32 to index
        %get3A_882 = arith.constant 112 : index
        %get3A_883 = tpu.vector_load %arg6[%get3A_881, %get3A_882] {strides = array<i32>} : memref<128x128xf32, #tpu.memory_space<vmem>>, vector<16xf32>,
        %mul3A_884 = arith.mulf %get3A_883, %gather3A_873 : vector<16xf32>
        %swap3A_885 = arith.index_cast %add3A_811 : i32 to index
        %swap3A_886 = arith.constant 112 : index
        %swap3A_887 = tpu.vector_load %arg6[%swap3A_885, %swap3A_886] {strides = array<i32>} : memref<128x128xf32, #tpu.memory_space<vmem>>, vector<16xf32>,
        tpu.vector_store %arg6[%swap3A_885, %swap3A_886], %mul3A_884 {strides = array<i32>} : memref<128x128xf32, #tpu.memory_space<vmem>>, vector<16xf32>,
        %scan3A_888 = arith.constant 0 : i32
        scf.yield %scan3A_888 : i32
      }
      %scan3A_546 = arith.constant 32 : i32
      %add3A_547 = arith.constant 2 : i32
      %add3A_548 = arith.addi %add3A_390, %add3A_547 : i32
      %min3A_549 = arith.constant 83 : i32
      %min3A_550 = arith.minsi %add3A_548, %min3A_549 : i32
      %mul3A_551 = arith.constant 128 : i32
      %mul3A_552 = arith.muli %min3A_550, %mul3A_551 : i32
      %add3A_553 = arith.addi %mul3A_2, %mul3A_552 : i32
      %mul3A_554 = arith.constant 8 : i32
      %mul3A_555 = arith.muli %add3A_553, %mul3A_554 : i32
      %dma_start3A_556 = tpu.memref_slice %arg3[%mul3A_555] : memref<2752512xf32, #tpu.memory_space<hbm>> -> memref<1024xf32, #tpu.memory_space<hbm>>
      %dma_start3A_557 = tpu.memref_slice %arg3[%mul3A_555] : memref<2752512xf32, #tpu.memory_space<hbm>> -> memref<1024xf32, #tpu.memory_space<hbm>>
      tpu.enqueue_dma source(%dma_start3A_557 : memref<1024xf32, #tpu.memory_space<hbm>>) target(%arg8 : memref<1024xf32, #tpu.memory_space<vmem>>) target_semaphore(%arg17 : memref<!tpu.dma_semaphore, #tpu.memory_space<semaphore_mem>>)
      %dma_start3A_558 = arith.constant 0 : i32
      %dma_start3A_559 = arith.constant 0 : i32
      %dma_start3A_560 = tpu.memref_slice %arg13[%dma_start3A_558, %dma_start3A_559] : memref<10240x128xf32, #tpu.memory_space<vmem_shared>> -> memref<10240x128xf32, #tpu.memory_space<vmem_shared>>
      tpu.enqueue_indirect_dma source(%arg6 : memref<128x128xf32, #tpu.memory_space<vmem>>) target(%dma_start3A_560 : memref<10240x128xf32, #tpu.memory_space<vmem_shared>>) offsets(%arg12 : memref<128xi32, #tpu.memory_space<vmem>>) semaphore(%arg19 : memref<!tpu.dma_semaphore, #tpu.memory_space<semaphore_mem>>) {add = true}
      %scan3A_561 = arith.constant 0 : i32
      scf.yield %scan3A_561 : i32
    }
    %scan3A_197 = arith.constant 42 : i32
    %dma_wait3A_198 = arith.constant 0 : i32
    %dma_wait3A_199 = arith.constant 0 : i32
    %dma_wait3A_200 = tpu.memref_slice %arg2[%dma_wait3A_198, %dma_wait3A_199] : memref<10000x128xf32, #tpu.memory_space<hbm>> -> memref<10000x128xf32, #tpu.memory_space<hbm>>
    tpu.wait_indirect_dma semaphore(%arg14 : memref<!tpu.dma_semaphore, #tpu.memory_space<semaphore_mem>>) src(%dma_wait3A_200 : memref<10000x128xf32, #tpu.memory_space<hbm>>) dst(%arg5 : memref<128x128xf32, #tpu.memory_space<vmem>>)
    %dma_wait3A_201 = arith.constant 0 : i32
    %dma_wait3A_202 = tpu.memref_slice %arg3[%dma_wait3A_201] : memref<2752512xf32, #tpu.memory_space<hbm>> -> memref<1024xf32, #tpu.memory_space<hbm>>
    %dma_wait3A_203 = arith.constant 0 : i32
    %dma_wait3A_204 = tpu.memref_slice %arg3[%dma_wait3A_203] : memref<2752512xf32, #tpu.memory_space<hbm>> -> memref<1024xf32, #tpu.memory_space<hbm>>
    tpu.wait_dma2 semaphore(%arg17 : memref<!tpu.dma_semaphore, #tpu.memory_space<semaphore_mem>>) src(%dma_wait3A_204 : memref<1024xf32, #tpu.memory_space<hbm>>) dst(%arg8 : memref<1024xf32, #tpu.memory_space<vmem>>)
    %dma_wait3A_205 = arith.constant 0 : i32
    %dma_wait3A_206 = arith.constant 0 : i32
    %dma_wait3A_207 = tpu.memref_slice %arg13[%dma_wait3A_205, %dma_wait3A_206] : memref<10240x128xf32, #tpu.memory_space<vmem_shared>> -> memref<10240x128xf32, #tpu.memory_space<vmem_shared>>
    tpu.wait_indirect_dma semaphore(%arg19 : memref<!tpu.dma_semaphore, #tpu.memory_space<semaphore_mem>>) src(%arg6 : memref<128x128xf32, #tpu.memory_space<vmem>>) dst(%dma_wait3A_207 : memref<10240x128xf32, #tpu.memory_space<vmem_shared>>)
    %barrier3A_208 = arith.constant 0 : index
    tpu.barrier barrier_id(%barrier3A_208)
    %mul3A_209 = arith.constant 640 : i32
    %mul3A_210 = arith.muli %arg1, %mul3A_209 : i32
    %mul3A_211 = arith.constant 640 : i32
    %mul3A_212 = arith.muli %arg1, %mul3A_211 : i32
    "tpu.region"() ({
      %run_scoped3A = tpu.sem_alloc : memref<!tpu.dma_semaphore, #tpu.memory_space<semaphore_mem>>
      %dma_start3A_213 = arith.constant 0 : i32
      %dma_start3A_214 = tpu.memref_slice %arg4[%arg0, %mul3A_212, %dma_start3A_213] : memref<2x10240x128xf32, #tpu.memory_space<hbm>> -> memref<1x640x128xf32, #tpu.memory_space<hbm>>
      %dma_start3A_215 = tpu.memref_squeeze %dma_start3A_214 : memref<1x640x128xf32, #tpu.memory_space<hbm>> -> memref<640x128xf32, #tpu.memory_space<hbm>>
      %dma_start3A_216 = arith.constant 0 : i32
      %dma_start3A_217 = tpu.memref_slice %arg13[%mul3A_210, %dma_start3A_216] : memref<10240x128xf32, #tpu.memory_space<vmem_shared>> -> memref<640x128xf32, #tpu.memory_space<vmem_shared>>
      tpu.enqueue_dma source(%dma_start3A_217 : memref<640x128xf32, #tpu.memory_space<vmem_shared>>) target(%dma_start3A_215 : memref<640x128xf32, #tpu.memory_space<hbm>>) target_semaphore(%run_scoped3A : memref<!tpu.dma_semaphore, #tpu.memory_space<semaphore_mem>>)
      %dma_wait3A_218 = arith.constant 0 : i32
      %dma_wait3A_219 = tpu.memref_slice %arg4[%arg0, %mul3A_212, %dma_wait3A_218] : memref<2x10240x128xf32, #tpu.memory_space<hbm>> -> memref<1x640x128xf32, #tpu.memory_space<hbm>>
      %dma_wait3A_220 = tpu.memref_squeeze %dma_wait3A_219 : memref<1x640x128xf32, #tpu.memory_space<hbm>> -> memref<640x128xf32, #tpu.memory_space<hbm>>
      %dma_wait3A_221 = arith.constant 0 : i32
      %dma_wait3A_222 = tpu.memref_slice %arg13[%mul3A_210, %dma_wait3A_221] : memref<10240x128xf32, #tpu.memory_space<vmem_shared>> -> memref<640x128xf32, #tpu.memory_space<vmem_shared>>
      tpu.wait_dma2 semaphore(%run_scoped3A : memref<!tpu.dma_semaphore, #tpu.memory_space<semaphore_mem>>) src(%dma_wait3A_222 : memref<640x128xf32, #tpu.memory_space<vmem_shared>>) dst(%dma_wait3A_220 : memref<640x128xf32, #tpu.memory_space<hbm>>)
      tpu.yield
    }) : () -> ()
    return
  }
}

#map = affine_map<(d0, d1) -> (0)>
#map1 = affine_map<(d0, d1) -> (0, 0)>
module attributes {stable_mosaic.version = 14 : i64} {
  func.func @_pass1_body(%arg0: i32, %arg1: i32, %arg2: memref<40000xf32, #tpu.memory_space<hbm>>, %arg3: memref<40000xf32, #tpu.memory_space<hbm>>, %arg4: memref<16xf32, #tpu.memory_space<hbm>>, %arg5: memref<344064xi32, #tpu.memory_space<hbm>>, %arg6: memref<344064xi32, #tpu.memory_space<hbm>>, %arg7: memref<2752512xf32, #tpu.memory_space<hbm>>, %arg8: memref<32x40000xf32, #tpu.memory_space<hbm>>, %arg9: memref<40000xf32, #tpu.memory_space<vmem>>, %arg10: memref<40000xf32, #tpu.memory_space<vmem>>, %arg11: memref<16xf32, #tpu.memory_space<vmem>>, %arg12: memref<672xi32, #tpu.memory_space<vmem>>, %arg13: memref<672xi32, #tpu.memory_space<vmem>>, %arg14: memref<5376xf32, #tpu.memory_space<vmem>>, %arg15: memref<40000xf32, #tpu.memory_space<vmem>>) attributes {dimension_semantics = [#tpu.dimension_semantics<core_parallel>, #tpu.dimension_semantics<subcore_parallel>], iteration_bounds = array<i64: 2, 16>, scalar_prefetch = 0 : i64, scratch_operands = 7 : i64, tpu.core_type = #tpu.core_type<sc_vector_subcore>, window_params = [{transform_indices = #map}, {transform_indices = #map}, {transform_indices = #map}, {transform_indices = #map}, {transform_indices = #map}, {transform_indices = #map}, {transform_indices = #map1}]} {
    %mul3A = arith.constant 16 : i32
    %mul3A_0 = arith.muli %arg0, %mul3A : i32
    %add3A = arith.addi %mul3A_0, %arg1 : i32
    %mul3A_1 = arith.constant 10752 : i32
    %mul3A_2 = arith.muli %add3A, %mul3A_1 : i32
    %broadcast_in_dim3A = arith.constant 0.000000e+00 : f32
    %broadcast_in_dim3A_3 = vector.broadcast %broadcast_in_dim3A : f32 to vector<16xf32>
    %iota3A = tpu.iota {dimensions = array<i32: 0>} : vector<16xi32>
    "tpu.region"() ({
      %run_scoped3A = tpu.sem_alloc : memref<!tpu.dma_semaphore, #tpu.memory_space<semaphore_mem>>
      tpu.enqueue_dma source(%arg2 : memref<40000xf32, #tpu.memory_space<hbm>>) target(%arg9 : memref<40000xf32, #tpu.memory_space<vmem>>) target_semaphore(%run_scoped3A : memref<!tpu.dma_semaphore, #tpu.memory_space<semaphore_mem>>)
      tpu.wait_dma2 semaphore(%run_scoped3A : memref<!tpu.dma_semaphore, #tpu.memory_space<semaphore_mem>>) src(%arg2 : memref<40000xf32, #tpu.memory_space<hbm>>) dst(%arg9 : memref<40000xf32, #tpu.memory_space<vmem>>)
      tpu.yield
    }) : () -> ()
    "tpu.region"() ({
      %run_scoped3A = tpu.sem_alloc : memref<!tpu.dma_semaphore, #tpu.memory_space<semaphore_mem>>
      tpu.enqueue_dma source(%arg3 : memref<40000xf32, #tpu.memory_space<hbm>>) target(%arg10 : memref<40000xf32, #tpu.memory_space<vmem>>) target_semaphore(%run_scoped3A : memref<!tpu.dma_semaphore, #tpu.memory_space<semaphore_mem>>)
      tpu.wait_dma2 semaphore(%run_scoped3A : memref<!tpu.dma_semaphore, #tpu.memory_space<semaphore_mem>>) src(%arg3 : memref<40000xf32, #tpu.memory_space<hbm>>) dst(%arg10 : memref<40000xf32, #tpu.memory_space<vmem>>)
      tpu.yield
    }) : () -> ()
    "tpu.region"() ({
      %run_scoped3A = tpu.sem_alloc : memref<!tpu.dma_semaphore, #tpu.memory_space<semaphore_mem>>
      tpu.enqueue_dma source(%arg4 : memref<16xf32, #tpu.memory_space<hbm>>) target(%arg11 : memref<16xf32, #tpu.memory_space<vmem>>) target_semaphore(%run_scoped3A : memref<!tpu.dma_semaphore, #tpu.memory_space<semaphore_mem>>)
      tpu.wait_dma2 semaphore(%run_scoped3A : memref<!tpu.dma_semaphore, #tpu.memory_space<semaphore_mem>>) src(%arg4 : memref<16xf32, #tpu.memory_space<hbm>>) dst(%arg11 : memref<16xf32, #tpu.memory_space<vmem>>)
      tpu.yield
    }) : () -> ()
    %scan3A = arith.constant 0 : i32
    %scan3A_4 = arith.constant 0 : i32
    %scan3A_5 = arith.constant 2500 : i32
    %scan3A_6 = arith.addi %scan3A_4, %scan3A_5 : i32
    %scan3A_7 = arith.constant 1 : i32
    %scan3A_8 = scf.for %scan3A_43 = %scan3A_4 to %scan3A_6 step %scan3A_7 iter_args(%scan3A_44 = %scan3A) -> (i32)  : i32 {
      %mul3A_45 = arith.constant 16 : i32
      %mul3A_46 = arith.muli %scan3A_43, %mul3A_45 : i32
      %swap3A = arith.index_cast %mul3A_46 : i32 to index
      %swap3A_47 = tpu.vector_load %arg15[%swap3A] {strides = array<i32>} : memref<40000xf32, #tpu.memory_space<vmem>>, vector<16xf32>,
      tpu.vector_store %arg15[%swap3A], %broadcast_in_dim3A_3 {strides = array<i32>} : memref<40000xf32, #tpu.memory_space<vmem>>, vector<16xf32>,
      %scan3A_48 = arith.constant 0 : i32
      scf.yield %scan3A_48 : i32
    }
    %scan3A_9 = arith.constant 2500 : i32
    %get3A = arith.constant 0 : index
    %get3A_10 = tpu.vector_load %arg11[%get3A] {strides = array<i32>} : memref<16xf32, #tpu.memory_space<vmem>>, vector<16xf32>,
    %broadcast_in_dim3A_11 = arith.constant 0 : i32
    %broadcast_in_dim3A_12 = vector.broadcast %broadcast_in_dim3A_11 : i32 to vector<16xi32>
    %broadcast_in_dim3A_13 = vector.shape_cast %broadcast_in_dim3A_12 : vector<16xi32> to vector<16x1xi32>
    %gather3A = vector.shape_cast %broadcast_in_dim3A_13 : vector<16x1xi32> to vector<16xi32>
    %gather3A_14 = tpu.dynamic_gather %get3A_10[%gather3A] in [0] : vector<16xf32>, vector<16xi32> -> vector<16xf32>
    %get3A_15 = arith.constant 0 : index
    %get3A_16 = tpu.vector_load %arg11[%get3A_15] {strides = array<i32>} : memref<16xf32, #tpu.memory_space<vmem>>, vector<16xf32>,
    %broadcast_in_dim3A_17 = arith.constant 1 : i32
    %broadcast_in_dim3A_18 = vector.broadcast %broadcast_in_dim3A_17 : i32 to vector<16xi32>
    %broadcast_in_dim3A_19 = vector.shape_cast %broadcast_in_dim3A_18 : vector<16xi32> to vector<16x1xi32>
    %gather3A_20 = vector.shape_cast %broadcast_in_dim3A_19 : vector<16x1xi32> to vector<16xi32>
    %gather3A_21 = tpu.dynamic_gather %get3A_16[%gather3A_20] in [0] : vector<16xf32>, vector<16xi32> -> vector<16xf32>
    %get3A_22 = arith.constant 0 : index
    %get3A_23 = tpu.vector_load %arg11[%get3A_22] {strides = array<i32>} : memref<16xf32, #tpu.memory_space<vmem>>, vector<16xf32>,
    %broadcast_in_dim3A_24 = arith.constant 2 : i32
    %broadcast_in_dim3A_25 = vector.broadcast %broadcast_in_dim3A_24 : i32 to vector<16xi32>
    %broadcast_in_dim3A_26 = vector.shape_cast %broadcast_in_dim3A_25 : vector<16xi32> to vector<16x1xi32>
    %gather3A_27 = vector.shape_cast %broadcast_in_dim3A_26 : vector<16x1xi32> to vector<16xi32>
    %gather3A_28 = tpu.dynamic_gather %get3A_23[%gather3A_27] in [0] : vector<16xf32>, vector<16xi32> -> vector<16xf32>
    %get3A_29 = arith.constant 0 : index
    %get3A_30 = tpu.vector_load %arg11[%get3A_29] {strides = array<i32>} : memref<16xf32, #tpu.memory_space<vmem>>, vector<16xf32>,
    %broadcast_in_dim3A_31 = arith.constant 3 : i32
    %broadcast_in_dim3A_32 = vector.broadcast %broadcast_in_dim3A_31 : i32 to vector<16xi32>
    %broadcast_in_dim3A_33 = vector.shape_cast %broadcast_in_dim3A_32 : vector<16xi32> to vector<16x1xi32>
    %gather3A_34 = vector.shape_cast %broadcast_in_dim3A_33 : vector<16x1xi32> to vector<16xi32>
    %gather3A_35 = tpu.dynamic_gather %get3A_30[%gather3A_34] in [0] : vector<16xf32>, vector<16xi32> -> vector<16xf32>
    %scan3A_36 = arith.constant 0 : i32
    %scan3A_37 = arith.constant 0 : i32
    %scan3A_38 = arith.constant 16 : i32
    %scan3A_39 = arith.addi %scan3A_37, %scan3A_38 : i32
    %scan3A_40 = arith.constant 1 : i32
    %scan3A_41 = scf.for %scan3A_43 = %scan3A_37 to %scan3A_39 step %scan3A_40 iter_args(%scan3A_44 = %scan3A_36) -> (i32)  : i32 {
      %mul3A_45 = arith.constant 672 : i32
      %mul3A_46 = arith.muli %scan3A_43, %mul3A_45 : i32
      %add3A_47 = arith.addi %mul3A_2, %mul3A_46 : i32
      "tpu.region"() ({
        %run_scoped3A = tpu.sem_alloc : memref<!tpu.dma_semaphore, #tpu.memory_space<semaphore_mem>>
        %dma_start3A = tpu.memref_slice %arg5[%add3A_47] : memref<344064xi32, #tpu.memory_space<hbm>> -> memref<672xi32, #tpu.memory_space<hbm>>
        %dma_start3A_58 = tpu.memref_slice %arg5[%add3A_47] : memref<344064xi32, #tpu.memory_space<hbm>> -> memref<672xi32, #tpu.memory_space<hbm>>
        tpu.enqueue_dma source(%dma_start3A_58 : memref<672xi32, #tpu.memory_space<hbm>>) target(%arg12 : memref<672xi32, #tpu.memory_space<vmem>>) target_semaphore(%run_scoped3A : memref<!tpu.dma_semaphore, #tpu.memory_space<semaphore_mem>>)
        %dma_wait3A = tpu.memref_slice %arg5[%add3A_47] : memref<344064xi32, #tpu.memory_space<hbm>> -> memref<672xi32, #tpu.memory_space<hbm>>
        %dma_wait3A_59 = tpu.memref_slice %arg5[%add3A_47] : memref<344064xi32, #tpu.memory_space<hbm>> -> memref<672xi32, #tpu.memory_space<hbm>>
        tpu.wait_dma2 semaphore(%run_scoped3A : memref<!tpu.dma_semaphore, #tpu.memory_space<semaphore_mem>>) src(%dma_wait3A_59 : memref<672xi32, #tpu.memory_space<hbm>>) dst(%arg12 : memref<672xi32, #tpu.memory_space<vmem>>)
        tpu.yield
      }) : () -> ()
      "tpu.region"() ({
        %run_scoped3A = tpu.sem_alloc : memref<!tpu.dma_semaphore, #tpu.memory_space<semaphore_mem>>
        %dma_start3A = tpu.memref_slice %arg6[%add3A_47] : memref<344064xi32, #tpu.memory_space<hbm>> -> memref<672xi32, #tpu.memory_space<hbm>>
        %dma_start3A_58 = tpu.memref_slice %arg6[%add3A_47] : memref<344064xi32, #tpu.memory_space<hbm>> -> memref<672xi32, #tpu.memory_space<hbm>>
        tpu.enqueue_dma source(%dma_start3A_58 : memref<672xi32, #tpu.memory_space<hbm>>) target(%arg13 : memref<672xi32, #tpu.memory_space<vmem>>) target_semaphore(%run_scoped3A : memref<!tpu.dma_semaphore, #tpu.memory_space<semaphore_mem>>)
        %dma_wait3A = tpu.memref_slice %arg6[%add3A_47] : memref<344064xi32, #tpu.memory_space<hbm>> -> memref<672xi32, #tpu.memory_space<hbm>>
        %dma_wait3A_59 = tpu.memref_slice %arg6[%add3A_47] : memref<344064xi32, #tpu.memory_space<hbm>> -> memref<672xi32, #tpu.memory_space<hbm>>
        tpu.wait_dma2 semaphore(%run_scoped3A : memref<!tpu.dma_semaphore, #tpu.memory_space<semaphore_mem>>) src(%dma_wait3A_59 : memref<672xi32, #tpu.memory_space<hbm>>) dst(%arg13 : memref<672xi32, #tpu.memory_space<vmem>>)
        tpu.yield
      }) : () -> ()
      %scan3A_48 = arith.constant 0 : i32
      %scan3A_49 = arith.constant 0 : i32
      %scan3A_50 = arith.constant 42 : i32
      %scan3A_51 = arith.addi %scan3A_49, %scan3A_50 : i32
      %scan3A_52 = arith.constant 1 : i32
      %scan3A_53 = scf.for %scan3A_58 = %scan3A_49 to %scan3A_51 step %scan3A_52 iter_args(%scan3A_59 = %scan3A_48) -> (i32)  : i32 {
        %mul3A_60 = arith.constant 16 : i32
        %mul3A_61 = arith.muli %scan3A_58, %mul3A_60 : i32
        %get3A_62 = arith.index_cast %mul3A_61 : i32 to index
        %get3A_63 = tpu.vector_load %arg12[%get3A_62] {strides = array<i32>} : memref<672xi32, #tpu.memory_space<vmem>>, vector<16xi32>,
        %mul3A_64 = arith.constant 16 : i32
        %mul3A_65 = arith.muli %scan3A_58, %mul3A_64 : i32
        %get3A_66 = arith.index_cast %mul3A_65 : i32 to index
        %get3A_67 = tpu.vector_load %arg13[%get3A_66] {strides = array<i32>} : memref<672xi32, #tpu.memory_space<vmem>>, vector<16xi32>,
        %min3A = arith.constant 9999 : i32
        %min3A_68 = vector.broadcast %min3A : i32 to vector<16xi32>
        %min3A_69 = arith.minsi %get3A_67, %min3A_68 : vector<16xi32>
        %mul3A_70 = arith.constant 16 : i32
        %mul3A_71 = arith.muli %scan3A_58, %mul3A_70 : i32
        %add3A_72 = arith.addi %add3A_47, %mul3A_71 : i32
        %add3A_73 = vector.broadcast %add3A_72 : i32 to vector<16xi32>
        %add3A_74 = arith.addi %add3A_73, %iota3A : vector<16xi32>
        %lt3A = arith.constant 330000 : i32
        %lt3A_75 = vector.broadcast %lt3A : i32 to vector<16xi32>
        %lt3A_76 = arith.cmpi slt, %add3A_74, %lt3A_75 : vector<16xi32>
        %mul3A_77 = arith.constant 16 : i32
        %mul3A_78 = arith.muli %scan3A_58, %mul3A_77 : i32
        %add3A_79 = vector.broadcast %mul3A_78 : i32 to vector<16xi32>
        %add3A_80 = arith.addi %add3A_79, %iota3A : vector<16xi32>
        %mul3A_81 = arith.constant 8 : i32
        %mul3A_82 = vector.broadcast %mul3A_81 : i32 to vector<16xi32>
        %mul3A_83 = arith.muli %add3A_80, %mul3A_82 : vector<16xi32>
        %bitcast3A = vector.bitcast %get3A_63 : vector<16xi32> to vector<16xf32>
        tpu.vector_store_idx %arg14[%mul3A_83], %bitcast3A : memref<5376xf32, #tpu.memory_space<vmem>>[vector<16xi32>], vector<16xf32>,
        %add3A_84 = arith.constant 1 : i32
        %add3A_85 = vector.broadcast %add3A_84 : i32 to vector<16xi32>
        %add3A_86 = arith.addi %mul3A_83, %add3A_85 : vector<16xi32>
        %mul3A_87 = arith.constant 16 : i32
        %mul3A_88 = arith.muli %scan3A_58, %mul3A_87 : i32
        %get3A_89 = arith.index_cast %mul3A_88 : i32 to index
        %get3A_90 = tpu.vector_load %arg13[%get3A_89] {strides = array<i32>} : memref<672xi32, #tpu.memory_space<vmem>>, vector<16xi32>,
        %bitcast3A_91 = vector.bitcast %get3A_90 : vector<16xi32> to vector<16xf32>
        tpu.vector_store_idx %arg14[%add3A_86], %bitcast3A_91 : memref<5376xf32, #tpu.memory_space<vmem>>[vector<16xi32>], vector<16xf32>,
        %mul3A_92 = arith.constant 4 : i32
        %mul3A_93 = vector.broadcast %mul3A_92 : i32 to vector<16xi32>
        %mul3A_94 = arith.muli %get3A_63, %mul3A_93 : vector<16xi32>
        %add3A_95 = arith.constant 0 : i32
        %add3A_96 = vector.broadcast %add3A_95 : i32 to vector<16xi32>
        %add3A_97 = arith.addi %mul3A_94, %add3A_96 : vector<16xi32>
        %gather3A_98 = tpu.vector_load_idx %arg9[%add3A_97] : memref<40000xf32, #tpu.memory_space<vmem>>[vector<16xi32>], vector<16xf32>,
        %mul3A_99 = arith.constant 4 : i32
        %mul3A_100 = vector.broadcast %mul3A_99 : i32 to vector<16xi32>
        %mul3A_101 = arith.muli %min3A_69, %mul3A_100 : vector<16xi32>
        %add3A_102 = arith.constant 0 : i32
        %add3A_103 = vector.broadcast %add3A_102 : i32 to vector<16xi32>
        %add3A_104 = arith.addi %mul3A_101, %add3A_103 : vector<16xi32>
        %gather3A_105 = tpu.vector_load_idx %arg10[%add3A_104] : memref<40000xf32, #tpu.memory_space<vmem>>[vector<16xi32>], vector<16xf32>,
        %add3A_106 = arith.addf %gather3A_98, %gather3A_105 : vector<16xf32>
        %ge3A = arith.constant 0.000000e+00 : f32
        %ge3A_107 = vector.broadcast %ge3A : f32 to vector<16xf32>
        %ge3A_108 = arith.cmpf oge, %add3A_106, %ge3A_107 : vector<16xf32>
        %mul3A_109 = arith.constant 2.000000e-01 : f32
        %mul3A_110 = vector.broadcast %mul3A_109 : f32 to vector<16xf32>
        %mul3A_111 = arith.mulf %mul3A_110, %add3A_106 : vector<16xf32>
        %select_n3A = arith.select %ge3A_108, %add3A_106, %mul3A_111 : vector<16xi1>, vector<16xf32>
        %sub3A = arith.subf %select_n3A, %gather3A_14 : vector<16xf32>
        %exp3A = math.exp %sub3A : vector<16xf32>
        %jit3A = arith.constant 0.000000e+00 : f32
        %broadcast_in_dim3A_112 = vector.broadcast %jit3A : f32 to vector<16xf32>
        %select_n3A_113 = arith.select %lt3A_76, %exp3A, %broadcast_in_dim3A_112 : vector<16xi1>, vector<16xf32>
        %add3A_114 = arith.constant 2 : i32
        %add3A_115 = vector.broadcast %add3A_114 : i32 to vector<16xi32>
        %add3A_116 = arith.addi %mul3A_83, %add3A_115 : vector<16xi32>
        %add3A_117 = arith.constant 0 : i32
        %add3A_118 = vector.broadcast %add3A_117 : i32 to vector<16xi32>
        %add3A_119 = arith.addi %add3A_116, %add3A_118 : vector<16xi32>
        tpu.vector_store_idx %arg14[%add3A_119], %select_n3A_113 : memref<5376xf32, #tpu.memory_space<vmem>>[vector<16xi32>], vector<16xf32>,
        %mul3A_120 = arith.constant 4 : i32
        %mul3A_121 = vector.broadcast %mul3A_120 : i32 to vector<16xi32>
        %mul3A_122 = arith.muli %min3A_69, %mul3A_121 : vector<16xi32>
        %add3A_123 = arith.constant 0 : i32
        %add3A_124 = vector.broadcast %add3A_123 : i32 to vector<16xi32>
        %add3A_125 = arith.addi %mul3A_122, %add3A_124 : vector<16xi32>
        tpu.vector_store_idx %arg15[%add3A_125], %select_n3A_113 {add = true} : memref<40000xf32, #tpu.memory_space<vmem>>[vector<16xi32>], vector<16xf32>,
        %mul3A_126 = arith.constant 4 : i32
        %mul3A_127 = vector.broadcast %mul3A_126 : i32 to vector<16xi32>
        %mul3A_128 = arith.muli %get3A_63, %mul3A_127 : vector<16xi32>
        %add3A_129 = arith.constant 1 : i32
        %add3A_130 = vector.broadcast %add3A_129 : i32 to vector<16xi32>
        %add3A_131 = arith.addi %mul3A_128, %add3A_130 : vector<16xi32>
        %gather3A_132 = tpu.vector_load_idx %arg9[%add3A_131] : memref<40000xf32, #tpu.memory_space<vmem>>[vector<16xi32>], vector<16xf32>,
        %mul3A_133 = arith.constant 4 : i32
        %mul3A_134 = vector.broadcast %mul3A_133 : i32 to vector<16xi32>
        %mul3A_135 = arith.muli %min3A_69, %mul3A_134 : vector<16xi32>
        %add3A_136 = arith.constant 1 : i32
        %add3A_137 = vector.broadcast %add3A_136 : i32 to vector<16xi32>
        %add3A_138 = arith.addi %mul3A_135, %add3A_137 : vector<16xi32>
        %gather3A_139 = tpu.vector_load_idx %arg10[%add3A_138] : memref<40000xf32, #tpu.memory_space<vmem>>[vector<16xi32>], vector<16xf32>,
        %add3A_140 = arith.addf %gather3A_132, %gather3A_139 : vector<16xf32>
        %ge3A_141 = arith.constant 0.000000e+00 : f32
        %ge3A_142 = vector.broadcast %ge3A_141 : f32 to vector<16xf32>
        %ge3A_143 = arith.cmpf oge, %add3A_140, %ge3A_142 : vector<16xf32>
        %mul3A_144 = arith.constant 2.000000e-01 : f32
        %mul3A_145 = vector.broadcast %mul3A_144 : f32 to vector<16xf32>
        %mul3A_146 = arith.mulf %mul3A_145, %add3A_140 : vector<16xf32>
        %select_n3A_147 = arith.select %ge3A_143, %add3A_140, %mul3A_146 : vector<16xi1>, vector<16xf32>
        %sub3A_148 = arith.subf %select_n3A_147, %gather3A_21 : vector<16xf32>
        %exp3A_149 = math.exp %sub3A_148 : vector<16xf32>
        %jit3A_150 = arith.constant 0.000000e+00 : f32
        %broadcast_in_dim3A_151 = vector.broadcast %jit3A_150 : f32 to vector<16xf32>
        %select_n3A_152 = arith.select %lt3A_76, %exp3A_149, %broadcast_in_dim3A_151 : vector<16xi1>, vector<16xf32>
        %add3A_153 = arith.constant 2 : i32
        %add3A_154 = vector.broadcast %add3A_153 : i32 to vector<16xi32>
        %add3A_155 = arith.addi %mul3A_83, %add3A_154 : vector<16xi32>
        %add3A_156 = arith.constant 1 : i32
        %add3A_157 = vector.broadcast %add3A_156 : i32 to vector<16xi32>
        %add3A_158 = arith.addi %add3A_155, %add3A_157 : vector<16xi32>
        tpu.vector_store_idx %arg14[%add3A_158], %select_n3A_152 : memref<5376xf32, #tpu.memory_space<vmem>>[vector<16xi32>], vector<16xf32>,
        %mul3A_159 = arith.constant 4 : i32
        %mul3A_160 = vector.broadcast %mul3A_159 : i32 to vector<16xi32>
        %mul3A_161 = arith.muli %min3A_69, %mul3A_160 : vector<16xi32>
        %add3A_162 = arith.constant 1 : i32
        %add3A_163 = vector.broadcast %add3A_162 : i32 to vector<16xi32>
        %add3A_164 = arith.addi %mul3A_161, %add3A_163 : vector<16xi32>
        tpu.vector_store_idx %arg15[%add3A_164], %select_n3A_152 {add = true} : memref<40000xf32, #tpu.memory_space<vmem>>[vector<16xi32>], vector<16xf32>,
        %mul3A_165 = arith.constant 4 : i32
        %mul3A_166 = vector.broadcast %mul3A_165 : i32 to vector<16xi32>
        %mul3A_167 = arith.muli %get3A_63, %mul3A_166 : vector<16xi32>
        %add3A_168 = arith.constant 2 : i32
        %add3A_169 = vector.broadcast %add3A_168 : i32 to vector<16xi32>
        %add3A_170 = arith.addi %mul3A_167, %add3A_169 : vector<16xi32>
        %gather3A_171 = tpu.vector_load_idx %arg9[%add3A_170] : memref<40000xf32, #tpu.memory_space<vmem>>[vector<16xi32>], vector<16xf32>,
        %mul3A_172 = arith.constant 4 : i32
        %mul3A_173 = vector.broadcast %mul3A_172 : i32 to vector<16xi32>
        %mul3A_174 = arith.muli %min3A_69, %mul3A_173 : vector<16xi32>
        %add3A_175 = arith.constant 2 : i32
        %add3A_176 = vector.broadcast %add3A_175 : i32 to vector<16xi32>
        %add3A_177 = arith.addi %mul3A_174, %add3A_176 : vector<16xi32>
        %gather3A_178 = tpu.vector_load_idx %arg10[%add3A_177] : memref<40000xf32, #tpu.memory_space<vmem>>[vector<16xi32>], vector<16xf32>,
        %add3A_179 = arith.addf %gather3A_171, %gather3A_178 : vector<16xf32>
        %ge3A_180 = arith.constant 0.000000e+00 : f32
        %ge3A_181 = vector.broadcast %ge3A_180 : f32 to vector<16xf32>
        %ge3A_182 = arith.cmpf oge, %add3A_179, %ge3A_181 : vector<16xf32>
        %mul3A_183 = arith.constant 2.000000e-01 : f32
        %mul3A_184 = vector.broadcast %mul3A_183 : f32 to vector<16xf32>
        %mul3A_185 = arith.mulf %mul3A_184, %add3A_179 : vector<16xf32>
        %select_n3A_186 = arith.select %ge3A_182, %add3A_179, %mul3A_185 : vector<16xi1>, vector<16xf32>
        %sub3A_187 = arith.subf %select_n3A_186, %gather3A_28 : vector<16xf32>
        %exp3A_188 = math.exp %sub3A_187 : vector<16xf32>
        %jit3A_189 = arith.constant 0.000000e+00 : f32
        %broadcast_in_dim3A_190 = vector.broadcast %jit3A_189 : f32 to vector<16xf32>
        %select_n3A_191 = arith.select %lt3A_76, %exp3A_188, %broadcast_in_dim3A_190 : vector<16xi1>, vector<16xf32>
        %add3A_192 = arith.constant 2 : i32
        %add3A_193 = vector.broadcast %add3A_192 : i32 to vector<16xi32>
        %add3A_194 = arith.addi %mul3A_83, %add3A_193 : vector<16xi32>
        %add3A_195 = arith.constant 2 : i32
        %add3A_196 = vector.broadcast %add3A_195 : i32 to vector<16xi32>
        %add3A_197 = arith.addi %add3A_194, %add3A_196 : vector<16xi32>
        tpu.vector_store_idx %arg14[%add3A_197], %select_n3A_191 : memref<5376xf32, #tpu.memory_space<vmem>>[vector<16xi32>], vector<16xf32>,
        %mul3A_198 = arith.constant 4 : i32
        %mul3A_199 = vector.broadcast %mul3A_198 : i32 to vector<16xi32>
        %mul3A_200 = arith.muli %min3A_69, %mul3A_199 : vector<16xi32>
        %add3A_201 = arith.constant 2 : i32
        %add3A_202 = vector.broadcast %add3A_201 : i32 to vector<16xi32>
        %add3A_203 = arith.addi %mul3A_200, %add3A_202 : vector<16xi32>
        tpu.vector_store_idx %arg15[%add3A_203], %select_n3A_191 {add = true} : memref<40000xf32, #tpu.memory_space<vmem>>[vector<16xi32>], vector<16xf32>,
        %mul3A_204 = arith.constant 4 : i32
        %mul3A_205 = vector.broadcast %mul3A_204 : i32 to vector<16xi32>
        %mul3A_206 = arith.muli %get3A_63, %mul3A_205 : vector<16xi32>
        %add3A_207 = arith.constant 3 : i32
        %add3A_208 = vector.broadcast %add3A_207 : i32 to vector<16xi32>
        %add3A_209 = arith.addi %mul3A_206, %add3A_208 : vector<16xi32>
        %gather3A_210 = tpu.vector_load_idx %arg9[%add3A_209] : memref<40000xf32, #tpu.memory_space<vmem>>[vector<16xi32>], vector<16xf32>,
        %mul3A_211 = arith.constant 4 : i32
        %mul3A_212 = vector.broadcast %mul3A_211 : i32 to vector<16xi32>
        %mul3A_213 = arith.muli %min3A_69, %mul3A_212 : vector<16xi32>
        %add3A_214 = arith.constant 3 : i32
        %add3A_215 = vector.broadcast %add3A_214 : i32 to vector<16xi32>
        %add3A_216 = arith.addi %mul3A_213, %add3A_215 : vector<16xi32>
        %gather3A_217 = tpu.vector_load_idx %arg10[%add3A_216] : memref<40000xf32, #tpu.memory_space<vmem>>[vector<16xi32>], vector<16xf32>,
        %add3A_218 = arith.addf %gather3A_210, %gather3A_217 : vector<16xf32>
        %ge3A_219 = arith.constant 0.000000e+00 : f32
        %ge3A_220 = vector.broadcast %ge3A_219 : f32 to vector<16xf32>
        %ge3A_221 = arith.cmpf oge, %add3A_218, %ge3A_220 : vector<16xf32>
        %mul3A_222 = arith.constant 2.000000e-01 : f32
        %mul3A_223 = vector.broadcast %mul3A_222 : f32 to vector<16xf32>
        %mul3A_224 = arith.mulf %mul3A_223, %add3A_218 : vector<16xf32>
        %select_n3A_225 = arith.select %ge3A_221, %add3A_218, %mul3A_224 : vector<16xi1>, vector<16xf32>
        %sub3A_226 = arith.subf %select_n3A_225, %gather3A_35 : vector<16xf32>
        %exp3A_227 = math.exp %sub3A_226 : vector<16xf32>
        %jit3A_228 = arith.constant 0.000000e+00 : f32
        %broadcast_in_dim3A_229 = vector.broadcast %jit3A_228 : f32 to vector<16xf32>
        %select_n3A_230 = arith.select %lt3A_76, %exp3A_227, %broadcast_in_dim3A_229 : vector<16xi1>, vector<16xf32>
        %add3A_231 = arith.constant 2 : i32
        %add3A_232 = vector.broadcast %add3A_231 : i32 to vector<16xi32>
        %add3A_233 = arith.addi %mul3A_83, %add3A_232 : vector<16xi32>
        %add3A_234 = arith.constant 3 : i32
        %add3A_235 = vector.broadcast %add3A_234 : i32 to vector<16xi32>
        %add3A_236 = arith.addi %add3A_233, %add3A_235 : vector<16xi32>
        tpu.vector_store_idx %arg14[%add3A_236], %select_n3A_230 : memref<5376xf32, #tpu.memory_space<vmem>>[vector<16xi32>], vector<16xf32>,
        %mul3A_237 = arith.constant 4 : i32
        %mul3A_238 = vector.broadcast %mul3A_237 : i32 to vector<16xi32>
        %mul3A_239 = arith.muli %min3A_69, %mul3A_238 : vector<16xi32>
        %add3A_240 = arith.constant 3 : i32
        %add3A_241 = vector.broadcast %add3A_240 : i32 to vector<16xi32>
        %add3A_242 = arith.addi %mul3A_239, %add3A_241 : vector<16xi32>
        tpu.vector_store_idx %arg15[%add3A_242], %select_n3A_230 {add = true} : memref<40000xf32, #tpu.memory_space<vmem>>[vector<16xi32>], vector<16xf32>,
        %scan3A_243 = arith.constant 0 : i32
        scf.yield %scan3A_243 : i32
      }
      %scan3A_54 = arith.constant 42 : i32
      %mul3A_55 = arith.constant 8 : i32
      %mul3A_56 = arith.muli %add3A_47, %mul3A_55 : i32
      "tpu.region"() ({
        %run_scoped3A = tpu.sem_alloc : memref<!tpu.dma_semaphore, #tpu.memory_space<semaphore_mem>>
        %dma_start3A = tpu.memref_slice %arg7[%mul3A_56] : memref<2752512xf32, #tpu.memory_space<hbm>> -> memref<5376xf32, #tpu.memory_space<hbm>>
        %dma_start3A_58 = tpu.memref_slice %arg7[%mul3A_56] : memref<2752512xf32, #tpu.memory_space<hbm>> -> memref<5376xf32, #tpu.memory_space<hbm>>
        tpu.enqueue_dma source(%arg14 : memref<5376xf32, #tpu.memory_space<vmem>>) target(%dma_start3A_58 : memref<5376xf32, #tpu.memory_space<hbm>>) target_semaphore(%run_scoped3A : memref<!tpu.dma_semaphore, #tpu.memory_space<semaphore_mem>>)
        %dma_wait3A = tpu.memref_slice %arg7[%mul3A_56] : memref<2752512xf32, #tpu.memory_space<hbm>> -> memref<5376xf32, #tpu.memory_space<hbm>>
        %dma_wait3A_59 = tpu.memref_slice %arg7[%mul3A_56] : memref<2752512xf32, #tpu.memory_space<hbm>> -> memref<5376xf32, #tpu.memory_space<hbm>>
        tpu.wait_dma2 semaphore(%run_scoped3A : memref<!tpu.dma_semaphore, #tpu.memory_space<semaphore_mem>>) src(%arg14 : memref<5376xf32, #tpu.memory_space<vmem>>) dst(%dma_wait3A_59 : memref<5376xf32, #tpu.memory_space<hbm>>)
        tpu.yield
      }) : () -> ()
      %scan3A_57 = arith.constant 0 : i32
      scf.yield %scan3A_57 : i32
    }
    %scan3A_42 = arith.constant 16 : i32
    "tpu.region"() ({
      %run_scoped3A = tpu.sem_alloc : memref<!tpu.dma_semaphore, #tpu.memory_space<semaphore_mem>>
      %dma_start3A = arith.constant 0 : i32
      %dma_start3A_43 = tpu.memref_slice %arg8[%add3A, %dma_start3A] : memref<32x40000xf32, #tpu.memory_space<hbm>> -> memref<1x40000xf32, #tpu.memory_space<hbm>>
      %dma_start3A_44 = tpu.memref_squeeze %dma_start3A_43 : memref<1x40000xf32, #tpu.memory_space<hbm>> -> memref<40000xf32, #tpu.memory_space<hbm>>
      %dma_start3A_45 = arith.constant 0 : i32
      %dma_start3A_46 = tpu.memref_slice %arg8[%add3A, %dma_start3A_45] : memref<32x40000xf32, #tpu.memory_space<hbm>> -> memref<1x40000xf32, #tpu.memory_space<hbm>>
      %dma_start3A_47 = tpu.memref_squeeze %dma_start3A_46 : memref<1x40000xf32, #tpu.memory_space<hbm>> -> memref<40000xf32, #tpu.memory_space<hbm>>
      tpu.enqueue_dma source(%arg15 : memref<40000xf32, #tpu.memory_space<vmem>>) target(%dma_start3A_47 : memref<40000xf32, #tpu.memory_space<hbm>>) target_semaphore(%run_scoped3A : memref<!tpu.dma_semaphore, #tpu.memory_space<semaphore_mem>>)
      %dma_wait3A = arith.constant 0 : i32
      %dma_wait3A_48 = tpu.memref_slice %arg8[%add3A, %dma_wait3A] : memref<32x40000xf32, #tpu.memory_space<hbm>> -> memref<1x40000xf32, #tpu.memory_space<hbm>>
      %dma_wait3A_49 = tpu.memref_squeeze %dma_wait3A_48 : memref<1x40000xf32, #tpu.memory_space<hbm>> -> memref<40000xf32, #tpu.memory_space<hbm>>
      %dma_wait3A_50 = arith.constant 0 : i32
      %dma_wait3A_51 = tpu.memref_slice %arg8[%add3A, %dma_wait3A_50] : memref<32x40000xf32, #tpu.memory_space<hbm>> -> memref<1x40000xf32, #tpu.memory_space<hbm>>
      %dma_wait3A_52 = tpu.memref_squeeze %dma_wait3A_51 : memref<1x40000xf32, #tpu.memory_space<hbm>> -> memref<40000xf32, #tpu.memory_space<hbm>>
      tpu.wait_dma2 semaphore(%run_scoped3A : memref<!tpu.dma_semaphore, #tpu.memory_space<semaphore_mem>>) src(%arg15 : memref<40000xf32, #tpu.memory_space<vmem>>) dst(%dma_wait3A_52 : memref<40000xf32, #tpu.memory_space<hbm>>)
      tpu.yield
    }) : () -> ()
    return
  }
}

module attributes {stable_mosaic.version = 14 : i64} {
  func.func @_phase_a_body(%arg0: i32, %arg1: memref<1000x128xf32, #tpu.memory_space<vmem>>, %arg2: memref<128x128xf32, #tpu.memory_space<vmem>>, %arg3: memref<128x4xf32, #tpu.memory_space<vmem>>, %arg4: memref<128x4xf32, #tpu.memory_space<vmem>>, %arg5: memref<1000x128xf32, #tpu.memory_space<vmem>>, %arg6: memref<1000x4xf32, #tpu.memory_space<vmem>>, %arg7: memref<1000x4xf32, #tpu.memory_space<vmem>>, %arg8: memref<1x4xf32, #tpu.memory_space<vmem>>, %arg9: memref<1x4xf32, #tpu.memory_space<vmem>>, %arg10: memref<1x4xf32, #tpu.memory_space<vmem>>) attributes {dimension_semantics = [#tpu.dimension_semantics<arbitrary>], iteration_bounds = array<i64: 10>, scalar_prefetch = 0 : i64, scratch_operands = 2 : i64, tpu.core_type = #tpu.core_type<tc>, window_params = [{transform_indices = @transform_0, window_bounds = array<i64: 1000, 128>}, {pipeline_mode = #tpu.pipeline_mode<synchronous>, transform_indices = @transform_1, window_bounds = array<i64: 128, 128>}, {pipeline_mode = #tpu.pipeline_mode<synchronous>, transform_indices = @transform_2, window_bounds = array<i64: 128, 4>}, {pipeline_mode = #tpu.pipeline_mode<synchronous>, transform_indices = @transform_3, window_bounds = array<i64: 128, 4>}, {transform_indices = @transform_4, window_bounds = array<i64: 1000, 128>}, {transform_indices = @transform_5, window_bounds = array<i64: 1000, 4>}, {transform_indices = @transform_6, window_bounds = array<i64: 1000, 4>}, {pipeline_mode = #tpu.pipeline_mode<synchronous>, transform_indices = @transform_7, window_bounds = array<i64: 1, 4>}]} {
    %get3A = arith.constant 0 : index
    %get3A_0 = arith.constant 0 : index
    %get3A_1 = vector.load %arg1[%get3A, %get3A_0] : memref<1000x128xf32, #tpu.memory_space<vmem>>, vector<1000x128xf32>
    %get3A_2 = arith.constant 0 : index
    %get3A_3 = arith.constant 0 : index
    %get3A_4 = vector.load %arg2[%get3A_2, %get3A_3] : memref<128x128xf32, #tpu.memory_space<vmem>>, vector<128x128xf32>
    %dot_general3A = arith.constant dense<0.000000e+00> : vector<1000x128xf32>
    %dot_general3A_5 = tpu.matmul %get3A_1, %get3A_4, %dot_general3A {dimension_numbers = #tpu.dot_dimension_numbers<[1], [0], [0], [1], [0, 0, 1, 1], [], []>, transpose_lhs_hint = false} : vector<1000x128xf32>, vector<128x128xf32>, vector<1000x128xf32> -> vector<1000x128xf32>
    %swap3A = arith.constant 0 : index
    %swap3A_6 = arith.constant 0 : index
    %swap3A_7 = vector.load %arg5[%swap3A, %swap3A_6] : memref<1000x128xf32, #tpu.memory_space<vmem>>, vector<1000x128xf32>
    tpu.vector_store %arg5[%swap3A, %swap3A_6], %dot_general3A_5 {strides = array<i32>} : memref<1000x128xf32, #tpu.memory_space<vmem>>, vector<1000x128xf32>,
    %get3A_8 = arith.constant 0 : index
    %get3A_9 = arith.constant 0 : index
    %get3A_10 = vector.load %arg3[%get3A_8, %get3A_9] : memref<128x4xf32, #tpu.memory_space<vmem>>, vector<128x4xf32>
    %dot_general3A_11 = arith.constant dense<0.000000e+00> : vector<1000x4xf32>
    %dot_general3A_12 = tpu.matmul %dot_general3A_5, %get3A_10, %dot_general3A_11 {dimension_numbers = #tpu.dot_dimension_numbers<[1], [0], [0], [1], [0, 0, 1, 1], [], []>, transpose_lhs_hint = false} : vector<1000x128xf32>, vector<128x4xf32>, vector<1000x4xf32> -> vector<1000x4xf32>
    %get3A_13 = arith.constant 0 : index
    %get3A_14 = arith.constant 0 : index
    %get3A_15 = vector.load %arg4[%get3A_13, %get3A_14] : memref<128x4xf32, #tpu.memory_space<vmem>>, vector<128x4xf32>
    %dot_general3A_16 = arith.constant dense<0.000000e+00> : vector<1000x4xf32>
    %dot_general3A_17 = tpu.matmul %dot_general3A_5, %get3A_15, %dot_general3A_16 {dimension_numbers = #tpu.dot_dimension_numbers<[1], [0], [0], [1], [0, 0, 1, 1], [], []>, transpose_lhs_hint = false} : vector<1000x128xf32>, vector<128x4xf32>, vector<1000x4xf32> -> vector<1000x4xf32>
    %swap3A_18 = arith.constant 0 : index
    %swap3A_19 = arith.constant 0 : index
    %swap3A_20 = vector.load %arg6[%swap3A_18, %swap3A_19] : memref<1000x4xf32, #tpu.memory_space<vmem>>, vector<1000x4xf32>
    tpu.vector_store %arg6[%swap3A_18, %swap3A_19], %dot_general3A_12 {strides = array<i32>} : memref<1000x4xf32, #tpu.memory_space<vmem>>, vector<1000x4xf32>,
    %swap3A_21 = arith.constant 0 : index
    %swap3A_22 = arith.constant 0 : index
    %swap3A_23 = vector.load %arg7[%swap3A_21, %swap3A_22] : memref<1000x4xf32, #tpu.memory_space<vmem>>, vector<1000x4xf32>
    tpu.vector_store %arg7[%swap3A_21, %swap3A_22], %dot_general3A_17 {strides = array<i32>} : memref<1000x4xf32, #tpu.memory_space<vmem>>, vector<1000x4xf32>,
    %reduce_max3A = arith.constant dense<0xFF800000> : vector<4xf32>
    %reduce_max3A_24 = vector.multi_reduction <maximumf>, %dot_general3A_12, %reduce_max3A [0] : vector<1000x4xf32> to vector<4xf32>
    %broadcast_in_dim3A = vector.shape_cast %reduce_max3A_24 : vector<4xf32> to vector<1x4xf32>
    %reduce_max3A_25 = arith.constant dense<0xFF800000> : vector<4xf32>
    %reduce_max3A_26 = vector.multi_reduction <maximumf>, %dot_general3A_17, %reduce_max3A_25 [0] : vector<1000x4xf32> to vector<4xf32>
    %broadcast_in_dim3A_27 = vector.shape_cast %reduce_max3A_26 : vector<4xf32> to vector<1x4xf32>
    %eq3A = arith.constant 0 : i32
    %eq3A_28 = arith.cmpi eq, %arg0, %eq3A : i32
    %convert_element_type3A = arith.extui %eq3A_28 : i1 to i32
    %cond3A = arith.constant 0 : i32
    %cond3A_29 = arith.cmpi ne, %convert_element_type3A, %cond3A : i32
    scf.if %cond3A_29 {
      %swap3A_39 = arith.constant 0 : index
      %swap3A_40 = arith.constant 0 : index
      %swap3A_41 = vector.load %arg9[%swap3A_39, %swap3A_40] : memref<1x4xf32, #tpu.memory_space<vmem>>, vector<1x4xf32>
      tpu.vector_store %arg9[%swap3A_39, %swap3A_40], %broadcast_in_dim3A {strides = array<i32>} : memref<1x4xf32, #tpu.memory_space<vmem>>, vector<1x4xf32>,
      %swap3A_42 = arith.constant 0 : index
      %swap3A_43 = arith.constant 0 : index
      %swap3A_44 = vector.load %arg10[%swap3A_42, %swap3A_43] : memref<1x4xf32, #tpu.memory_space<vmem>>, vector<1x4xf32>
      tpu.vector_store %arg10[%swap3A_42, %swap3A_43], %broadcast_in_dim3A_27 {strides = array<i32>} : memref<1x4xf32, #tpu.memory_space<vmem>>, vector<1x4xf32>,
    } else {
    }
    %gt3A = arith.constant 0 : i32
    %gt3A_30 = arith.cmpi sgt, %arg0, %gt3A : i32
    %convert_element_type3A_31 = arith.extui %gt3A_30 : i1 to i32
    %cond3A_32 = arith.constant 0 : i32
    %cond3A_33 = arith.cmpi ne, %convert_element_type3A_31, %cond3A_32 : i32
    scf.if %cond3A_33 {
      %get3A_39 = arith.constant 0 : index
      %get3A_40 = arith.constant 0 : index
      %get3A_41 = vector.load %arg9[%get3A_39, %get3A_40] : memref<1x4xf32, #tpu.memory_space<vmem>>, vector<1x4xf32>
      %max3A = arith.maximumf %get3A_41, %broadcast_in_dim3A : vector<1x4xf32>
      %swap3A_42 = arith.constant 0 : index
      %swap3A_43 = arith.constant 0 : index
      %swap3A_44 = vector.load %arg9[%swap3A_42, %swap3A_43] : memref<1x4xf32, #tpu.memory_space<vmem>>, vector<1x4xf32>
      tpu.vector_store %arg9[%swap3A_42, %swap3A_43], %max3A {strides = array<i32>} : memref<1x4xf32, #tpu.memory_space<vmem>>, vector<1x4xf32>,
      %get3A_45 = arith.constant 0 : index
      %get3A_46 = arith.constant 0 : index
      %get3A_47 = vector.load %arg10[%get3A_45, %get3A_46] : memref<1x4xf32, #tpu.memory_space<vmem>>, vector<1x4xf32>
      %max3A_48 = arith.maximumf %get3A_47, %broadcast_in_dim3A_27 : vector<1x4xf32>
      %swap3A_49 = arith.constant 0 : index
      %swap3A_50 = arith.constant 0 : index
      %swap3A_51 = vector.load %arg10[%swap3A_49, %swap3A_50] : memref<1x4xf32, #tpu.memory_space<vmem>>, vector<1x4xf32>
      tpu.vector_store %arg10[%swap3A_49, %swap3A_50], %max3A_48 {strides = array<i32>} : memref<1x4xf32, #tpu.memory_space<vmem>>, vector<1x4xf32>,
    } else {
    }
    %eq3A_34 = arith.constant 9 : i32
    %eq3A_35 = arith.cmpi eq, %arg0, %eq3A_34 : i32
    %convert_element_type3A_36 = arith.extui %eq3A_35 : i1 to i32
    %cond3A_37 = arith.constant 0 : i32
    %cond3A_38 = arith.cmpi ne, %convert_element_type3A_36, %cond3A_37 : i32
    scf.if %cond3A_38 {
      %get3A_39 = arith.constant 0 : index
      %get3A_40 = arith.constant 0 : index
      %get3A_41 = vector.load %arg9[%get3A_39, %get3A_40] : memref<1x4xf32, #tpu.memory_space<vmem>>, vector<1x4xf32>
      %get3A_42 = arith.constant 0 : index
      %get3A_43 = arith.constant 0 : index
      %get3A_44 = vector.load %arg10[%get3A_42, %get3A_43] : memref<1x4xf32, #tpu.memory_space<vmem>>, vector<1x4xf32>
      %add3A = arith.addf %get3A_41, %get3A_44 : vector<1x4xf32>
      %ge3A = arith.constant 0.000000e+00 : f32
      %ge3A_45 = vector.broadcast %ge3A : f32 to vector<1x4xf32>
      %ge3A_46 = arith.cmpf oge, %add3A, %ge3A_45 : vector<1x4xf32>
      %mul3A = arith.constant 2.000000e-01 : f32
      %mul3A_47 = vector.broadcast %mul3A : f32 to vector<1x4xf32>
      %mul3A_48 = arith.mulf %mul3A_47, %add3A : vector<1x4xf32>
      %select_n3A = arith.select %ge3A_46, %add3A, %mul3A_48 : vector<1x4xi1>, vector<1x4xf32>
      %swap3A_49 = arith.constant 0 : index
      %swap3A_50 = arith.constant 0 : index
      %swap3A_51 = vector.load %arg8[%swap3A_49, %swap3A_50] : memref<1x4xf32, #tpu.memory_space<vmem>>, vector<1x4xf32>
      tpu.vector_store %arg8[%swap3A_49, %swap3A_50], %select_n3A {strides = array<i32>} : memref<1x4xf32, #tpu.memory_space<vmem>>, vector<1x4xf32>,
    } else {
    }
    return
  }
  func.func @transform_0(%arg0: i32) -> (i32, i32) {
    %c0_i32 = arith.constant 0 : i32
    %c0_i32_0 = arith.constant 0 : i32
    return %arg0, %c0_i32 : i32, i32
  }
  func.func @transform_1(%arg0: i32) -> (i32, i32) {
    %c0_i32 = arith.constant 0 : i32
    %c0_i32_0 = arith.constant 0 : i32
    %c0_i32_1 = arith.constant 0 : i32
    return %c0_i32, %c0_i32_0 : i32, i32
  }
  func.func @transform_2(%arg0: i32) -> (i32, i32) {
    %c0_i32 = arith.constant 0 : i32
    %c0_i32_0 = arith.constant 0 : i32
    %c0_i32_1 = arith.constant 0 : i32
    return %c0_i32, %c0_i32_0 : i32, i32
  }
  func.func @transform_3(%arg0: i32) -> (i32, i32) {
    %c0_i32 = arith.constant 0 : i32
    %c0_i32_0 = arith.constant 0 : i32
    %c0_i32_1 = arith.constant 0 : i32
    return %c0_i32, %c0_i32_0 : i32, i32
  }
  func.func @transform_4(%arg0: i32) -> (i32, i32) {
    %c0_i32 = arith.constant 0 : i32
    %c0_i32_0 = arith.constant 0 : i32
    return %arg0, %c0_i32 : i32, i32
  }
  func.func @transform_5(%arg0: i32) -> (i32, i32) {
    %c0_i32 = arith.constant 0 : i32
    %c0_i32_0 = arith.constant 0 : i32
    return %arg0, %c0_i32 : i32, i32
  }
  func.func @transform_6(%arg0: i32) -> (i32, i32) {
    %c0_i32 = arith.constant 0 : i32
    %c0_i32_0 = arith.constant 0 : i32
    return %arg0, %c0_i32 : i32, i32
  }
  func.func @transform_7(%arg0: i32) -> (i32, i32) {
    %c0_i32 = arith.constant 0 : i32
    %c0_i32_0 = arith.constant 0 : i32
    %c0_i32_1 = arith.constant 0 : i32
    return %c0_i32, %c0_i32_0 : i32, i32
  }
}

module attributes {stable_mosaic.version = 14 : i64} {
  func.func @_phase_d_body(%arg0: i32, %arg1: memref<2x1000x128xf32, #tpu.memory_space<vmem>>, %arg2: memref<1000x128xf32, #tpu.memory_space<vmem>>, %arg3: memref<1000x128xf32, #tpu.memory_space<vmem>>, %arg4: memref<128x128xf32, #tpu.memory_space<vmem>>, %arg5: memref<1x128xf32, #tpu.memory_space<vmem>>, %arg6: memref<1x128xf32, #tpu.memory_space<vmem>>, %arg7: memref<1x128xf32, #tpu.memory_space<vmem>>, %arg8: memref<1000x128xf32, #tpu.memory_space<vmem>>) attributes {dimension_semantics = [#tpu.dimension_semantics<arbitrary>], iteration_bounds = array<i64: 10>, scalar_prefetch = 0 : i64, scratch_operands = 0 : i64, tpu.core_type = #tpu.core_type<tc>, window_params = [{transform_indices = @transform_0, window_bounds = array<i64: 2, 1000, 128>}, {transform_indices = @transform_1, window_bounds = array<i64: 1000, 128>}, {transform_indices = @transform_2, window_bounds = array<i64: 1000, 128>}, {pipeline_mode = #tpu.pipeline_mode<synchronous>, transform_indices = @transform_3, window_bounds = array<i64: 128, 128>}, {pipeline_mode = #tpu.pipeline_mode<synchronous>, transform_indices = @transform_4, window_bounds = array<i64: 1, 128>}, {pipeline_mode = #tpu.pipeline_mode<synchronous>, transform_indices = @transform_5, window_bounds = array<i64: 1, 128>}, {pipeline_mode = #tpu.pipeline_mode<synchronous>, transform_indices = @transform_6, window_bounds = array<i64: 1, 128>}, {transform_indices = @transform_7, window_bounds = array<i64: 1000, 128>}]} {
    %get3A = arith.constant 0 : index
    %get3A_0 = arith.constant 0 : index
    %get3A_1 = arith.constant 0 : index
    %get3A_2 = vector.load %arg1[%get3A, %get3A_0, %get3A_1] : memref<2x1000x128xf32, #tpu.memory_space<vmem>>, vector<1x1000x128xf32>
    %get3A_3 = vector.shape_cast %get3A_2 : vector<1x1000x128xf32> to vector<1000x128xf32>
    %get3A_4 = arith.constant 1 : index
    %get3A_5 = arith.constant 0 : index
    %get3A_6 = arith.constant 0 : index
    %get3A_7 = vector.load %arg1[%get3A_4, %get3A_5, %get3A_6] : memref<2x1000x128xf32, #tpu.memory_space<vmem>>, vector<1x1000x128xf32>
    %get3A_8 = vector.shape_cast %get3A_7 : vector<1x1000x128xf32> to vector<1000x128xf32>
    %add3A = arith.addf %get3A_3, %get3A_8 : vector<1000x128xf32>
    %get3A_9 = arith.constant 0 : index
    %get3A_10 = arith.constant 0 : index
    %get3A_11 = vector.load %arg2[%get3A_9, %get3A_10] : memref<1000x128xf32, #tpu.memory_space<vmem>>, vector<1000x128xf32>
    %get3A_12 = arith.constant 0 : index
    %get3A_13 = arith.constant 0 : index
    %get3A_14 = vector.load %arg4[%get3A_12, %get3A_13] : memref<128x128xf32, #tpu.memory_space<vmem>>, vector<128x128xf32>
    %dot_general3A = arith.constant dense<0.000000e+00> : vector<1000x128xf32>
    %dot_general3A_15 = tpu.matmul %get3A_11, %get3A_14, %dot_general3A {dimension_numbers = #tpu.dot_dimension_numbers<[1], [0], [0], [1], [0, 0, 1, 1], [], []>, transpose_lhs_hint = false} : vector<1000x128xf32>, vector<128x128xf32>, vector<1000x128xf32> -> vector<1000x128xf32>
    %div3A = arith.divf %add3A, %dot_general3A_15 : vector<1000x128xf32>
    %get3A_16 = arith.constant 0 : index
    %get3A_17 = arith.constant 0 : index
    %get3A_18 = vector.load %arg5[%get3A_16, %get3A_17] : memref<1x128xf32, #tpu.memory_space<vmem>>, vector<1x128xf32>
    %add3A_19 = vector.broadcast %get3A_18 : vector<1x128xf32> to vector<1000x128xf32>
    %add3A_20 = arith.addf %div3A, %add3A_19 : vector<1000x128xf32>
    %reduce_sum3A = arith.constant dense<0.000000e+00> : vector<1000xf32>
    %reduce_sum3A_21 = vector.multi_reduction <add>, %add3A_20, %reduce_sum3A [1] : vector<1000x128xf32> to vector<1000xf32>
    %broadcast_in_dim3A = vector.shape_cast %reduce_sum3A_21 : vector<1000xf32> to vector<1000x1xf32>
    %div3A_22 = arith.constant 1.280000e+02 : f32
    %div3A_23 = vector.broadcast %div3A_22 : f32 to vector<1000x1xf32>
    %div3A_24 = arith.divf %broadcast_in_dim3A, %div3A_23 : vector<1000x1xf32>
    %sub3A = vector.broadcast %div3A_24 : vector<1000x1xf32> to vector<1000x128xf32>
    %sub3A_25 = arith.subf %add3A_20, %sub3A : vector<1000x128xf32>
    %mul3A = arith.mulf %sub3A_25, %sub3A_25 : vector<1000x128xf32>
    %reduce_sum3A_26 = arith.constant dense<0.000000e+00> : vector<1000xf32>
    %reduce_sum3A_27 = vector.multi_reduction <add>, %mul3A, %reduce_sum3A_26 [1] : vector<1000x128xf32> to vector<1000xf32>
    %broadcast_in_dim3A_28 = vector.shape_cast %reduce_sum3A_27 : vector<1000xf32> to vector<1000x1xf32>
    %div3A_29 = arith.constant 1.280000e+02 : f32
    %div3A_30 = vector.broadcast %div3A_29 : f32 to vector<1000x1xf32>
    %div3A_31 = arith.divf %broadcast_in_dim3A_28, %div3A_30 : vector<1000x1xf32>
    %add3A_32 = arith.constant 9.99999996E-13 : f32
    %add3A_33 = vector.broadcast %add3A_32 : f32 to vector<1000x1xf32>
    %add3A_34 = arith.addf %div3A_31, %add3A_33 : vector<1000x1xf32>
    %sqrt3A = math.sqrt %add3A_34 : vector<1000x1xf32>
    %div3A_35 = vector.broadcast %sqrt3A : vector<1000x1xf32> to vector<1000x128xf32>
    %div3A_36 = arith.divf %sub3A_25, %div3A_35 : vector<1000x128xf32>
    %get3A_37 = arith.constant 0 : index
    %get3A_38 = arith.constant 0 : index
    %get3A_39 = vector.load %arg3[%get3A_37, %get3A_38] : memref<1000x128xf32, #tpu.memory_space<vmem>>, vector<1000x128xf32>
    %get3A_40 = arith.constant 0 : index
    %get3A_41 = arith.constant 0 : index
    %get3A_42 = vector.load %arg6[%get3A_40, %get3A_41] : memref<1x128xf32, #tpu.memory_space<vmem>>, vector<1x128xf32>
    %mul3A_43 = vector.broadcast %get3A_42 : vector<1x128xf32> to vector<1000x128xf32>
    %mul3A_44 = arith.mulf %div3A_36, %mul3A_43 : vector<1000x128xf32>
    %add3A_45 = arith.addf %get3A_39, %mul3A_44 : vector<1000x128xf32>
    %get3A_46 = arith.constant 0 : index
    %get3A_47 = arith.constant 0 : index
    %get3A_48 = vector.load %arg7[%get3A_46, %get3A_47] : memref<1x128xf32, #tpu.memory_space<vmem>>, vector<1x128xf32>
    %add3A_49 = vector.broadcast %get3A_48 : vector<1x128xf32> to vector<1000x128xf32>
    %add3A_50 = arith.addf %add3A_45, %add3A_49 : vector<1000x128xf32>
    %swap3A = arith.constant 0 : index
    %swap3A_51 = arith.constant 0 : index
    %swap3A_52 = vector.load %arg8[%swap3A, %swap3A_51] : memref<1000x128xf32, #tpu.memory_space<vmem>>, vector<1000x128xf32>
    tpu.vector_store %arg8[%swap3A, %swap3A_51], %add3A_50 {strides = array<i32>} : memref<1000x128xf32, #tpu.memory_space<vmem>>, vector<1000x128xf32>,
    return
  }
  func.func @transform_0(%arg0: i32) -> (i32, i32, i32) {
    %c0_i32 = arith.constant 0 : i32
    %c0_i32_0 = arith.constant 0 : i32
    %c0_i32_1 = arith.constant 0 : i32
    return %c0_i32, %arg0, %c0_i32_0 : i32, i32, i32
  }
  func.func @transform_1(%arg0: i32) -> (i32, i32) {
    %c0_i32 = arith.constant 0 : i32
    %c0_i32_0 = arith.constant 0 : i32
    return %arg0, %c0_i32 : i32, i32
  }
  func.func @transform_2(%arg0: i32) -> (i32, i32) {
    %c0_i32 = arith.constant 0 : i32
    %c0_i32_0 = arith.constant 0 : i32
    return %arg0, %c0_i32 : i32, i32
  }
  func.func @transform_3(%arg0: i32) -> (i32, i32) {
    %c0_i32 = arith.constant 0 : i32
    %c0_i32_0 = arith.constant 0 : i32
    %c0_i32_1 = arith.constant 0 : i32
    return %c0_i32, %c0_i32_0 : i32, i32
  }
  func.func @transform_4(%arg0: i32) -> (i32, i32) {
    %c0_i32 = arith.constant 0 : i32
    %c0_i32_0 = arith.constant 0 : i32
    %c0_i32_1 = arith.constant 0 : i32
    return %c0_i32, %c0_i32_0 : i32, i32
  }
  func.func @transform_5(%arg0: i32) -> (i32, i32) {
    %c0_i32 = arith.constant 0 : i32
    %c0_i32_0 = arith.constant 0 : i32
    %c0_i32_1 = arith.constant 0 : i32
    return %c0_i32, %c0_i32_0 : i32, i32
  }
  func.func @transform_6(%arg0: i32) -> (i32, i32) {
    %c0_i32 = arith.constant 0 : i32
    %c0_i32_0 = arith.constant 0 : i32
    %c0_i32_1 = arith.constant 0 : i32
    return %c0_i32, %c0_i32_0 : i32, i32
  }
  func.func @transform_7(%arg0: i32) -> (i32, i32) {
    %c0_i32 = arith.constant 0 : i32
    %c0_i32_0 = arith.constant 0 : i32
    return %arg0, %c0_i32 : i32, i32
  }
}

</mosaic_0001>

<sc_bundles>
// kernel: kernel.6.cloned.1.call-start
scs
__scs_entry_jumppad:
0x0: {  	(pc) =	sbr.rel $0x88, $3  }
0x1: {  	(tag) =	ssettag $0x0;
	lr =	simm.s32 $0x1  }
0x2: {  	[smem:$0x3F99] =	sst lr;
	_ =	strace $0xD0000000  }
0x3: {  	_ = 	snop  }
0x4: {  	_ = 	snop  }
0x5: {  	_ = 	snop  }
0x6: {  	_ = 	snop  }
0x7: {  	_ = 	snop  }
__scs_overlays_trampoline_lowered:
0x8: {  	[smem:$0x3FA8] =	sst s0  }
0x9: {  	[smem:$0x3FA9] =	sst s1  }
0xa: {  	[smem:$0x3FAA] =	sst s2  }
0xb: {  	[smem:$0x3FAB] =	sst s3  }
0xc: {  	[smem:$0x3FAC] =	sst s4  }
0xd: {  	[smem:$0x3FAD] =	sst s5  }
0xe: {  	[smem:$0x3FAE] =	sst s6  }
0xf: {  	[smem:$0x3FAF] =	sst s7  }
0x10: {  	[smem:$0x3FB0] =	sst s8  }
0x11: {  	[smem:$0x3FB1] =	sst s9;
	s0 =	simm.s32 @!p0 $0x0  }
0x12: {  	s1 =	sld [smem:$0x3F97];
	s0 =	simm.s32 @p0 $0x1  }
0x13: {  	[smem:$0x3FB2] =	sst s0;
	s0 =	simm.s32 @!p1 $0x0  }
0x14: {  	s2 =	sld [smem:$0x3F96];
	s0 =	simm.s32 @p1 $0x1  }
0x15: {  	[smem:$0x3FB3] =	sst s0;
	s0 =	simm.s32 @!p2 $0x0  }
0x16: {  	s3 =	sld [smem:$0x3FDB];
	s0 =	simm.s32 @p2 $0x1  }
0x17: {  	s4 =	simm.s32 $0x1BF5;
	[smem:$0x3FB5] =	sst s0  }
0x18: {  	s0 =	sld [smem:$0x3F98];
	_ =	swait.ge [sflag:s4], $0x0  }
0x19: {  	s7 =	sld [smem:$0x3F99]  }
0x1a: {  	s8 =	sadd.s32 $0xFFFFE003, lr  }
0x1b: {  	s9 =	sadd.s32 $0xFFFFFEF7, lr;
	s5 =	simm.s32 $0xFFFFFFFF;
	p2 =	slt.u32 s8, $0xFFFFF086  }
0x1c: {  	p1 =	slt.u32 s9, $0xF7A;
	s5 =	simm.s32 @!p2 $0x0  }
0x1d: {  	s5 =	simm.s32 @p1 $0x1;
	p0 =	seq.s32 s7, s2  }
0x1e: {  	s7 =	smul.u32 @!p0 $0xF7A, s2;
	p2 =	seq.s32 @!p0 s5, $0x0  }
0x1f: {  	s9 =	smul.u32 $0xF7A, s1;
	s8 =	simm.s32 @!p0 $0x1BF5;
	p2 =	por !p2, p0  }
0x20: {  	[sflag:s8] =	ssyncset.s32 @!p0 $0xFFFFF086;
	s6 =	sadd.s32 @!p0 s3, s7;
	s7 =	simm.s32 @!p0 $0x108  }
0x21: {  	s3 =	sadd.s32 s3, s9;
	s6 =	sadd.s32 @!p0 $0x88, s6;
	s7 =	simm.s32 @p2 $0x1082  }
0x22: {  	[simem:s7], [sflag:s8] =	dma.local @!p0 [hbm:s6], $0xF7A  }
0x23: {  	s9 =	sor.u32 $0xD0000000, s2;
	s6 =	simm.s32 $0x108;
	_ =	swait.ge @!p0 [sflag:s8], $0x0  }
0x24: {  	s3 =	sadd.s32 $0x88, s3;
	s6 =	simm.s32 @!p1 $0x1082;
	[sflag:s4] =	ssyncset.s32 $0xFFFFF086  }
0x25: {  	[simem:s6], [sflag:s4] =	dma.local [hbm:s3], $0xF7A  }
0x26: {  	[smem:$0x3F99] =	sst s1;
	(tag) =	ssettag s2;
	_ =	strace s9  }
0x27: {  	s1 =	sld [smem:$0x3FA9]  }
0x28: {  	s2 =	sld [smem:$0x3FAA]  }
0x29: {  	s4 =	sld [smem:$0x3FAC]  }
0x2a: {  	p0 =	seq.s32 s5, $0x0;
	s5 =	sld [smem:$0x3FAD]  }
0x2b: {  	s6 =	sld [smem:$0x3FAE]  }
0x2c: {  	s7 =	sld [smem:$0x3FAF]  }
0x2d: {  	s3 =	simm.s32 $0x108;
	s8 =	sld [smem:$0x3FB0]  }
0x2e: {  	s3 =	simm.s32 @!p0 $0x1082;
	s9 =	sld [smem:$0x3FB1]  }
0x2f: {  	lr =	sadd.s32 s0, s3;
	s0 =	sld [smem:$0x3FA8]  }
0x30: {  	s3 =	sld [smem:$0x3FAB]  }
0x31: {  	[smem:$0x3FB4] =	sst s10  }
0x32: {  	s10 =	sld [smem:$0x3FB2];
	_ =	sdelay $0x3  }
0x33: {  	p0 =	seq.s32 s10, $0x1;
	s10 =	sld [smem:$0x3FB4];
	_ =	sdelay $0x3  }
0x34: {  	[smem:$0x3FB4] =	sst s10  }
0x35: {  	s10 =	sld [smem:$0x3FB3];
	_ =	sdelay $0x3  }
0x36: {  	p1 =	seq.s32 s10, $0x1;
	s10 =	sld [smem:$0x3FB4];
	_ =	sdelay $0x3  }
0x37: {  	[smem:$0x3FB4] =	sst s10  }
0x38: {  	s10 =	sld [smem:$0x3FB5]  }
0x39: {  	_ = 	snop;
	(pc) =	sbr.ind lr, $3  }
0x3a: {  	_ = 	snop  }
0x3b: {  	_ = 	snop  }
0x3c: {  	p2 =	seq.s32 s10, $0x1;
	s10 =	sld [smem:$0x3FB4]  }
0x3d: {  	_ =	shalt  }
0x3e: {  	_ =	shalt  }
0x3f: {  	_ =	shalt  }
0x40: {  	_ =	shalt  }
0x41: {  	_ =	shalt  }
0x42: {  	_ =	shalt  }
0x43: {  	_ =	shalt  }
0x44: {  	_ =	shalt  }
0x45: {  	_ =	shalt  }
0x46: {  	_ =	shalt  }
0x47: {  	_ =	shalt  }
0x48: {  	_ =	shalt  }
0x49: {  	_ =	shalt  }
0x4a: {  	_ =	shalt  }
0x4b: {  	_ =	shalt  }
0x4c: {  	_ =	shalt  }
0x4d: {  	_ =	shalt  }
0x4e: {  	_ =	shalt  }
0x4f: {  	_ =	shalt  }
0x50: {  	_ =	shalt  }
0x51: {  	_ =	shalt  }
0x52: {  	_ =	shalt  }
0x53: {  	_ =	shalt  }
0x54: {  	_ =	shalt  }
0x55: {  	_ =	shalt  }
0x56: {  	_ =	shalt  }
0x57: {  	_ =	shalt  }
0x58: {  	_ =	shalt  }
0x59: {  	_ =	shalt  }
0x5a: {  	_ =	shalt  }
0x5b: {  	_ =	shalt  }
0x5c: {  	_ =	shalt  }
0x5d: {  	_ =	shalt  }
0x5e: {  	_ =	shalt  }
0x5f: {  	_ =	shalt  }
0x60: {  	_ =	shalt  }
0x61: {  	_ =	shalt  }
0x62: {  	_ =	shalt  }
0x63: {  	_ =	shalt  }
0x64: {  	_ =	shalt  }
0x65: {  	_ =	shalt  }
0x66: {  	_ =	shalt  }
0x67: {  	_ =	shalt  }
0x68: {  	_ =	shalt  }
0x69: {  	_ =	shalt  }
0x6a: {  	_ =	shalt  }
0x6b: {  	_ =	shalt  }
0x6c: {  	_ =	shalt  }
0x6d: {  	_ =	shalt  }
0x6e: {  	_ =	shalt  }
0x6f: {  	_ =	shalt  }
0x70: {  	_ =	shalt  }
0x71: {  	_ =	shalt  }
0x72: {  	_ =	shalt  }
0x73: {  	_ =	shalt  }
0x74: {  	_ =	shalt  }
0x75: {  	_ =	shalt  }
0x76: {  	_ =	shalt  }
0x77: {  	_ =	shalt  }
0x78: {  	_ =	shalt  }
0x79: {  	_ =	shalt  }
0x7a: {  	_ =	shalt  }
0x7b: {  	_ =	shalt  }
0x7c: {  	_ =	shalt  }
0x7d: {  	_ =	shalt  }
0x7e: {  	_ =	shalt  }
0x7f: {  	_ =	shalt  }
0x80: {  	_ =	shalt  }
0x81: {  	_ =	shalt  }
0x82: {  	_ =	shalt  }
0x83: {  	_ =	shalt  }
0x84: {  	_ =	shalt  }
0x85: {  	_ =	shalt  }
0x86: {  	_ =	shalt  }
0x87: {  	_ =	shalt  }
.Lfunc_end0:
.L_simem_size_0:
called_computation_lowered:
.L_overlay_start_0:
0x88: {  	s2 =	sld [smem:$0x3FD9]  }
0x89: {  	s3 =	sld [smem:$0x3FFE];
	_ =	sdelay $0x1  }
0x8a: {  	s1 =	srdreg.scid  }
0x8b: {  	s0 =	sand.u32 $0x1, s1  }
0x8c: {  	s16 =	sshll.u32 s0, $0xA;
	s2 =	sadd.s32 s3, s2  }
0x8d: {  	s2 =	sadd.s32 s2, s16  }
0x8e: {  	[smem:$0x3FC0] =	sst s2  }
0x8f: {  	_ = 	snop  }
0x90: {  	(tm) =	ssettm $0x1  }
0x91: {  	s17 =	sld [smem:$0x3FFB];
	_ =	sdelay $0x3  }
0x92: {  	_ =	strace s17  }
0x93: {  	s2 =	sld [smem:$0x3FFC];
	_ =	sdelay $0x3  }
0x94: {  	_ =	strace s2  }
0x95: {  	s2 =	sld [smem:$0x3FFD];
	_ =	sdelay $0x3  }
0x96: {  	_ =	strace s2  }
0x97: {  	_ =	strace $0x8FFFFFFF  }
0x98: {  	s18 =	sld [smem:$0x3FDB];
	_ =	sdelay $0x1  }
0x99: {  	s19 =	simm.s32 $_scs_section_size  }
0x9a: {  	s4 =	simm.s32 $_size__tile_overlayer_lowered;
	s5 =	simm.s32 $_tile_overlayer_lowered  }
0x9b: {  	s22 =	simm.s32 $0x1BFF;
	s21 =	sshll.u32 s5, $0x1;
	s2 =	sadd.s32 s19, s18  }
0x9c: {  	s6 =	simm.s32 $0x0;
	s20 =	sshll.u32 s4, $0x1;
	s4 =	sadd.s32 s21, s2  }
0x9d: {  	[timem:s6], [sflag:s22] =	dma.local [hbm:s4], s20  }
0x9e: {  	_ =	swait.ge [sflag:s22], s20  }
0x9f: {  	s3 =	ssub.s32 $0x0, s20;
	[sflag:s22] =	ssyncset.done $0x0  }
0xa0: {  	[sflag:s22] =	ssyncadd.s32 s3;
	_ =	sdelay $0x1  }
0xa1: {  	s23 =	simm.s32 $0x1B8B  }
0xa2: {  	_ =	swait.ge [sflag:s23], $0x1  }
0xa3: {  	[sflag:s23] =	ssyncset.done $0x0  }
0xa4: {  	s25 =	simm.s32 $0x1B8E;
	s24 =	sld [smem:$0x3FFE];
	[sflag:s23] =	ssyncadd.s32 $0xFFFFFFFF  }
0xa5: {  	s26 =	simm.s32 $execute0_lowered;
	[smem:$0x3FD2] =	sst s25  }
0xa6: {  	s4 =	sshll.u32 s26, $0x1;
	_ =	strace $0x80000046;
	[dreg:$0x1] =	wrdreg $0xFFFFFFFF  }
0xa7: {  	s28 =	simm.s32 $_size_execute0_lowered;
	s2 =	sadd.s32 s2, s4;
	[dreg:$0x0] =	wrdreg $0x0  }
0xa8: {  	s4 =	sshll.u32 s28, $0x1;
	[dreg:$0x2] =	wrdreg s2  }
0xa9: {  	[dreg:$0x3] =	wrdreg s4  }
0xaa: {  	[dreg:$0x4] =	wrdreg $0xC0  }
0xab: {  	_ =	task [dreg:s6], $0x5FFFF  }
0xac: {  	[dreg:$0x1] =	wrdreg $0xFFFFFFFF  }
0xad: {  	[dreg:$0x0] =	wrdreg $0x60  }
0xae: {  	[dreg:$0x2] =	wrdreg s24  }
0xaf: {  	[dreg:$0x3] =	wrdreg $0x9  }
0xb0: {  	_ =	task.clear_ibuf [dreg:s6], $0x4FFFF;
	_ =	strace $0x90000046  }
0xb1: {  	s29 =	simm.s32 $0x9;
	_ =	strace $0x80000048  }
0xb2: {  	_ =	swait.ge [sflag:s29], $0x1  }
0xb3: {  	[sflag:s29] =	ssyncadd.s32 $0xFFFFFFFF  }
0xb4: {  	_ =	strace $0x90000048  }
0xb5: {  	_ =	sfence  }
0xb6: {  	s30 =	sld [smem:$0x0];
	_ =	sdelay $0x2  }
0xb7: {  	s31 =	sshll.u32 s1, $0xD;
	s1 =	sshrl.u32 s1, $0x2  }
0xb8: {  	s3 =	sand.u32 $0x4000, s31;
	s1 =	sadd.s32 s1, s30  }
0xb9: {  	s0 =	sor.u32 s3, s0;
	s1 =	sshll.u32 s1, $0x11  }
0xba: {  	s0 =	sor.u32 s1, s0  }
0xbb: {  	s0 =	sadd.s32 $0x8F2B, s0  }
0xbc: {  	[sflag:s0] =	ssyncadd.remote.s32 $0x1  }
0xbd: {  	_ =	sfence.sel $0xFFFF  }
0xbe: {  	[dreg:$0x0] =	wrdreg $0xFFFFFFFF;
	(pc) =	sbr.abs _section_cstart, $3  }
0xbf: {  	[dreg:$0x1] =	wrdreg $0xFFFFFFFF  }
0xc0: {  	_ =	task.clear_ibuf [dreg:s6], $0x2FFFF;
	_ =	strace $0x9FFFFFFF  }
0xc1: {  	(tm) =	ssettm $0x7FFFFFFF  }
tec
execute0_lowered:
.L_overlay_start_1:
0x0: {  	(tag) =	ssettag $0x1  }
0x1: {  	s9 =	rddreg [dreg:$0x0]  }
0x2: {  	s1 =	srdreg.scid;
	s0 =	rddreg [dreg:$0x1];
	s2 =	simm.s32 $0x0  }
0x3: {  	s16 =	simm.s32 $0x13F80;
	s17 =	simm.s32 $0x15480;
	s18 =	simm.s32 $0x80  }
0x4: {  	s19 =	simm.s32 $0x400;
	s20 =	simm.s32 $0x0;
	s10 =	sand.u32 $0x1, s1  }
0x5: {  	[smem:$0x7FF] =	sst s2;
	s1 =	stileid.u32;
	s4 =	sadd.s32 $0x3600, s9  }
0x6: {  	s5 =	sadd.s32 $0x4A00, s9;
	s7 =	sadd.s32 $0xF400, s9;
	s3 =	sshll.u32 s10, $0x4  }
0x7: {  	_ =	strace $0x80000047;
	s15 =	smul.u32 $0x2A000, s10;
	s11 =	sor.u32 s1, s3  }
0x8: {  	s8 =	sshll.u32 s1, $0x7;
	s31 =	smul.u32 $0x2A00, s1;
	s6 =	sshrl.u32 s11, $0x3  }
0x9: {  	s28 =	ssub.s32 $0x2, s10;
	s3 =	sadd.s32 $0x2200, s9;
	s12 =	smul.u32 $0x4E400, s6  }
0xa: {  	s13 =	sand.u32 $0x380, s8;
	s8 =	sadd.s32 $0x40E00, s9;
	s14 =	sshrl.u32 s28, $0x1  }
0xb: {  	s30 =	ssub.s32 s28, s14;
	s14 =	simm.s32 $0x9C80;
	s12 =	sor.u32 s13, s12  }
0xc: {  	v0 =	vimm.f32 $0.0e+00;
	s6 =	sadd.s32 $0x4C00, s9;
	s13 =	simm.s32 $0x1;
	s12 =	sshrl.u32 s12, $0x3  }
0xd: {  	v1 =	vimm.s32 $0x0;
	v2 =	vimm.s32 $0x1;
	v5 =	vlaneseq.u32;
	s29 =	sadd.s32 s12, s9;
	s9 =	smul.u32 $0x2A00, s11;
	s11 =	smax.u32 s30, $0x1  }
0xe: {  	v3 =	vimm.s32 $0x2;
	v4 =	vimm.s32 $0x3;
	v5 =	vmul.u32 $0x8, v5;
	s12 =	sadd.s32 s31, s15;
	s15 =	simm.s32 $0x13900;
	s10 =	sadd.s32 $0x19C00, s29  }
.LBB2_1:
0xf: {  	[tilespmem:s2], [sflag:$0x1] =	stream.linear.gather [hbm4b:s3+s2], $0x9C80, $0x38;
	[tilespmem:$0x1F100] =	vst v63  }
0x10: {  	_ =	swait.ge [sflag:s13], $0x9C80  }
0x11: {  	[sflag:s13] =	ssyncset.done $0x0  }
0x12: {  	[sflag:s13] =	ssyncadd.s32 $0xFFFF6380  }
0x13: {  	[tilespmem:s14], [sflag:$0x1] =	stream.linear.gather [hbm4b:s4+s2], $0x9C80, $0x38;
	[tilespmem:$0x1F100] =	vst v63  }
0x14: {  	_ =	swait.ge [sflag:s13], $0x9C80  }
0x15: {  	[sflag:s13] =	ssyncset.done $0x0  }
0x16: {  	[sflag:s13] =	ssyncadd.s32 $0xFFFF6380  }
0x17: {  	[tilespmem:s15], [sflag:$0x1] =	stream.linear.gather [hbm4b:s5+s2], $0x80, $0x38;
	[tilespmem:$0x1F100] =	vst v63  }
0x18: {  	_ =	swait.ge [sflag:s13], $0x80  }
0x19: {  	[sflag:s13] =	ssyncset.done $0x0  }
0x1a: {  	s21 =	simm.s32 $0x40;
	s22 =	simm.s32 $0x0;
	[sflag:s13] =	ssyncadd.s32 $0xFFFFFF80  }
.LBB2_2:
0x1b: {  	p0 =	sne.s32 s21, $0x270C0;
	[tilespmem:s22+$0x15480] =	vst v0;
	s22 =	smov.u32 s21;
	s21 =	sadd.s32 $0x40, s21  }
.Ltmp0:
0x1c: {  	(pc) =	sbr.rel @p0 .LBB2_2-.Ltmp0, $2  }
0x1d: {  	_ =	sdelay $0x2  }
0x1e: {  	s22 =	sshra.s32 s22, $0x2  }
0x1f: {  	[tilespmem:s22+$0x15480] =	vst v0  }
0x20: {  	v9 =	vld [tilespmem:$0x13900];
	_ =	sdelay $0x4  }
0x21: {  	v6 =	vperm.xlane v9, v1;
	v7 =	vperm.xlane v9, v2  }
0x22: {  	s21 =	simm.s32 $0x0;
	s22 =	smov.u32 s12;
	s23 =	simm.s32 $0x0;
	v8 =	vperm.xlane v9, v3;
	v9 =	vperm.xlane v9, v4  }
.LBB2_4:
0x23: {  	s24 =	smul.u32 $0x2A0, s23;
	_ =	sdelay $0x1  }
0x24: {  	s24 =	sadd.s32 s9, s24  }
0x25: {  	s26 =	sshrl.u32 s24, $0x3  }
0x26: {  	s25 =	simm.s32 $0x13980;
	s28 =	sadd.s32 s6, s26  }
0x27: {  	[tilespmem:s25], [sflag:$0x1] =	stream.linear.gather [hbm4b:s28+s21], $0x2A0, $0x38;
	[tilespmem:$0x1F100] =	vst v63  }
0x28: {  	_ =	swait.ge [sflag:s13], $0x2A0  }
0x29: {  	[sflag:s13] =	ssyncset.done $0x0  }
0x2a: {  	s28 =	sadd.s32 s7, s26;
	s26 =	simm.s32 $0x13C80;
	[sflag:s13] =	ssyncadd.s32 $0xFFFFFD60  }
0x2b: {  	[tilespmem:s26], [sflag:$0x1] =	stream.linear.gather [hbm4b:s28+s21], $0x2A0, $0x38;
	[tilespmem:$0x1F100] =	vst v63  }
0x2c: {  	_ =	swait.ge [sflag:s13], $0x2A0  }
0x2d: {  	v10 =	vmov s21;
	[sflag:s13] =	ssyncset.done $0x0  }
0x2e: {  	v10 =	vshll.u32 v10, $0x3;
	[sflag:s13] =	ssyncadd.s32 $0xFFFFFD60  }
0x2f: {  	v10 =	vor.u32 v5, v10;
	v11 =	vld [tilespmem:s25+$0x0]  }
0x30: {  	v12 =	vld [tilespmem:s26+$0x0];
	_ =	sdelay $0x3  }
0x31: {  	[tilespmem:v10+s16+$0x0] =	vst.idx.msk $0xffff, v11  }
0x32: {  	v14 =	vor.u32 $0x1, v10;
	vm0 =	vlt.s32 v12, $0x270F;
	v13 =	vld [tilespmem:s26+$0x0]  }
0x33: {  	v11 =	vshll.u32 v11, $0x2;
	v12 =	vnsel vm0, $0x270F, v12  }
0x34: {  	v12 =	vshll.u32 v12, $0x2;
	_ =	sdelay $0x2  }
0x35: {  	[tilespmem:v14+s16+$0x0] =	vst.idx.msk $0xffff, v13  }
0x36: {  	v13 =	vld.idx.msk [tilespmem:v11+s2+$0x0], $0xffff  }
0x37: {  	v14 =	vld.idx.msk [tilespmem:v12+s14+$0x0], $0xffff;
	_ =	sdelay $0x4  }
0x38: {  	v13 =	vadd.f32 v14, v13;
	_ =	sdelay $0x1  }
0x39: {  	v14 =	vmul.f32 $2.000000030e-01, v13  }
0x3a: {  	vm12 =	vge.f32 v13, $0.0e+00  }
0x3b: {  	v13 =	vsel vm12, v13, v14  }
0x3c: {  	v13 =	vsub.f32 v13, v6;
	_ =	sdelay $0x1  }
0x3d: {  	v13 =	vmul.f32 $1.442695020e+00, v13;
	_ =	sdelay $0x1  }
0x3e: {  	(erf) = vpow2.f32 v13;
	_ =	sdelay $0x5  }
0x3f: {  	v54 =	vor.u32 $0x2, v10;
	_ =	sdelay $0x1  }
0x40: {  	s28 =	sadd.s32 $0x0, s22;
	v55 =	vor.u32 $0x1, v11  }
0x41: {  	p1 =	slt.u32 s28, $0x50910;
	v15 =	vor.u32 $0x1, v12;
	v16 =	vpop (erf)  }
0x42: {  	v16 =	vpsel !p1, $0x0, v16  }
0x43: {  	[tilespmem:v54+s16+$0x0] =	vst.idx.msk $0xffff, v16  }
0x44: {  	[tilespmem:v12+s17+$0x0] =	vst.idx.add.f32.msk $0xffff, v16  }
0x45: {  	v13 =	vld.idx.msk [tilespmem:v55+s2+$0x0], $0xffff  }
0x46: {  	v56 =	vld.idx.msk [tilespmem:v15+s14+$0x0], $0xffff;
	_ =	sdelay $0x4  }
0x47: {  	v13 =	vadd.f32 v56, v13;
	_ =	sdelay $0x1  }
0x48: {  	v14 =	vmul.f32 $2.000000030e-01, v13  }
0x49: {  	vm13 =	vge.f32 v13, $0.0e+00  }
0x4a: {  	v13 =	vsel vm13, v13, v14  }
0x4b: {  	v13 =	vsub.f32 v13, v7;
	_ =	sdelay $0x1  }
0x4c: {  	v13 =	vmul.f32 $1.442695020e+00, v13;
	_ =	sdelay $0x1  }
0x4d: {  	(erf) = vpow2.f32 v13;
	_ =	sdelay $0x5  }
0x4e: {  	v57 =	vor.u32 $0x3, v10;
	_ =	sdelay $0x1  }
0x4f: {  	v58 =	vor.u32 $0x2, v11  }
0x50: {  	v59 =	vor.u32 $0x2, v12;
	v17 =	vpop (erf)  }
0x51: {  	v17 =	vpsel !p1, $0x0, v17  }
0x52: {  	[tilespmem:v57+s16+$0x0] =	vst.idx.msk $0xffff, v17  }
0x53: {  	[tilespmem:v15+s17+$0x0] =	vst.idx.add.f32.msk $0xffff, v17  }
0x54: {  	v13 =	vld.idx.msk [tilespmem:v58+s2+$0x0], $0xffff  }
0x55: {  	v60 =	vld.idx.msk [tilespmem:v59+s14+$0x0], $0xffff;
	_ =	sdelay $0x4  }
0x56: {  	v13 =	vadd.f32 v60, v13;
	_ =	sdelay $0x1  }
0x57: {  	v14 =	vmul.f32 $2.000000030e-01, v13  }
0x58: {  	vm14 =	vge.f32 v13, $0.0e+00  }
0x59: {  	v13 =	vsel vm14, v13, v14  }
0x5a: {  	v13 =	vsub.f32 v13, v8;
	_ =	sdelay $0x1  }
0x5b: {  	v13 =	vmul.f32 $1.442695020e+00, v13;
	_ =	sdelay $0x1  }
0x5c: {  	(erf) = vpow2.f32 v13;
	_ =	sdelay $0x5  }
0x5d: {  	v61 =	vor.u32 $0x4, v10;
	_ =	sdelay $0x1  }
0x5e: {  	v62 =	vor.u32 $0x3, v11  }
0x5f: {  	v11 =	vor.u32 $0x3, v12;
	v63 =	vpop (erf)  }
0x60: {  	v12 =	vpsel !p1, $0x0, v63  }
0x61: {  	[tilespmem:v61+s16+$0x0] =	vst.idx.msk $0xffff, v12  }
0x62: {  	[tilespmem:v59+s17+$0x0] =	vst.idx.add.f32.msk $0xffff, v12  }
0x63: {  	v12 =	vld.idx.msk [tilespmem:v62+s2+$0x0], $0xffff  }
0x64: {  	v13 =	vld.idx.msk [tilespmem:v11+s14+$0x0], $0xffff;
	_ =	sdelay $0x4  }
0x65: {  	v12 =	vadd.f32 v13, v12;
	_ =	sdelay $0x1  }
0x66: {  	v13 =	vmul.f32 $2.000000030e-01, v12  }
0x67: {  	vm15 =	vge.f32 v12, $0.0e+00  }
0x68: {  	v12 =	vsel vm15, v12, v13  }
0x69: {  	v12 =	vsub.f32 v12, v9;
	_ =	sdelay $0x1  }
0x6a: {  	v12 =	vmul.f32 $1.442695020e+00, v12;
	_ =	sdelay $0x1  }
0x6b: {  	(erf) = vpow2.f32 v12;
	_ =	sdelay $0x1  }
0x6c: {  	s28 =	simm.s32 $0x10;
	v10 =	vor.u32 $0x5, v10  }
.LBB2_5:
0x6d: {  	_ =	sdelay $0x4  }
0x6e: {  	p0 =	sne.s32 s28, $0x290;
	s25 =	sadd.s32 $0x10, s25;
	s26 =	sadd.s32 $0x10, s26  }
0x6f: {  	s29 =	smov.u32 s28;
	s28 =	sadd.s32 $0x10, s28;
	v12 =	vpop (erf)  }
0x70: {  	v12 =	vpsel !p1, $0x0, v12  }
0x71: {  	v13 =	vmov s29;
	[tilespmem:v10+s16+$0x0] =	vst.idx.msk $0xffff, v12  }
0x72: {  	v10 =	vshll.u32 v13, $0x3;
	[tilespmem:v11+s17+$0x0] =	vst.idx.add.f32.msk $0xffff, v12  }
0x73: {  	v10 =	vor.u32 v5, v10;
	v11 =	vld [tilespmem:s25+$0x0]  }
0x74: {  	v12 =	vld [tilespmem:s26+$0x0];
	_ =	sdelay $0x3  }
0x75: {  	[tilespmem:v10+s16+$0x0] =	vst.idx.msk $0xffff, v11  }
0x76: {  	v14 =	vor.u32 $0x1, v10;
	vm0 =	vlt.s32 v12, $0x270F;
	v13 =	vld [tilespmem:s26+$0x0]  }
0x77: {  	v11 =	vshll.u32 v11, $0x2;
	v12 =	vnsel vm0, $0x270F, v12  }
0x78: {  	v12 =	vshll.u32 v12, $0x2;
	_ =	sdelay $0x2  }
0x79: {  	[tilespmem:v14+s16+$0x0] =	vst.idx.msk $0xffff, v13  }
0x7a: {  	v13 =	vld.idx.msk [tilespmem:v11+s2+$0x0], $0xffff  }
0x7b: {  	v14 =	vld.idx.msk [tilespmem:v12+s14+$0x0], $0xffff;
	_ =	sdelay $0x5  }
0x7c: {  	v13 =	vadd.f32 v14, v13;
	_ =	sdelay $0x1  }
0x7d: {  	vm0 =	vge.f32 v13, $0.0e+00;
	v14 =	vmul.f32 $2.000000030e-01, v13;
	_ =	sdelay $0x1  }
0x7e: {  	v13 =	vsel vm0, v13, v14  }
0x7f: {  	v13 =	vsub.f32 v13, v6;
	_ =	sdelay $0x1  }
0x80: {  	v13 =	vmul.f32 $1.442695020e+00, v13;
	_ =	sdelay $0x1  }
0x81: {  	(erf) = vpow2.f32 v13;
	_ =	sdelay $0x4  }
0x82: {  	v13 =	vor.u32 $0x2, v10;
	_ =	sdelay $0x1  }
0x83: {  	s29 =	sadd.s32 s29, s22  }
0x84: {  	p1 =	slt.u32 s29, $0x50910;
	v15 =	vor.u32 $0x1, v12;
	v14 =	vor.u32 $0x1, v11  }
0x85: {  	v16 =	vpop (erf)  }
0x86: {  	v16 =	vpsel !p1, $0x0, v16  }
0x87: {  	[tilespmem:v13+s16+$0x0] =	vst.idx.msk $0xffff, v16  }
0x88: {  	[tilespmem:v12+s17+$0x0] =	vst.idx.add.f32.msk $0xffff, v16  }
0x89: {  	v13 =	vld.idx.msk [tilespmem:v14+s2+$0x0], $0xffff  }
0x8a: {  	v14 =	vld.idx.msk [tilespmem:v15+s14+$0x0], $0xffff;
	_ =	sdelay $0x5  }
0x8b: {  	v13 =	vadd.f32 v14, v13;
	_ =	sdelay $0x1  }
0x8c: {  	vm0 =	vge.f32 v13, $0.0e+00;
	v14 =	vmul.f32 $2.000000030e-01, v13;
	_ =	sdelay $0x1  }
0x8d: {  	v13 =	vsel vm0, v13, v14  }
0x8e: {  	v13 =	vsub.f32 v13, v7;
	_ =	sdelay $0x1  }
0x8f: {  	v13 =	vmul.f32 $1.442695020e+00, v13;
	_ =	sdelay $0x1  }
0x90: {  	(erf) = vpow2.f32 v13;
	_ =	sdelay $0x3  }
0x91: {  	v13 =	vor.u32 $0x3, v10;
	_ =	sdelay $0x3  }
0x92: {  	v16 =	vor.u32 $0x2, v12;
	v14 =	vor.u32 $0x2, v11  }
0x93: {  	v17 =	vpop (erf)  }
0x94: {  	v17 =	vpsel !p1, $0x0, v17  }
0x95: {  	[tilespmem:v13+s16+$0x0] =	vst.idx.msk $0xffff, v17  }
0x96: {  	[tilespmem:v15+s17+$0x0] =	vst.idx.add.f32.msk $0xffff, v17  }
0x97: {  	v13 =	vld.idx.msk [tilespmem:v14+s2+$0x0], $0xffff  }
0x98: {  	v14 =	vld.idx.msk [tilespmem:v16+s14+$0x0], $0xffff;
	_ =	sdelay $0x5  }
0x99: {  	v13 =	vadd.f32 v14, v13;
	_ =	sdelay $0x1  }
0x9a: {  	vm0 =	vge.f32 v13, $0.0e+00;
	v14 =	vmul.f32 $2.000000030e-01, v13;
	_ =	sdelay $0x1  }
0x9b: {  	v13 =	vsel vm0, v13, v14  }
0x9c: {  	v13 =	vsub.f32 v13, v8;
	_ =	sdelay $0x1  }
0x9d: {  	v13 =	vmul.f32 $1.442695020e+00, v13;
	_ =	sdelay $0x1  }
0x9e: {  	(erf) = vpow2.f32 v13;
	_ =	sdelay $0x2  }
0x9f: {  	v13 =	vor.u32 $0x4, v10;
	_ =	sdelay $0x4  }
0xa0: {  	v14 =	vor.u32 $0x3, v11;
	v11 =	vor.u32 $0x3, v12  }
0xa1: {  	v12 =	vpop (erf)  }
0xa2: {  	v12 =	vpsel !p1, $0x0, v12  }
0xa3: {  	[tilespmem:v13+s16+$0x0] =	vst.idx.msk $0xffff, v12  }
0xa4: {  	[tilespmem:v16+s17+$0x0] =	vst.idx.add.f32.msk $0xffff, v12  }
0xa5: {  	v12 =	vld.idx.msk [tilespmem:v14+s2+$0x0], $0xffff  }
0xa6: {  	v13 =	vld.idx.msk [tilespmem:v11+s14+$0x0], $0xffff;
	_ =	sdelay $0x5  }
0xa7: {  	v12 =	vadd.f32 v13, v12;
	_ =	sdelay $0x1  }
0xa8: {  	vm0 =	vge.f32 v12, $0.0e+00;
	v13 =	vmul.f32 $2.000000030e-01, v12;
	_ =	sdelay $0x1  }
0xa9: {  	v12 =	vsel vm0, v12, v13  }
0xaa: {  	v12 =	vsub.f32 v12, v9;
	_ =	sdelay $0x1  }
.Ltmp1:
0xab: {  	v12 =	vmul.f32 $1.442695020e+00, v12;
	(pc) =	sbr.rel @p0 .LBB2_5-.Ltmp1, $3  }
0xac: {  	_ = 	snop  }
0xad: {  	(erf) = vpow2.f32 v12;
	_ =	sdelay $0x1  }
0xae: {  	v10 =	vor.u32 $0x5, v10  }
0xaf: {  	_ =	sdelay $0x5  }
0xb0: {  	v12 =	vpop (erf)  }
0xb1: {  	s23 =	sadd.s32 $0x1, s23;
	v12 =	vpsel !p1, $0x0, v12  }
0xb2: {  	p0 =	sne.s32 s23, $0x10;
	[tilespmem:v10+s16+$0x0] =	vst.idx.msk $0xffff, v12  }
.Ltmp2:
0xb3: {  	s24 =	sadd.s32 s8, s24;
	[tilespmem:v11+s17+$0x0] =	vst.idx.add.f32.msk $0xffff, v12;
	(pc) =	sbr.rel @p0 .LBB2_4-.Ltmp2, $4  }
0xb4: {  	[hbm4b:s24+s2] =	stream.linear.scatter [tilespmem:s16], [sflag:$0x1], $0x1500, $0x38;
	[tilespmem:$0x1F100] =	vst v63  }
0xb5: {  	_ =	swait.ge [sflag:s13], $0x1500  }
0xb6: {  	[sflag:s13] =	ssyncset.done $0x0  }
0xb7: {  	s22 =	sadd.s32 $0x2A0, s22;
	[sflag:s13] =	ssyncadd.s32 $0xFFFFEB00  }
0xb8: {  	s20 =	sadd.s32 $0x1, s20  }
0xb9: {  	p0 =	sne.s32 s20, s11  }
.Ltmp3:
0xba: {  	_ = 	snop;
	(pc) =	sbr.rel @p0 .LBB2_1-.Ltmp3, $4  }
0xbb: {  	[hbm4b:s10+s18] =	stream.strided.scatter [tilespmem:s17], [sflag:$0x1], $0x9C80, s19, s18, $0x38;
	[tilespmem:$0x1F100] =	vst v63  }
0xbc: {  	_ =	swait.ge [sflag:s13], $0x9C80  }
0xbd: {  	[sflag:s13] =	ssyncset.done $0x0  }
0xbe: {  	[sflag:s13] =	ssyncadd.s32 $0xFFFF6380  }
0xbf: {  	_ =	sfence.sel $0x180000  }
0xc0: {  	[bflag:$0x0] =	sbarrier.arrive $0xFFFF  }
0xc1: {  	p0 =	sne.s32 s1, $0x0;
	_ =	strace $0x90000047  }
0xc2: {  	s0 =	sadd.s32 @!p0 $0x100000, s0;
	[bflag:$0x2] =	sbarrier.arrive $0xFFFF  }
0xc3: {  	[sflag:s0] =	ssyncadd.tile.s32 @!p0 $0x1;
	_ =	shalt  }
.Lfunc_end2:
_tile_overlayer_lowered:
.L_overlay_start_2:
0xc4: {  	(tag) =	ssettag $0x2  }
0xc5: {  	s0 =	rddreg [dreg:$0x0];
	s2 =	stileid.u32  }
0xc6: {  	s1 =	rddreg [dreg:$0x1];
	p0 =	sne.s32 s2, $0x0  }
0xc7: {  	s3 =	rddreg [dreg:$0x2];
	[bflag:$0x3] =	sbarrier.arrive $0xFFFF;
	s2 =	simm.s32 @!p0 $0x1C01  }
0xc8: {  	[timem:s3], [sflag:s2] =	dma.local @!p0 [hbm:s0], s1  }
0xc9: {  	s0 =	simm.s32 @!p0 $0x1  }
0xca: {  	_ =	swait.ge @!p0 [sflag:s0], s1  }
0xcb: {  	s1 =	ssub.s32 @!p0 $0x0, s1;
	[sflag:s0] =	ssyncset.done @!p0 $0x0  }
0xcc: {  	[sflag:s0] =	ssyncadd.s32 @!p0 s1  }
0xcd: {  	[bflag:$0x3] =	sbarrier.arrive $0xFFFF  }
0xce: {  	_ =	shalt  }

// kernel: kernel.9.cloned.1.call-start
scs
__scs_entry_jumppad:
0x0: {  	(pc) =	sbr.rel $0x88, $3  }
0x1: {  	(tag) =	ssettag $0x0;
	lr =	simm.s32 $0x1  }
0x2: {  	[smem:$0x3F99] =	sst lr;
	_ =	strace $0xD0000000  }
0x3: {  	_ = 	snop  }
0x4: {  	_ = 	snop  }
0x5: {  	_ = 	snop  }
0x6: {  	_ = 	snop  }
0x7: {  	_ = 	snop  }
__scs_overlays_trampoline_lowered:
0x8: {  	[smem:$0x3FA8] =	sst s0  }
0x9: {  	[smem:$0x3FA9] =	sst s1  }
0xa: {  	[smem:$0x3FAA] =	sst s2  }
0xb: {  	[smem:$0x3FAB] =	sst s3  }
0xc: {  	[smem:$0x3FAC] =	sst s4  }
0xd: {  	[smem:$0x3FAD] =	sst s5  }
0xe: {  	[smem:$0x3FAE] =	sst s6  }
0xf: {  	[smem:$0x3FAF] =	sst s7  }
0x10: {  	[smem:$0x3FB0] =	sst s8  }
0x11: {  	[smem:$0x3FB1] =	sst s9;
	s0 =	simm.s32 @!p0 $0x0  }
0x12: {  	s1 =	sld [smem:$0x3F97];
	s0 =	simm.s32 @p0 $0x1  }
0x13: {  	[smem:$0x3FB2] =	sst s0;
	s0 =	simm.s32 @!p1 $0x0  }
0x14: {  	s2 =	sld [smem:$0x3F96];
	s0 =	simm.s32 @p1 $0x1  }
0x15: {  	[smem:$0x3FB3] =	sst s0;
	s0 =	simm.s32 @!p2 $0x0  }
0x16: {  	s3 =	sld [smem:$0x3FDB];
	s0 =	simm.s32 @p2 $0x1  }
0x17: {  	s4 =	simm.s32 $0x1BF5;
	[smem:$0x3FB5] =	sst s0  }
0x18: {  	s0 =	sld [smem:$0x3F98];
	_ =	swait.ge [sflag:s4], $0x0  }
0x19: {  	s7 =	sld [smem:$0x3F99]  }
0x1a: {  	s8 =	sadd.s32 $0xFFFFE003, lr  }
0x1b: {  	s9 =	sadd.s32 $0xFFFFFEF7, lr;
	s5 =	simm.s32 $0xFFFFFFFF;
	p2 =	slt.u32 s8, $0xFFFFF086  }
0x1c: {  	p1 =	slt.u32 s9, $0xF7A;
	s5 =	simm.s32 @!p2 $0x0  }
0x1d: {  	s5 =	simm.s32 @p1 $0x1;
	p0 =	seq.s32 s7, s2  }
0x1e: {  	s7 =	smul.u32 @!p0 $0xF7A, s2;
	p2 =	seq.s32 @!p0 s5, $0x0  }
0x1f: {  	s9 =	smul.u32 $0xF7A, s1;
	s8 =	simm.s32 @!p0 $0x1BF5;
	p2 =	por !p2, p0  }
0x20: {  	[sflag:s8] =	ssyncset.s32 @!p0 $0xFFFFF086;
	s6 =	sadd.s32 @!p0 s3, s7;
	s7 =	simm.s32 @!p0 $0x108  }
0x21: {  	s3 =	sadd.s32 s3, s9;
	s6 =	sadd.s32 @!p0 $0x88, s6;
	s7 =	simm.s32 @p2 $0x1082  }
0x22: {  	[simem:s7], [sflag:s8] =	dma.local @!p0 [hbm:s6], $0xF7A  }
0x23: {  	s9 =	sor.u32 $0xD0000000, s2;
	s6 =	simm.s32 $0x108;
	_ =	swait.ge @!p0 [sflag:s8], $0x0  }
0x24: {  	s3 =	sadd.s32 $0x88, s3;
	s6 =	simm.s32 @!p1 $0x1082;
	[sflag:s4] =	ssyncset.s32 $0xFFFFF086  }
0x25: {  	[simem:s6], [sflag:s4] =	dma.local [hbm:s3], $0xF7A  }
0x26: {  	[smem:$0x3F99] =	sst s1;
	(tag) =	ssettag s2;
	_ =	strace s9  }
0x27: {  	s1 =	sld [smem:$0x3FA9]  }
0x28: {  	s2 =	sld [smem:$0x3FAA]  }
0x29: {  	s4 =	sld [smem:$0x3FAC]  }
0x2a: {  	p0 =	seq.s32 s5, $0x0;
	s5 =	sld [smem:$0x3FAD]  }
0x2b: {  	s6 =	sld [smem:$0x3FAE]  }
0x2c: {  	s7 =	sld [smem:$0x3FAF]  }
0x2d: {  	s3 =	simm.s32 $0x108;
	s8 =	sld [smem:$0x3FB0]  }
0x2e: {  	s3 =	simm.s32 @!p0 $0x1082;
	s9 =	sld [smem:$0x3FB1]  }
0x2f: {  	lr =	sadd.s32 s0, s3;
	s0 =	sld [smem:$0x3FA8]  }
0x30: {  	s3 =	sld [smem:$0x3FAB]  }
0x31: {  	[smem:$0x3FB4] =	sst s10  }
0x32: {  	s10 =	sld [smem:$0x3FB2];
	_ =	sdelay $0x3  }
0x33: {  	p0 =	seq.s32 s10, $0x1;
	s10 =	sld [smem:$0x3FB4];
	_ =	sdelay $0x3  }
0x34: {  	[smem:$0x3FB4] =	sst s10  }
0x35: {  	s10 =	sld [smem:$0x3FB3];
	_ =	sdelay $0x3  }
0x36: {  	p1 =	seq.s32 s10, $0x1;
	s10 =	sld [smem:$0x3FB4];
	_ =	sdelay $0x3  }
0x37: {  	[smem:$0x3FB4] =	sst s10  }
0x38: {  	s10 =	sld [smem:$0x3FB5]  }
0x39: {  	_ = 	snop;
	(pc) =	sbr.ind lr, $3  }
0x3a: {  	_ = 	snop  }
0x3b: {  	_ = 	snop  }
0x3c: {  	p2 =	seq.s32 s10, $0x1;
	s10 =	sld [smem:$0x3FB4]  }
0x3d: {  	_ =	shalt  }
0x3e: {  	_ =	shalt  }
0x3f: {  	_ =	shalt  }
0x40: {  	_ =	shalt  }
0x41: {  	_ =	shalt  }
0x42: {  	_ =	shalt  }
0x43: {  	_ =	shalt  }
0x44: {  	_ =	shalt  }
0x45: {  	_ =	shalt  }
0x46: {  	_ =	shalt  }
0x47: {  	_ =	shalt  }
0x48: {  	_ =	shalt  }
0x49: {  	_ =	shalt  }
0x4a: {  	_ =	shalt  }
0x4b: {  	_ =	shalt  }
0x4c: {  	_ =	shalt  }
0x4d: {  	_ =	shalt  }
0x4e: {  	_ =	shalt  }
0x4f: {  	_ =	shalt  }
0x50: {  	_ =	shalt  }
0x51: {  	_ =	shalt  }
0x52: {  	_ =	shalt  }
0x53: {  	_ =	shalt  }
0x54: {  	_ =	shalt  }
0x55: {  	_ =	shalt  }
0x56: {  	_ =	shalt  }
0x57: {  	_ =	shalt  }
0x58: {  	_ =	shalt  }
0x59: {  	_ =	shalt  }
0x5a: {  	_ =	shalt  }
0x5b: {  	_ =	shalt  }
0x5c: {  	_ =	shalt  }
0x5d: {  	_ =	shalt  }
0x5e: {  	_ =	shalt  }
0x5f: {  	_ =	shalt  }
0x60: {  	_ =	shalt  }
0x61: {  	_ =	shalt  }
0x62: {  	_ =	shalt  }
0x63: {  	_ =	shalt  }
0x64: {  	_ =	shalt  }
0x65: {  	_ =	shalt  }
0x66: {  	_ =	shalt  }
0x67: {  	_ =	shalt  }
0x68: {  	_ =	shalt  }
0x69: {  	_ =	shalt  }
0x6a: {  	_ =	shalt  }
0x6b: {  	_ =	shalt  }
0x6c: {  	_ =	shalt  }
0x6d: {  	_ =	shalt  }
0x6e: {  	_ =	shalt  }
0x6f: {  	_ =	shalt  }
0x70: {  	_ =	shalt  }
0x71: {  	_ =	shalt  }
0x72: {  	_ =	shalt  }
0x73: {  	_ =	shalt  }
0x74: {  	_ =	shalt  }
0x75: {  	_ =	shalt  }
0x76: {  	_ =	shalt  }
0x77: {  	_ =	shalt  }
0x78: {  	_ =	shalt  }
0x79: {  	_ =	shalt  }
0x7a: {  	_ =	shalt  }
0x7b: {  	_ =	shalt  }
0x7c: {  	_ =	shalt  }
0x7d: {  	_ =	shalt  }
0x7e: {  	_ =	shalt  }
0x7f: {  	_ =	shalt  }
0x80: {  	_ =	shalt  }
0x81: {  	_ =	shalt  }
0x82: {  	_ =	shalt  }
0x83: {  	_ =	shalt  }
0x84: {  	_ =	shalt  }
0x85: {  	_ =	shalt  }
0x86: {  	_ =	shalt  }
0x87: {  	_ =	shalt  }
.Lfunc_end0:
.L_simem_size_0:
called_computation.1_lowered:
.L_overlay_start_0:
0x88: {  	s2 =	sld [smem:$0x3FD9]  }
0x89: {  	s3 =	sld [smem:$0x3FFE];
	_ =	sdelay $0x1  }
0x8a: {  	s1 =	srdreg.scid  }
0x8b: {  	s0 =	sand.u32 $0x1, s1  }
0x8c: {  	s17 =	sshll.u32 s0, $0xA;
	s2 =	sadd.s32 s3, s2  }
0x8d: {  	s2 =	sadd.s32 s2, s17  }
0x8e: {  	[smem:$0x3FC0] =	sst s2  }
0x8f: {  	_ = 	snop  }
0x90: {  	s2 =	sld [smem:$0x3FD0];
	(tm) =	ssettm $0x1  }
0x91: {  	s18 =	sld [smem:$0x3FFB];
	_ =	sdelay $0x3  }
0x92: {  	_ =	strace s18  }
0x93: {  	s3 =	sld [smem:$0x3FFC];
	_ =	sdelay $0x3  }
0x94: {  	_ =	strace s3  }
0x95: {  	s3 =	sld [smem:$0x3FFD];
	_ =	sdelay $0x3  }
0x96: {  	_ =	strace s3  }
0x97: {  	_ =	strace $0x8FFFFFFF  }
0x98: {  	s19 =	sld [smem:$0x3FDB];
	_ =	sdelay $0x1  }
0x99: {  	s4 =	simm.s32 $_scs_section_size  }
0x9a: {  	s5 =	simm.s32 $_size__tile_overlayer_lowered;
	s6 =	simm.s32 $_tile_overlayer_lowered  }
0x9b: {  	s22 =	simm.s32 $0x1BFF;
	s21 =	sshll.u32 s6, $0x1;
	s3 =	sadd.s32 s4, s19  }
0x9c: {  	s7 =	simm.s32 $0x0;
	s20 =	sshll.u32 s5, $0x1;
	s5 =	sadd.s32 s21, s3  }
0x9d: {  	[timem:s7], [sflag:s22] =	dma.local [hbm:s5], s20  }
0x9e: {  	_ =	swait.ge [sflag:s22], s20  }
0x9f: {  	s4 =	ssub.s32 $0x0, s20;
	[sflag:s22] =	ssyncset.done $0x0  }
0xa0: {  	[sflag:s22] =	ssyncadd.s32 s4;
	_ =	sdelay $0x1  }
0xa1: {  	s23 =	simm.s32 $0x1B8B  }
0xa2: {  	_ =	swait.ge [sflag:s23], $0x1  }
0xa3: {  	[sflag:s23] =	ssyncset.done $0x0  }
0xa4: {  	s25 =	simm.s32 $0x1B8E;
	s24 =	sld [smem:$0x3FFE];
	[sflag:s23] =	ssyncadd.s32 $0xFFFFFFFF  }
0xa5: {  	s26 =	simm.s32 $execute0_lowered;
	[smem:$0x3FD2] =	sst s25  }
0xa6: {  	s5 =	sshll.u32 s26, $0x1;
	_ =	strace $0x80000049;
	[dreg:$0x1] =	wrdreg $0xFFFFFFFF  }
0xa7: {  	s28 =	simm.s32 $_size_execute0_lowered;
	s3 =	sadd.s32 s3, s5;
	[dreg:$0x0] =	wrdreg $0x0  }
0xa8: {  	s5 =	sshll.u32 s28, $0x1;
	[dreg:$0x2] =	wrdreg s3  }
0xa9: {  	[dreg:$0x3] =	wrdreg s5  }
0xaa: {  	[dreg:$0x4] =	wrdreg $0xC0  }
0xab: {  	_ =	task [dreg:s7], $0x5FFFF  }
0xac: {  	[dreg:$0x1] =	wrdreg $0xFFFFFFFF  }
0xad: {  	[dreg:$0x0] =	wrdreg $0x60  }
0xae: {  	[dreg:$0x2] =	wrdreg s2  }
0xaf: {  	[dreg:$0x3] =	wrdreg s24  }
0xb0: {  	[dreg:$0x4] =	wrdreg $0x8A000  }
0xb1: {  	[dreg:$0x5] =	wrdreg $0x9  }
0xb2: {  	_ =	task.clear_ibuf [dreg:s7], $0x6FFFF;
	_ =	strace $0x90000049  }
0xb3: {  	s29 =	simm.s32 $0x9;
	_ =	strace $0x8000004B  }
0xb4: {  	_ =	swait.ge [sflag:s29], $0x1  }
0xb5: {  	[sflag:s29] =	ssyncadd.s32 $0xFFFFFFFF  }
0xb6: {  	_ =	strace $0x9000004B  }
0xb7: {  	_ =	sfence  }
0xb8: {  	s30 =	sld [smem:$0x0];
	_ =	sdelay $0x2  }
0xb9: {  	s31 =	sshll.u32 s1, $0xD;
	s1 =	sshrl.u32 s1, $0x2  }
0xba: {  	s3 =	sand.u32 $0x4000, s31;
	s1 =	sadd.s32 s1, s30  }
0xbb: {  	s0 =	sor.u32 s3, s0;
	s1 =	sshll.u32 s1, $0x11  }
0xbc: {  	s0 =	sor.u32 s1, s0  }
0xbd: {  	s0 =	sadd.s32 $0x8F2B, s0  }
0xbe: {  	[sflag:s0] =	ssyncadd.remote.s32 $0x1  }
0xbf: {  	_ =	sfence.sel $0xFFFF  }
0xc0: {  	[dreg:$0x0] =	wrdreg $0xFFFFFFFF;
	(pc) =	sbr.abs _section_cstart, $3  }
0xc1: {  	[dreg:$0x1] =	wrdreg $0xFFFFFFFF  }
0xc2: {  	_ =	task.clear_ibuf [dreg:s7], $0x2FFFF;
	_ =	strace $0x9FFFFFFF  }
0xc3: {  	(tm) =	ssettm $0x7FFFFFFF  }
tec
execute0_lowered:
.L_overlay_start_1:
0x0: {  	(tag) =	ssettag $0x1  }
0x1: {  	s0 =	rddreg [dreg:$0x0]  }
0x2: {  	s1 =	rddreg [dreg:$0x1]  }
0x3: {  	s2 =	srdreg.scid;
	s3 =	rddreg [dreg:$0x2]  }
0x4: {  	s9 =	stileid.u32;
	s4 =	simm.s32 $0x0;
	s17 =	simm.s32 $0x7  }
0x5: {  	s18 =	simm.s32 $0x8000;
	s19 =	simm.s32 $0x3;
	s28 =	simm.s32 $0x8900  }
0x6: {  	s29 =	simm.s32 $0x2;
	s30 =	simm.s32 $0x5;
	s6 =	smul.u32 $0x14000, s9  }
0x7: {  	v0 =	vlaneseq.u32;
	v12 =	vimm.s32 $0xDCBA5432;
	v14 =	vimm.s32 $0x15141312;
	s31 =	simm.s32 $0x8980;
	s2 =	sand.u32 $0x1, s2;
	s7 =	smul.u32 $0x50000, s9  }
0x8: {  	v1 =	vimm.f32 $0.0e+00;
	v15 =	vimm.s32 $0x1D1C1B1A;
	vm0 =	vcmask $0x1F10;
	[smem:$0x7FF] =	sst s4;
	s5 =	smul.u32 $0x140000, s2;
	s20 =	ssub.s32 $0x2, s2  }
0x9: {  	v19 =	vimm.s32 $0x1;
	v20 =	vimm.s32 $0x2;
	v21 =	vimm.s32 $0x3;
	_ =	strace $0x8000004A;
	s2 =	sshll.u32 s2, $0x4;
	s8 =	sshrl.u32 s20, $0x1  }
0xa: {  	v22 =	vimm.s32 $0x4;
	v23 =	vimm.s32 $0x5;
	v24 =	vimm.s32 $0x6;
	s2 =	sor.u32 s9, s2;
	s7 =	sshrl.u32 s7, $0x2;
	s6 =	sadd.s32 s6, s5  }
0xb: {  	v25 =	vimm.s32 $0x7;
	v26 =	vimm.s32 $0x8;
	v27 =	vimm.s32 $0x9;
	s5 =	sadd.s32 $0x40E00, s1;
	s8 =	ssub.s32 s20, s8;
	s21 =	smul.u32 $0x2A00, s2  }
0xc: {  	v28 =	vimm.s32 $0xA;
	v29 =	vimm.s32 $0xB;
	v30 =	vimm.s32 $0xC;
	s2 =	smul.u32 $0x15000, s2;
	s20 =	simm.s32 $0x80;
	s6 =	sshrl.u32 s6, $0x3  }
0xd: {  	v31 =	vimm.s32 $0xD;
	v32 =	vimm.s32 $0xE;
	v0 =	vmul.u32 $0x8, v0;
	s26 =	smax.u32 s8, $0x1;
	s1 =	sadd.s32 s6, s1;
	s6 =	sadd.s32 s7, s3  }
0xe: {  	v33 =	vimm.s32 $0xF;
	v13 =	vunpack.c.l.s4.s8 v12;
	v16 =	vunpack.c.0.s8.s32 v14;
	s11 =	sadd.s32 s5, s21;
	[dreg:$0xa] =	wrdreg s26;
	s22 =	sadd.s32 $0x4000, s6  }
0xf: {  	v17 =	vunpack.c.0.s8.s32 v15;
	v2 =	vor.u32 $0x1, v0;
	v3 =	vor.u32 $0x80, v0;
	s13 =	sor.u32 $0x800, s2;
	s23 =	sadd.s32 $0x8000, s6;
	[dreg:$0x4] =	wrdreg s22  }
0x10: {  	v4 =	vor.u32 $0x81, v0;
	v5 =	vor.u32 $0x100, v0;
	v6 =	vor.u32 $0x101, v0;
	s14 =	sor.u32 $0xC00, s2;
	s24 =	sadd.s32 $0xC000, s6;
	[dreg:$0x5] =	wrdreg s23  }
0x11: {  	v7 =	vor.u32 $0x180, v0;
	v8 =	vor.u32 $0x181, v0;
	v9 =	vor.u32 $0x200, v0;
	s21 =	simm.s32 $0x8800;
	s25 =	sadd.s32 $0x10000, s6;
	[dreg:$0x6] =	wrdreg s24  }
0x12: {  	v10 =	vor.u32 $0x201, v0;
	v11 =	vor.u32 $0x280, v0;
	v18 =	vunpack.c.0.s8.s32 v13;
	s26 =	simm.s32 $0x4000;
	s7 =	sadd.s32 $0x80, s11;
	[dreg:$0x7] =	wrdreg s25  }
0x13: {  	v12 =	vor.u32 $0x281, v0;
	v13 =	vor.u32 $0x300, v0;
	v14 =	vor.u32 $0x301, v0;
	s2 =	simm.s32 $0x6;
	s1 =	sadd.s32 $0x94E00, s1;
	[dreg:$0x8] =	wrdreg s7  }
0x14: {  	v15 =	vor.u32 $0x380, v0;
	v17 =	vsel vm0, v17, v16;
	v18 =	vand.u32 $0xF, v18;
	[dreg:$0x9] =	wrdreg s1;
	s22 =	simm.s32 $0x8400;
	s23 =	simm.s32 $0x1  }
0x15: {  	v16 =	vor.u32 $0x381, v0;
	v17 =	vcombine.low v18, v17;
	v18 =	vimm.s32 $0x0;
	s24 =	simm.s32 $0x4;
	s25 =	simm.s32 $0x8880;
	s1 =	simm.s32 $0x0  }
.LBB2_1:
0x16: {  	s7 =	simm.s32 $0x0;
	s8 =	simm.s32 $0x200  }
.LBB2_2:
0x17: {  	p0 =	sne.s32 s8, $0xFE00;
	[tilespmem:s7+$0x70] =	vst v1  }
0x18: {  	[tilespmem:s7+$0x0] =	vst v1  }
0x19: {  	[tilespmem:s7+$0x10] =	vst v1  }
.Ltmp0:
0x1a: {  	[tilespmem:s7+$0x20] =	vst v1;
	(pc) =	sbr.rel @p0 .LBB2_2-.Ltmp0, $4  }
0x1b: {  	[tilespmem:s7+$0x30] =	vst v1  }
0x1c: {  	[tilespmem:s7+$0x40] =	vst v1  }
0x1d: {  	[tilespmem:s7+$0x50] =	vst v1  }
0x1e: {  	[tilespmem:s7+$0x60] =	vst v1;
	s7 =	sshra.s32 s8, $0x2;
	s8 =	sadd.s32 $0x200, s8  }
0x1f: {  	[tilespmem:s7+$0x70] =	vst v1  }
0x20: {  	[tilespmem:s7+$0x0] =	vst v1  }
0x21: {  	[tilespmem:s7+$0x10] =	vst v1  }
0x22: {  	[tilespmem:s7+$0x20] =	vst v1  }
0x23: {  	[tilespmem:s7+$0x30] =	vst v1  }
0x24: {  	[tilespmem:s7+$0x40] =	vst v1  }
0x25: {  	[tilespmem:s7+$0x50] =	vst v1  }
0x26: {  	[tilespmem:s7+$0x60] =	vst v1;
	s7 =	simm.s32 $0x0  }
0x27: {  	[spmem:s6] =	stream.linear.scatter [tilespmem:s7], [sflag:$0x7], $0x4000, $0x38;
	[tilespmem:$0x1CA00] =	vst v63  }
0x28: {  	_ =	swait.ge [sflag:s17], $0x4000  }
0x29: {  	[sflag:s17] =	ssyncset.done $0x0  }
0x2a: {  	s8 =	rddreg [dreg:$0x4];
	[sflag:s17] =	ssyncadd.s32 $0xFFFFC000  }
0x2b: {  	[spmem:s8] =	stream.linear.scatter [tilespmem:s7], [sflag:$0x7], $0x4000, $0x38;
	[tilespmem:$0x1CA00] =	vst v63  }
0x2c: {  	_ =	swait.ge [sflag:s17], $0x4000  }
0x2d: {  	[sflag:s17] =	ssyncset.done $0x0  }
0x2e: {  	s10 =	rddreg [dreg:$0x5];
	[sflag:s17] =	ssyncadd.s32 $0xFFFFC000  }
0x2f: {  	[spmem:s10] =	stream.linear.scatter [tilespmem:s7], [sflag:$0x7], $0x4000, $0x38;
	[tilespmem:$0x1CA00] =	vst v63  }
0x30: {  	_ =	swait.ge [sflag:s17], $0x4000  }
0x31: {  	[sflag:s17] =	ssyncset.done $0x0  }
0x32: {  	s12 =	rddreg [dreg:$0x6];
	[sflag:s17] =	ssyncadd.s32 $0xFFFFC000  }
0x33: {  	[spmem:s12] =	stream.linear.scatter [tilespmem:s7], [sflag:$0x7], $0x4000, $0x38;
	[tilespmem:$0x1CA00] =	vst v63  }
0x34: {  	_ =	swait.ge [sflag:s17], $0x4000  }
0x35: {  	[sflag:s17] =	ssyncset.done $0x0  }
0x36: {  	s15 =	rddreg [dreg:$0x7];
	[sflag:s17] =	ssyncadd.s32 $0xFFFFC000  }
0x37: {  	[spmem:s15] =	stream.linear.scatter [tilespmem:s7], [sflag:$0x7], $0x4000, $0x38;
	[tilespmem:$0x1CA00] =	vst v63  }
0x38: {  	_ =	swait.ge [sflag:s17], $0x4000  }
0x39: {  	[sflag:s17] =	ssyncset.done $0x0  }
0x3a: {  	[sflag:s17] =	ssyncadd.s32 $0xFFFFC000  }
0x3b: {  	[bflag:$0x0] =	sbarrier.arrive $0xFFFF  }
0x3c: {  	[tilespmem:s18], [sflag:$0x3] =	stream.linear.gather [hbm4b:s11+s7], $0x400, $0x38;
	[tilespmem:$0x1CA00] =	vst v63  }
0x3d: {  	_ =	swait.ge [sflag:s19], $0x400  }
0x3e: {  	[sflag:s19] =	ssyncset.done $0x0  }
0x3f: {  	[sflag:s19] =	ssyncadd.s32 $0xFFFFFC00  }
0x40: {  	v34 =	vld.idx.msk [tilespmem:v0+s18+$0x0], $0xffff  }
0x41: {  	v35 =	vld.idx.msk [tilespmem:v2+s18+$0x0], $0xffff;
	_ =	sdelay $0x3  }
0x42: {  	[tilespmem:$0x8800] =	vst v34  }
0x43: {  	[tilespmem:$0x8900] =	vst v35  }
0x44: {  	v34 =	vld.idx.msk [tilespmem:v3+s18+$0x0], $0xffff  }
0x45: {  	v35 =	vld.idx.msk [tilespmem:v4+s18+$0x0], $0xffff;
	_ =	sdelay $0x3  }
0x46: {  	[tilespmem:$0x8810] =	vst v34  }
0x47: {  	[tilespmem:$0x8910] =	vst v35  }
0x48: {  	v34 =	vld.idx.msk [tilespmem:v5+s18+$0x0], $0xffff  }
0x49: {  	v35 =	vld.idx.msk [tilespmem:v6+s18+$0x0], $0xffff;
	_ =	sdelay $0x3  }
0x4a: {  	[tilespmem:$0x8820] =	vst v34  }
0x4b: {  	[tilespmem:$0x8920] =	vst v35  }
0x4c: {  	v34 =	vld.idx.msk [tilespmem:v7+s18+$0x0], $0xffff  }
0x4d: {  	v35 =	vld.idx.msk [tilespmem:v8+s18+$0x0], $0xffff;
	_ =	sdelay $0x3  }
0x4e: {  	[tilespmem:$0x8830] =	vst v34  }
0x4f: {  	[tilespmem:$0x8930] =	vst v35  }
0x50: {  	v34 =	vld.idx.msk [tilespmem:v9+s18+$0x0], $0xffff  }
0x51: {  	v35 =	vld.idx.msk [tilespmem:v10+s18+$0x0], $0xffff;
	_ =	sdelay $0x3  }
0x52: {  	[tilespmem:$0x8840] =	vst v34  }
0x53: {  	[tilespmem:$0x8940] =	vst v35  }
0x54: {  	v34 =	vld.idx.msk [tilespmem:v11+s18+$0x0], $0xffff  }
0x55: {  	v35 =	vld.idx.msk [tilespmem:v12+s18+$0x0], $0xffff;
	_ =	sdelay $0x3  }
0x56: {  	[tilespmem:$0x8850] =	vst v34  }
0x57: {  	[tilespmem:$0x8950] =	vst v35  }
0x58: {  	v34 =	vld.idx.msk [tilespmem:v13+s18+$0x0], $0xffff  }
0x59: {  	v35 =	vld.idx.msk [tilespmem:v14+s18+$0x0], $0xffff;
	_ =	sdelay $0x3  }
0x5a: {  	[tilespmem:$0x8860] =	vst v34  }
0x5b: {  	[tilespmem:$0x8960] =	vst v35  }
0x5c: {  	v34 =	vld.idx.msk [tilespmem:v15+s18+$0x0], $0xffff  }
0x5d: {  	v35 =	vld.idx.msk [tilespmem:v16+s18+$0x0], $0xffff;
	_ =	sdelay $0x3  }
0x5e: {  	[tilespmem:$0x8870] =	vst v34  }
0x5f: {  	[tilespmem:$0x8970] =	vst v35  }
0x60: {  	[tilespmem:s7], [sflag:$0x1] =	stream.indirect.gather [hbm4b:s0+s20], $0x80, s21, s20, $0xb8;
	[tilespmem:$0x1CA00] =	vst v63  }
0x61: {  	s8 =	simm.s32 $0x0;
	s16 =	rddreg [dreg:$0x8]  }
0x62: {  	[tilespmem:s22], [sflag:$0x4] =	stream.linear.gather [hbm4b:s16+s7], $0x400, $0x38;
	[tilespmem:$0x1CA00] =	vst v63  }
.LBB2_4:
0x63: {  	_ =	swait.ge [sflag:s23], $0x4000  }
0x64: {  	[sflag:s23] =	ssyncset.done $0x0  }
0x65: {  	[sflag:s23] =	ssyncadd.s32 $0xFFFFC000  }
0x66: {  	_ =	swait.ge [sflag:s24], $0x400  }
0x67: {  	p0 =	seq.s32 s8, $0x0;
	[sflag:s24] =	ssyncset.done $0x0  }
0x68: {  	s9 =	simm.s32 @!p0 $0x6;
	[sflag:s24] =	ssyncadd.s32 $0xFFFFFC00  }
0x69: {  	_ =	swait.ge @!p0 [sflag:s9], $0x4000  }
0x6a: {  	[sflag:s9] =	ssyncset.done @!p0 $0x0  }
0x6b: {  	[sflag:s9] =	ssyncadd.s32 @!p0 $0xFFFFC000  }
0x6c: {  	v34 =	vld.idx.msk [tilespmem:v0+s22+$0x0], $0xffff  }
0x6d: {  	v35 =	vld.idx.msk [tilespmem:v2+s22+$0x0], $0xffff;
	_ =	sdelay $0x3  }
0x6e: {  	[tilespmem:$0x8880] =	vst v34  }
0x6f: {  	[tilespmem:$0x8980] =	vst v35  }
0x70: {  	v34 =	vld.idx.msk [tilespmem:v3+s22+$0x0], $0xffff  }
0x71: {  	v35 =	vld.idx.msk [tilespmem:v4+s22+$0x0], $0xffff;
	_ =	sdelay $0x3  }
0x72: {  	[tilespmem:$0x8890] =	vst v34  }
0x73: {  	[tilespmem:$0x8990] =	vst v35  }
0x74: {  	v34 =	vld.idx.msk [tilespmem:v5+s22+$0x0], $0xffff  }
0x75: {  	v35 =	vld.idx.msk [tilespmem:v6+s22+$0x0], $0xffff;
	_ =	sdelay $0x3  }
0x76: {  	[tilespmem:$0x88A0] =	vst v34  }
0x77: {  	[tilespmem:$0x89A0] =	vst v35  }
0x78: {  	v34 =	vld.idx.msk [tilespmem:v7+s22+$0x0], $0xffff  }
0x79: {  	v35 =	vld.idx.msk [tilespmem:v8+s22+$0x0], $0xffff;
	_ =	sdelay $0x3  }
0x7a: {  	[tilespmem:$0x88B0] =	vst v34  }
0x7b: {  	[tilespmem:$0x89B0] =	vst v35  }
0x7c: {  	v34 =	vld.idx.msk [tilespmem:v9+s22+$0x0], $0xffff  }
0x7d: {  	v35 =	vld.idx.msk [tilespmem:v10+s22+$0x0], $0xffff;
	_ =	sdelay $0x3  }
0x7e: {  	[tilespmem:$0x88C0] =	vst v34  }
0x7f: {  	[tilespmem:$0x89C0] =	vst v35  }
0x80: {  	v34 =	vld.idx.msk [tilespmem:v11+s22+$0x0], $0xffff  }
0x81: {  	v35 =	vld.idx.msk [tilespmem:v12+s22+$0x0], $0xffff;
	_ =	sdelay $0x3  }
0x82: {  	[tilespmem:$0x88D0] =	vst v34  }
0x83: {  	[tilespmem:$0x89D0] =	vst v35  }
0x84: {  	v34 =	vld.idx.msk [tilespmem:v13+s22+$0x0], $0xffff  }
0x85: {  	v35 =	vld.idx.msk [tilespmem:v14+s22+$0x0], $0xffff;
	_ =	sdelay $0x3  }
0x86: {  	[tilespmem:$0x88E0] =	vst v34  }
0x87: {  	[tilespmem:$0x89E0] =	vst v35  }
0x88: {  	v34 =	vld.idx.msk [tilespmem:v15+s22+$0x0], $0xffff  }
0x89: {  	v35 =	vld.idx.msk [tilespmem:v16+s22+$0x0], $0xffff;
	_ =	sdelay $0x3  }
0x8a: {  	[tilespmem:$0x88F0] =	vst v34  }
0x8b: {  	s10 =	simm.s32 $0x100;
	[tilespmem:$0x89F0] =	vst v35  }
0x8c: {  	[tilespmem:s26], [sflag:$0x2] =	stream.indirect.gather [hbm4b:s0+s20], $0x80, s25, s20, $0xb8;
	[tilespmem:$0x1CA00] =	vst v63  }
0x8d: {  	v39 =	vld [tilespmem:s10+$0xFFFFFFA0]  }
0x8e: {  	v37 =	vld [tilespmem:s10+$0xFFFFFFF0]  }
0x8f: {  	v34 =	vld [tilespmem:s10+$0xFFFFFF60]  }
0x90: {  	v63 =	vor.u32 s7, v17;
	v40 =	vld [tilespmem:s10+$0xFFFFFFD0]  }
0x91: {  	v41 =	vld [tilespmem:s10+$0x80]  }
0x92: {  	v44 =	vld [tilespmem:s10+$0xFFFFFF10]  }
0x93: {  	v48 =	vld [tilespmem:s10+$0xE0]  }
0x94: {  	v43 =	vld [tilespmem:s10+$0xFFFFFF40]  }
0x95: {  	v35 =	vld.idx.msk [tilespmem:v63+s18+$0x0], $0xffff  }
0x96: {  	v36 =	vld [tilespmem:s10+$0xFFFFFF90]  }
0x97: {  	v42 =	vld [tilespmem:s10+$0xFFFFFFC0]  }
0x98: {  	v45 =	vld [tilespmem:s10+$0xFFFFFF00]  }
0x99: {  	v46 =	vld [tilespmem:s10+$0xD0]  }
0x9a: {  	v55 =	vld [tilespmem:s10+$0xC0]  }
0x9b: {  	v53 =	vld [tilespmem:s10+$0x90];
	v51 =	vperm.xlane v35, v18;
	v38 =	vperm.xlane v35, v33  }
0x9c: {  	v54 =	vld [tilespmem:s10+$0xFFFFFF50];
	v52 =	vperm.xlane v35, v20;
	v50 =	vperm.xlane v35, v32  }
0x9d: {  	v49 =	vld [tilespmem:s10+$0xB0];
	v47 =	vperm.xlane v35, v30;
	v57 =	vmul.f32 v45, v51  }
0x9e: {  	s12 =	simm.s32 $0x20;
	s15 =	simm.s32 $0x100;
	s9 =	sshll.u32 s8, $0x1;
	v45 =	vperm.xlane v35, v31;
	v56 =	vmul.f32 v43, v52;
	v43 =	vld [tilespmem:s10+$0x60]  }
.LBB2_5:
0x9f: {  	p0 =	sne.s32 s12, $0x3E0  }
0xa0: {  	[tilespmem:s10+$0xFFFFFF00] =	vst v57;
	v57 =	vld [tilespmem:s10+$0xFFFFFFB0];
	v55 =	vmul.f32 v55, v50;
	v48 =	vmul.f32 v48, v38;
	s15 =	sadd.s32 $0x200, s15;
	s16 =	smov.u32 s12;
	s12 =	sadd.s32 $0x20, s12  }
0xa1: {  	[tilespmem:s10+$0xFFFFFF40] =	vst v56;
	v56 =	vperm.xlane v35, v28;
	v53 =	vmul.f32 v53, v47;
	v58 =	vld [tilespmem:s10+$0xA0]  }
0xa2: {  	v44 =	vmul.f32 v44, v51;
	v51 =	vmul.f32 v54, v52;
	v52 =	vld [tilespmem:s10+$0x70];
	[tilespmem:s10+$0xE0] =	vst v48  }
0xa3: {  	v48 =	vperm.xlane v35, v23;
	v54 =	vld [tilespmem:s10+$0xFFFFFFE0];
	v49 =	vmul.f32 v49, v45;
	[tilespmem:s10+$0xC0] =	vst v55  }
0xa4: {  	v46 =	vmul.f32 v46, v50;
	[tilespmem:s10+$0xFFFFFF10] =	vst v44;
	v44 =	vperm.xlane v35, v24;
	v55 =	vld [tilespmem:s10+$0x40]  }
0xa5: {  	v59 =	vperm.xlane v35, v29;
	v39 =	vmul.f32 v39, v48;
	v50 =	vld [tilespmem:s10+$0xFFFFFF20];
	[tilespmem:s10+$0x90] =	vst v53  }
0xa6: {  	[tilespmem:s10+$0xFFFFFF50] =	vst v51;
	v51 =	vperm.xlane v35, v27;
	v53 =	vld [tilespmem:s10+$0x20];
	v45 =	vmul.f32 v58, v45  }
0xa7: {  	v48 =	vmul.f32 v57, v48;
	v57 =	vld [tilespmem:s10+$0x50];
	v52 =	vmul.f32 v52, v59;
	[tilespmem:s10+$0xD0] =	vst v46  }
0xa8: {  	v41 =	vmul.f32 v41, v47;
	v46 =	vperm.xlane v35, v25;
	v58 =	vld [tilespmem:s10+$0x30];
	[tilespmem:s10+$0xA0] =	vst v45  }
0xa9: {  	v42 =	vmul.f32 v42, v44;
	v45 =	vperm.xlane v35, v21;
	v47 =	vld [tilespmem:s10+$0x0];
	[tilespmem:s10+$0x70] =	vst v52  }
0xaa: {  	v43 =	vmul.f32 v43, v59;
	v40 =	vmul.f32 v40, v44;
	v44 =	vld [tilespmem:s10+$0x10];
	[tilespmem:s10+$0x80] =	vst v41  }
0xab: {  	v52 =	vperm.xlane v35, v26;
	v55 =	vmul.f32 v55, v56;
	v41 =	vld [tilespmem:s10+$0xFFFFFF30];
	[tilespmem:s10+$0xB0] =	vst v49  }
0xac: {  	v49 =	vperm.xlane v35, v19;
	v59 =	vld [tilespmem:s10+$0xFFFFFF70];
	[tilespmem:s10+$0xFFFFFFD0] =	vst v40;
	v56 =	vmul.f32 v57, v56  }
0xad: {  	v37 =	vmul.f32 v37, v46;
	v40 =	vmul.f32 v54, v46;
	[tilespmem:s10+$0xFFFFFFC0] =	vst v42;
	v42 =	vld [tilespmem:s10+$0xF0]  }
0xae: {  	v54 =	vmul.f32 v58, v51;
	v46 =	vld [tilespmem:s10+$0xFFFFFF80];
	[tilespmem:s10+$0xFFFFFFA0] =	vst v39;
	v47 =	vmul.f32 v47, v52  }
0xaf: {  	v39 =	vld [tilespmem:s15+$0xFFFFFFA0];
	[tilespmem:s10+$0xFFFFFFF0] =	vst v37;
	v52 =	vmul.f32 v44, v52;
	v44 =	vmul.f32 v53, v51  }
0xb0: {  	v37 =	vmul.f32 v50, v49;
	v49 =	vmul.f32 v41, v49;
	[tilespmem:s10+$0x60] =	vst v43  }
0xb1: {  	v34 =	vmul.f32 v34, v45;
	v41 =	vmul.f32 v59, v45;
	[tilespmem:s10+$0xFFFFFFB0] =	vst v48  }
0xb2: {  	v35 =	vperm.xlane v35, v22;
	[tilespmem:s10+$0xFFFFFF20] =	vst v37;
	v37 =	vmul.f32 v42, v38  }
0xb3: {  	[tilespmem:s10+$0xFFFFFF60] =	vst v34  }
0xb4: {  	v38 =	vmul.f32 v46, v35;
	v34 =	vmul.f32 v36, v35;
	[tilespmem:s10+$0x40] =	vst v55  }
0xb5: {  	[tilespmem:s10+$0xFFFFFFE0] =	vst v40  }
0xb6: {  	[tilespmem:s10+$0xF0] =	vst v37  }
0xb7: {  	[tilespmem:s10+$0xFFFFFF90] =	vst v34  }
0xb8: {  	[tilespmem:s10+$0xFFFFFF70] =	vst v41  }
0xb9: {  	v37 =	vld [tilespmem:s15+$0xFFFFFFF0];
	[tilespmem:s10+$0x20] =	vst v44  }
0xba: {  	v34 =	vld [tilespmem:s15+$0xFFFFFF60];
	[tilespmem:s10+$0x30] =	vst v54  }
0xbb: {  	v35 =	vor.u32 s16, v17;
	v40 =	vld [tilespmem:s15+$0xFFFFFFD0];
	[tilespmem:s10+$0xFFFFFF80] =	vst v38  }
0xbc: {  	v41 =	vld [tilespmem:s15+$0x80];
	[tilespmem:s10+$0x50] =	vst v56  }
0xbd: {  	v44 =	vld [tilespmem:s15+$0xFFFFFF10];
	[tilespmem:s10+$0x0] =	vst v47  }
0xbe: {  	v48 =	vld [tilespmem:s15+$0xE0];
	[tilespmem:s10+$0xFFFFFF30] =	vst v49  }
0xbf: {  	v43 =	vld [tilespmem:s15+$0xFFFFFF40];
	[tilespmem:s10+$0x10] =	vst v52;
	s10 =	smov.u32 s15  }
0xc0: {  	v35 =	vld.idx.msk [tilespmem:v35+s18+$0x0], $0xffff  }
0xc1: {  	v36 =	vld [tilespmem:s15+$0xFFFFFF90]  }
0xc2: {  	v42 =	vld [tilespmem:s15+$0xFFFFFFC0]  }
0xc3: {  	v45 =	vld [tilespmem:s15+$0xFFFFFF00]  }
0xc4: {  	v46 =	vld [tilespmem:s15+$0xD0]  }
.Ltmp1:
0xc5: {  	v55 =	vld [tilespmem:s15+$0xC0];
	(pc) =	sbr.rel @p0 .LBB2_5-.Ltmp1, $4  }
0xc6: {  	v51 =	vperm.xlane v35, v18;
	v38 =	vperm.xlane v35, v33;
	v53 =	vld [tilespmem:s15+$0x90]  }
0xc7: {  	v52 =	vperm.xlane v35, v20;
	v50 =	vperm.xlane v35, v32;
	v54 =	vld [tilespmem:s15+$0xFFFFFF50]  }
0xc8: {  	v57 =	vmul.f32 v45, v51;
	v45 =	vperm.xlane v35, v31;
	v49 =	vld [tilespmem:s15+$0xB0]  }
0xc9: {  	v47 =	vperm.xlane v35, v30;
	v56 =	vmul.f32 v43, v52;
	v43 =	vld [tilespmem:s15+$0x60]  }
0xca: {  	[tilespmem:s10+$0xFFFFFF00] =	vst v57;
	v48 =	vmul.f32 v48, v38  }
0xcb: {  	v55 =	vmul.f32 v55, v50;
	[tilespmem:s10+$0xFFFFFF40] =	vst v56  }
0xcc: {  	v44 =	vmul.f32 v44, v51;
	[tilespmem:s10+$0xE0] =	vst v48  }
0xcd: {  	v63 =	vmul.f32 v46, v50;
	[tilespmem:s10+$0xC0] =	vst v55  }
0xce: {  	v62 =	vmul.f32 v53, v47;
	[tilespmem:s10+$0xFFFFFF10] =	vst v44  }
0xcf: {  	v59 =	vperm.xlane v35, v24;
	v41 =	vmul.f32 v41, v47;
	[tilespmem:s10+$0xD0] =	vst v63  }
0xd0: {  	v60 =	vld [tilespmem:s10+$0xA0];
	v52 =	vmul.f32 v54, v52;
	[tilespmem:s10+$0x90] =	vst v62  }
0xd1: {  	v61 =	vld [tilespmem:s10+$0x70];
	v56 =	vperm.xlane v35, v21;
	v40 =	vmul.f32 v40, v59;
	[tilespmem:s10+$0x80] =	vst v41  }
0xd2: {  	v57 =	vperm.xlane v35, v29;
	v42 =	vmul.f32 v42, v59;
	[tilespmem:s10+$0xFFFFFF50] =	vst v52  }
0xd3: {  	v34 =	vmul.f32 v34, v56;
	[tilespmem:s10+$0xFFFFFFD0] =	vst v40  }
0xd4: {  	v46 =	vld [tilespmem:s10+$0xFFFFFF20];
	[tilespmem:s10+$0xFFFFFFC0] =	vst v42;
	v43 =	vmul.f32 v43, v57  }
0xd5: {  	v58 =	vmul.f32 v60, v45;
	[tilespmem:s10+$0xFFFFFF60] =	vst v34  }
0xd6: {  	v53 =	vld [tilespmem:s10+$0xFFFFFFB0];
	v62 =	vperm.xlane v35, v25;
	v51 =	vmul.f32 v61, v57;
	[tilespmem:s10+$0x60] =	vst v43  }
0xd7: {  	v50 =	vperm.xlane v35, v19;
	v48 =	vld [tilespmem:s10+$0xFFFFFFE0];
	v60 =	vmul.f32 v49, v45;
	[tilespmem:s10+$0xA0] =	vst v58  }
0xd8: {  	v54 =	vld [tilespmem:s10+$0x40];
	v61 =	vperm.xlane v35, v23;
	v37 =	vmul.f32 v37, v62;
	[tilespmem:s10+$0x70] =	vst v51  }
0xd9: {  	v46 =	vmul.f32 v46, v50;
	[tilespmem:s10+$0xB0] =	vst v60  }
0xda: {  	v40 =	vld [tilespmem:s10+$0xFFFFFF80];
	v39 =	vmul.f32 v39, v61;
	[tilespmem:s10+$0xFFFFFFF0] =	vst v37  }
0xdb: {  	v55 =	vld [tilespmem:s10+$0x50];
	v63 =	vmul.f32 v53, v61;
	v58 =	vperm.xlane v35, v28;
	[tilespmem:s10+$0xFFFFFF20] =	vst v46  }
0xdc: {  	v42 =	vld [tilespmem:s10+$0x10];
	v41 =	vmul.f32 v48, v62;
	v61 =	vperm.xlane v35, v22;
	[tilespmem:s10+$0xFFFFFFA0] =	vst v39  }
0xdd: {  	v57 =	vld [tilespmem:s10+$0xF0];
	[tilespmem:s10+$0xFFFFFFB0] =	vst v63;
	v60 =	vmul.f32 v54, v58  }
0xde: {  	v45 =	vld [tilespmem:s10+$0xFFFFFF70];
	v36 =	vmul.f32 v36, v61;
	[tilespmem:s10+$0xFFFFFFE0] =	vst v41  }
0xdf: {  	v44 =	vld [tilespmem:s10+$0x0];
	v53 =	vperm.xlane v35, v26;
	v54 =	vmul.f32 v40, v61;
	[tilespmem:s10+$0x40] =	vst v60  }
0xe0: {  	v59 =	vld [tilespmem:s10+$0xFFFFFF30];
	v55 =	vmul.f32 v55, v58;
	[tilespmem:s10+$0xFFFFFF90] =	vst v36  }
0xe1: {  	v47 =	vld [tilespmem:s10+$0x20];
	v58 =	vmul.f32 v42, v53;
	[tilespmem:s10+$0xFFFFFF80] =	vst v54  }
0xe2: {  	v51 =	vld [tilespmem:s10+$0x30];
	v62 =	vmul.f32 v57, v38;
	[tilespmem:s10+$0x50] =	vst v55  }
0xe3: {  	v48 =	vmul.f32 v45, v56;
	[tilespmem:s10+$0x10] =	vst v58  }
0xe4: {  	v63 =	vperm.xlane v35, v27;
	v56 =	vmul.f32 v44, v53;
	[tilespmem:s10+$0xF0] =	vst v62  }
0xe5: {  	s12 =	smin.u32 s9, $0x51;
	v57 =	vmul.f32 v59, v50;
	[tilespmem:s10+$0xFFFFFF70] =	vst v48  }
0xe6: {  	s12 =	sshll.u32 s12, $0xA;
	v49 =	vmul.f32 v47, v63;
	[tilespmem:s10+$0x0] =	vst v56  }
0xe7: {  	s12 =	sadd.s32 s12, s13;
	v52 =	vmul.f32 v51, v63;
	[tilespmem:s10+$0xFFFFFF30] =	vst v57  }
0xe8: {  	s12 =	sshrl.u32 s12, $0x3;
	[tilespmem:s10+$0x20] =	vst v49  }
0xe9: {  	s16 =	simm.s32 $0x0;
	s15 =	sadd.s32 s5, s12;
	[tilespmem:s10+$0x30] =	vst v52  }
0xea: {  	[tilespmem:s18], [sflag:$0x3] =	stream.linear.gather [hbm4b:s15+s16], $0x400, $0x38;
	[tilespmem:$0x1CA00] =	vst v63  }
0xeb: {  	_ = 	snop  }
0xec: {  	[spmem:s3] =	stream.indirect.scatter.add.f32 [tilespmem:s16], [sflag:$0x5], $0x80, s28, s20, $0xb8;
	[tilespmem:$0x1CA00] =	vst v63  }
0xed: {  	_ =	swait.ge [sflag:s29], $0x4000  }
0xee: {  	[sflag:s29] =	ssyncset.done $0x0  }
0xef: {  	[sflag:s29] =	ssyncadd.s32 $0xFFFFC000  }
0xf0: {  	_ =	swait.ge [sflag:s19], $0x400  }
0xf1: {  	[sflag:s19] =	ssyncset.done $0x0  }
0xf2: {  	[sflag:s19] =	ssyncadd.s32 $0xFFFFFC00  }
0xf3: {  	_ =	swait.ge [sflag:s30], $0x4000  }
0xf4: {  	[sflag:s30] =	ssyncset.done $0x0  }
0xf5: {  	[sflag:s30] =	ssyncadd.s32 $0xFFFFC000  }
0xf6: {  	v59 =	vld.idx.msk [tilespmem:v0+s18+$0x0], $0xffff  }
0xf7: {  	v60 =	vld.idx.msk [tilespmem:v2+s18+$0x0], $0xffff;
	_ =	sdelay $0x3  }
0xf8: {  	[tilespmem:$0x8800] =	vst v59  }
0xf9: {  	[tilespmem:$0x8900] =	vst v60  }
0xfa: {  	v34 =	vld.idx.msk [tilespmem:v3+s18+$0x0], $0xffff  }
0xfb: {  	v35 =	vld.idx.msk [tilespmem:v4+s18+$0x0], $0xffff;
	_ =	sdelay $0x3  }
0xfc: {  	[tilespmem:$0x8810] =	vst v34  }
0xfd: {  	[tilespmem:$0x8910] =	vst v35  }
0xfe: {  	v34 =	vld.idx.msk [tilespmem:v5+s18+$0x0], $0xffff  }
0xff: {  	v35 =	vld.idx.msk [tilespmem:v6+s18+$0x0], $0xffff;
	_ =	sdelay $0x3  }
0x100: {  	[tilespmem:$0x8820] =	vst v34  }
0x101: {  	[tilespmem:$0x8920] =	vst v35  }
0x102: {  	v34 =	vld.idx.msk [tilespmem:v7+s18+$0x0], $0xffff  }
0x103: {  	v35 =	vld.idx.msk [tilespmem:v8+s18+$0x0], $0xffff;
	_ =	sdelay $0x3  }
0x104: {  	[tilespmem:$0x8830] =	vst v34  }
0x105: {  	[tilespmem:$0x8930] =	vst v35  }
0x106: {  	v34 =	vld.idx.msk [tilespmem:v9+s18+$0x0], $0xffff  }
0x107: {  	v35 =	vld.idx.msk [tilespmem:v10+s18+$0x0], $0xffff;
	_ =	sdelay $0x3  }
0x108: {  	[tilespmem:$0x8840] =	vst v34  }
0x109: {  	[tilespmem:$0x8940] =	vst v35  }
0x10a: {  	v34 =	vld.idx.msk [tilespmem:v11+s18+$0x0], $0xffff  }
0x10b: {  	v35 =	vld.idx.msk [tilespmem:v12+s18+$0x0], $0xffff;
	_ =	sdelay $0x3  }
0x10c: {  	[tilespmem:$0x8850] =	vst v34  }
0x10d: {  	[tilespmem:$0x8950] =	vst v35  }
0x10e: {  	v34 =	vld.idx.msk [tilespmem:v13+s18+$0x0], $0xffff  }
0x10f: {  	v35 =	vld.idx.msk [tilespmem:v14+s18+$0x0], $0xffff;
	_ =	sdelay $0x3  }
0x110: {  	[tilespmem:$0x8860] =	vst v34  }
0x111: {  	[tilespmem:$0x8960] =	vst v35  }
0x112: {  	v34 =	vld.idx.msk [tilespmem:v15+s18+$0x0], $0xffff  }
0x113: {  	v35 =	vld.idx.msk [tilespmem:v16+s18+$0x0], $0xffff;
	_ =	sdelay $0x3  }
0x114: {  	[tilespmem:$0x8870] =	vst v34  }
0x115: {  	s10 =	simm.s32 $0x4100;
	[tilespmem:$0x8970] =	vst v35  }
0x116: {  	[tilespmem:s16], [sflag:$0x1] =	stream.indirect.gather [hbm4b:s0+s20], $0x80, s21, s20, $0xb8;
	[tilespmem:$0x1CA00] =	vst v63  }
0x117: {  	v39 =	vld [tilespmem:s10+$0xFFFFFFA0]  }
0x118: {  	v37 =	vld [tilespmem:s10+$0xFFFFFFF0]  }
0x119: {  	v34 =	vld [tilespmem:s10+$0xFFFFFF60]  }
0x11a: {  	v61 =	vor.u32 s16, v17;
	v40 =	vld [tilespmem:s10+$0xFFFFFFD0]  }
0x11b: {  	v41 =	vld [tilespmem:s10+$0x80]  }
0x11c: {  	v44 =	vld [tilespmem:s10+$0xFFFFFF10]  }
0x11d: {  	v48 =	vld [tilespmem:s10+$0xE0]  }
0x11e: {  	v62 =	vld [tilespmem:s10+$0xFFFFFF40]  }
0x11f: {  	v35 =	vld.idx.msk [tilespmem:v61+s22+$0x0], $0xffff  }
0x120: {  	v36 =	vld [tilespmem:s10+$0xFFFFFF90]  }
0x121: {  	v42 =	vld [tilespmem:s10+$0xFFFFFFC0]  }
0x122: {  	v63 =	vld [tilespmem:s10+$0xFFFFFF00]  }
0x123: {  	v46 =	vld [tilespmem:s10+$0xD0]  }
0x124: {  	v55 =	vld [tilespmem:s10+$0xC0]  }
0x125: {  	v53 =	vld [tilespmem:s10+$0x90];
	v51 =	vperm.xlane v35, v18;
	v38 =	vperm.xlane v35, v33  }
0x126: {  	v54 =	vld [tilespmem:s10+$0xFFFFFF50];
	v52 =	vperm.xlane v35, v20;
	v50 =	vperm.xlane v35, v32  }
0x127: {  	v49 =	vld [tilespmem:s10+$0xB0];
	v45 =	vperm.xlane v35, v31;
	v47 =	vperm.xlane v35, v30  }
0x128: {  	s12 =	simm.s32 $0x20;
	s15 =	simm.s32 $0x4100;
	v43 =	vld [tilespmem:s10+$0x60];
	v57 =	vmul.f32 v63, v51;
	v56 =	vmul.f32 v62, v52  }
.LBB2_7:
0x129: {  	p0 =	sne.s32 s12, $0x3E0  }
0x12a: {  	[tilespmem:s10+$0xFFFFFF00] =	vst v57;
	v57 =	vld [tilespmem:s10+$0xFFFFFFB0];
	v55 =	vmul.f32 v55, v50;
	v48 =	vmul.f32 v48, v38;
	s15 =	sadd.s32 $0x200, s15;
	s16 =	smov.u32 s12;
	s12 =	sadd.s32 $0x20, s12  }
0x12b: {  	[tilespmem:s10+$0xFFFFFF40] =	vst v56;
	v56 =	vperm.xlane v35, v28;
	v53 =	vmul.f32 v53, v47;
	v58 =	vld [tilespmem:s10+$0xA0]  }
0x12c: {  	v44 =	vmul.f32 v44, v51;
	v51 =	vmul.f32 v54, v52;
	v52 =	vld [tilespmem:s10+$0x70];
	[tilespmem:s10+$0xE0] =	vst v48  }
0x12d: {  	v48 =	vperm.xlane v35, v23;
	v54 =	vld [tilespmem:s10+$0xFFFFFFE0];
	v49 =	vmul.f32 v49, v45;
	[tilespmem:s10+$0xC0] =	vst v55  }
0x12e: {  	v46 =	vmul.f32 v46, v50;
	[tilespmem:s10+$0xFFFFFF10] =	vst v44;
	v44 =	vperm.xlane v35, v24;
	v55 =	vld [tilespmem:s10+$0x40]  }
0x12f: {  	v59 =	vperm.xlane v35, v29;
	v39 =	vmul.f32 v39, v48;
	v50 =	vld [tilespmem:s10+$0xFFFFFF20];
	[tilespmem:s10+$0x90] =	vst v53  }
0x130: {  	[tilespmem:s10+$0xFFFFFF50] =	vst v51;
	v51 =	vperm.xlane v35, v27;
	v53 =	vld [tilespmem:s10+$0x20];
	v45 =	vmul.f32 v58, v45  }
0x131: {  	v48 =	vmul.f32 v57, v48;
	v57 =	vld [tilespmem:s10+$0x50];
	v52 =	vmul.f32 v52, v59;
	[tilespmem:s10+$0xD0] =	vst v46  }
0x132: {  	v41 =	vmul.f32 v41, v47;
	v46 =	vperm.xlane v35, v25;
	v58 =	vld [tilespmem:s10+$0x30];
	[tilespmem:s10+$0xA0] =	vst v45  }
0x133: {  	v42 =	vmul.f32 v42, v44;
	v45 =	vperm.xlane v35, v21;
	v47 =	vld [tilespmem:s10+$0x0];
	[tilespmem:s10+$0x70] =	vst v52  }
0x134: {  	v43 =	vmul.f32 v43, v59;
	v40 =	vmul.f32 v40, v44;
	v44 =	vld [tilespmem:s10+$0x10];
	[tilespmem:s10+$0x80] =	vst v41  }
0x135: {  	v52 =	vperm.xlane v35, v26;
	v55 =	vmul.f32 v55, v56;
	v41 =	vld [tilespmem:s10+$0xFFFFFF30];
	[tilespmem:s10+$0xB0] =	vst v49  }
0x136: {  	v49 =	vperm.xlane v35, v19;
	v59 =	vld [tilespmem:s10+$0xFFFFFF70];
	[tilespmem:s10+$0xFFFFFFD0] =	vst v40;
	v56 =	vmul.f32 v57, v56  }
0x137: {  	v37 =	vmul.f32 v37, v46;
	v40 =	vmul.f32 v54, v46;
	[tilespmem:s10+$0xFFFFFFC0] =	vst v42;
	v42 =	vld [tilespmem:s10+$0xF0]  }
0x138: {  	v54 =	vmul.f32 v58, v51;
	v46 =	vld [tilespmem:s10+$0xFFFFFF80];
	[tilespmem:s10+$0xFFFFFFA0] =	vst v39;
	v47 =	vmul.f32 v47, v52  }
0x139: {  	v39 =	vld [tilespmem:s15+$0xFFFFFFA0];
	[tilespmem:s10+$0xFFFFFFF0] =	vst v37;
	v52 =	vmul.f32 v44, v52;
	v44 =	vmul.f32 v53, v51  }
0x13a: {  	v37 =	vmul.f32 v50, v49;
	v49 =	vmul.f32 v41, v49;
	[tilespmem:s10+$0x60] =	vst v43  }
0x13b: {  	v34 =	vmul.f32 v34, v45;
	v41 =	vmul.f32 v59, v45;
	[tilespmem:s10+$0xFFFFFFB0] =	vst v48  }
0x13c: {  	v35 =	vperm.xlane v35, v22;
	[tilespmem:s10+$0xFFFFFF20] =	vst v37;
	v37 =	vmul.f32 v42, v38  }
0x13d: {  	[tilespmem:s10+$0xFFFFFF60] =	vst v34  }
0x13e: {  	v38 =	vmul.f32 v46, v35;
	v34 =	vmul.f32 v36, v35;
	[tilespmem:s10+$0x40] =	vst v55  }
0x13f: {  	[tilespmem:s10+$0xFFFFFFE0] =	vst v40  }
0x140: {  	[tilespmem:s10+$0xF0] =	vst v37  }
0x141: {  	[tilespmem:s10+$0xFFFFFF90] =	vst v34  }
0x142: {  	[tilespmem:s10+$0xFFFFFF70] =	vst v41  }
0x143: {  	v37 =	vld [tilespmem:s15+$0xFFFFFFF0];
	[tilespmem:s10+$0x20] =	vst v44  }
0x144: {  	v34 =	vld [tilespmem:s15+$0xFFFFFF60];
	[tilespmem:s10+$0x30] =	vst v54  }
0x145: {  	v35 =	vor.u32 s16, v17;
	v40 =	vld [tilespmem:s15+$0xFFFFFFD0];
	[tilespmem:s10+$0xFFFFFF80] =	vst v38  }
0x146: {  	v41 =	vld [tilespmem:s15+$0x80];
	[tilespmem:s10+$0x50] =	vst v56  }
0x147: {  	v44 =	vld [tilespmem:s15+$0xFFFFFF10];
	[tilespmem:s10+$0x0] =	vst v47  }
0x148: {  	v48 =	vld [tilespmem:s15+$0xE0];
	[tilespmem:s10+$0xFFFFFF30] =	vst v49  }
0x149: {  	v43 =	vld [tilespmem:s15+$0xFFFFFF40];
	[tilespmem:s10+$0x10] =	vst v52;
	s10 =	smov.u32 s15  }
0x14a: {  	v35 =	vld.idx.msk [tilespmem:v35+s22+$0x0], $0xffff  }
0x14b: {  	v36 =	vld [tilespmem:s15+$0xFFFFFF90]  }
0x14c: {  	v42 =	vld [tilespmem:s15+$0xFFFFFFC0]  }
0x14d: {  	v45 =	vld [tilespmem:s15+$0xFFFFFF00]  }
0x14e: {  	v46 =	vld [tilespmem:s15+$0xD0]  }
.Ltmp2:
0x14f: {  	v55 =	vld [tilespmem:s15+$0xC0];
	(pc) =	sbr.rel @p0 .LBB2_7-.Ltmp2, $4  }
0x150: {  	v51 =	vperm.xlane v35, v18;
	v38 =	vperm.xlane v35, v33;
	v53 =	vld [tilespmem:s15+$0x90]  }
0x151: {  	v52 =	vperm.xlane v35, v20;
	v50 =	vperm.xlane v35, v32;
	v54 =	vld [tilespmem:s15+$0xFFFFFF50]  }
0x152: {  	v57 =	vmul.f32 v45, v51;
	v45 =	vperm.xlane v35, v31;
	v49 =	vld [tilespmem:s15+$0xB0]  }
0x153: {  	v47 =	vperm.xlane v35, v30;
	v56 =	vmul.f32 v43, v52;
	v43 =	vld [tilespmem:s15+$0x60]  }
0x154: {  	[tilespmem:s10+$0xFFFFFF00] =	vst v57;
	v48 =	vmul.f32 v48, v38  }
0x155: {  	v55 =	vmul.f32 v55, v50;
	[tilespmem:s10+$0xFFFFFF40] =	vst v56  }
0x156: {  	v44 =	vmul.f32 v44, v51;
	[tilespmem:s10+$0xE0] =	vst v48  }
0x157: {  	v58 =	vmul.f32 v46, v50;
	[tilespmem:s10+$0xC0] =	vst v55  }
0x158: {  	v57 =	vmul.f32 v53, v47;
	[tilespmem:s10+$0xFFFFFF10] =	vst v44  }
0x159: {  	v61 =	vperm.xlane v35, v24;
	v41 =	vmul.f32 v41, v47;
	[tilespmem:s10+$0xD0] =	vst v58  }
0x15a: {  	v62 =	vld [tilespmem:s10+$0xA0];
	v52 =	vmul.f32 v54, v52;
	[tilespmem:s10+$0x90] =	vst v57  }
0x15b: {  	v63 =	vld [tilespmem:s10+$0x70];
	v56 =	vperm.xlane v35, v25;
	v40 =	vmul.f32 v40, v61;
	[tilespmem:s10+$0x80] =	vst v41  }
0x15c: {  	v59 =	vperm.xlane v35, v29;
	v42 =	vmul.f32 v42, v61;
	[tilespmem:s10+$0xFFFFFF50] =	vst v52  }
0x15d: {  	v46 =	vld [tilespmem:s10+$0xFFFFFF20];
	v37 =	vmul.f32 v37, v56;
	[tilespmem:s10+$0xFFFFFFD0] =	vst v40  }
0x15e: {  	[tilespmem:s10+$0xFFFFFFC0] =	vst v42;
	v43 =	vmul.f32 v43, v59  }
0x15f: {  	v53 =	vld [tilespmem:s10+$0xFFFFFFB0];
	v60 =	vmul.f32 v62, v45;
	[tilespmem:s10+$0xFFFFFFF0] =	vst v37  }
0x160: {  	v50 =	vperm.xlane v35, v19;
	v51 =	vmul.f32 v63, v59;
	[tilespmem:s10+$0x60] =	vst v43  }
0x161: {  	v54 =	vld [tilespmem:s10+$0x40];
	v62 =	vmul.f32 v49, v45;
	v63 =	vperm.xlane v35, v23;
	[tilespmem:s10+$0xA0] =	vst v60  }
0x162: {  	v48 =	vld [tilespmem:s10+$0xFFFFFFE0];
	v46 =	vmul.f32 v46, v50;
	[tilespmem:s10+$0x70] =	vst v51  }
0x163: {  	v57 =	vld [tilespmem:s10+$0xFFFFFF70];
	v59 =	vperm.xlane v35, v21;
	[tilespmem:s10+$0xB0] =	vst v62;
	v39 =	vmul.f32 v39, v63  }
0x164: {  	v61 =	vperm.xlane v35, v28;
	v58 =	vmul.f32 v53, v63;
	[tilespmem:s10+$0xFFFFFF20] =	vst v46  }
0x165: {  	v47 =	vld [tilespmem:s10+$0x20];
	v34 =	vmul.f32 v34, v59;
	[tilespmem:s10+$0xFFFFFFA0] =	vst v39  }
0x166: {  	v40 =	vld [tilespmem:s10+$0xFFFFFF80];
	v63 =	vmul.f32 v54, v61;
	[tilespmem:s10+$0xFFFFFFB0] =	vst v58  }
0x167: {  	v42 =	vld [tilespmem:s10+$0x10];
	v41 =	vmul.f32 v48, v56;
	v48 =	vperm.xlane v35, v22;
	[tilespmem:s10+$0xFFFFFF60] =	vst v34  }
0x168: {  	v60 =	vld [tilespmem:s10+$0xF0];
	v53 =	vperm.xlane v35, v27;
	v54 =	vmul.f32 v57, v59;
	[tilespmem:s10+$0x40] =	vst v63  }
0x169: {  	v51 =	vld [tilespmem:s10+$0x30];
	v36 =	vmul.f32 v36, v48;
	[tilespmem:s10+$0xFFFFFFE0] =	vst v41  }
0x16a: {  	v55 =	vld [tilespmem:s10+$0x50];
	v56 =	vmul.f32 v47, v53;
	v58 =	vperm.xlane v35, v26;
	[tilespmem:s10+$0xFFFFFF70] =	vst v54  }
0x16b: {  	v44 =	vld [tilespmem:s10+$0x0];
	v59 =	vmul.f32 v40, v48;
	[tilespmem:s10+$0xFFFFFF90] =	vst v36  }
0x16c: {  	v62 =	vld [tilespmem:s10+$0xFFFFFF30];
	[tilespmem:s10+$0x20] =	vst v56;
	v63 =	vmul.f32 v42, v58  }
0x16d: {  	[tilespmem:s10+$0xFFFFFF80] =	vst v59;
	v52 =	vmul.f32 v60, v38  }
0x16e: {  	v57 =	vmul.f32 v51, v53;
	[tilespmem:s10+$0x10] =	vst v63  }
0x16f: {  	s9 =	smin.u32 s9, $0x50;
	v60 =	vmul.f32 v55, v61;
	[tilespmem:s10+$0xF0] =	vst v52  }
0x170: {  	s8 =	sadd.s32 $0x1, s8;
	s9 =	sshll.u32 s9, $0xA;
	v61 =	vmul.f32 v44, v58;
	[tilespmem:s10+$0x30] =	vst v57  }
0x171: {  	p0 =	sne.s32 s8, $0x2A;
	s9 =	sadd.s32 s9, s14;
	v62 =	vmul.f32 v62, v50;
	[tilespmem:s10+$0x50] =	vst v60  }
.Ltmp3:
0x172: {  	s9 =	sshrl.u32 s9, $0x3;
	[tilespmem:s10+$0x0] =	vst v61;
	(pc) =	sbr.rel @p0 .LBB2_4-.Ltmp3, $4  }
0x173: {  	s9 =	sadd.s32 s5, s9;
	[tilespmem:s10+$0xFFFFFF30] =	vst v62  }
0x174: {  	[tilespmem:s22], [sflag:$0x4] =	stream.linear.gather [hbm4b:s9+s4], $0x400, $0x38;
	[tilespmem:$0x1CA00] =	vst v63  }
0x175: {  	_ = 	snop  }
0x176: {  	[spmem:s3] =	stream.indirect.scatter.add.f32 [tilespmem:s26], [sflag:$0x6], $0x80, s31, s20, $0xb8;
	[tilespmem:$0x1CA00] =	vst v63  }
0x177: {  	_ =	swait.ge [sflag:s23], $0x4000  }
0x178: {  	[sflag:s23] =	ssyncset.done $0x0  }
0x179: {  	[sflag:s23] =	ssyncadd.s32 $0xFFFFC000  }
0x17a: {  	_ =	swait.ge [sflag:s24], $0x400  }
0x17b: {  	[sflag:s24] =	ssyncset.done $0x0  }
0x17c: {  	[sflag:s24] =	ssyncadd.s32 $0xFFFFFC00  }
0x17d: {  	_ =	swait.ge [sflag:s2], $0x4000  }
0x17e: {  	[sflag:s2] =	ssyncset.done $0x0  }
0x17f: {  	s7 =	stileid.u32;
	[sflag:s2] =	ssyncadd.s32 $0xFFFFC000  }
0x180: {  	s7 =	sshll.u32 s7, $0x6;
	[bflag:$0x0] =	sbarrier.arrive $0xFFFF  }
0x181: {  	s8 =	sshrl.u32 s6, $0x3;
	s7 =	sor.u32 $0x1C07, s7;
	s9 =	rddreg [dreg:$0x9]  }
0x182: {  	[hbm:s9], [sflag:s7] =	dma.local [spmem:s8], $0x2800  }
0x183: {  	_ =	swait.ge [sflag:s17], $0x2800  }
0x184: {  	s1 =	sadd.s32 $0x1, s1;
	s16 =	rddreg [dreg:$0xa]  }
0x185: {  	p0 =	sne.s32 s1, s16  }
.Ltmp4:
0x186: {  	_ = 	snop;
	(pc) =	sbr.rel @p0 .LBB2_1-.Ltmp4, $3  }
0x187: {  	_ =	sdelay $0x1  }
0x188: {  	[sflag:s17] =	ssyncset.done $0x0  }
0x189: {  	[sflag:s17] =	ssyncadd.s32 $0xFFFFD800  }
0x18a: {  	_ =	sfence.sel $0x180000  }
0x18b: {  	[bflag:$0x0] =	sbarrier.arrive $0xFFFF  }
0x18c: {  	_ =	strace $0x9000004A  }
0x18d: {  	s0 =	stileid.u32;
	[bflag:$0x2] =	sbarrier.arrive $0xFFFF  }
0x18e: {  	p0 =	sne.s32 s0, $0x0;
	s0 =	rddreg [dreg:$0x3]  }
0x18f: {  	s0 =	sadd.s32 @!p0 $0x100000, s0  }
0x190: {  	[sflag:s0] =	ssyncadd.tile.s32 @!p0 $0x1;
	_ =	shalt  }
.Lfunc_end2:
_tile_overlayer_lowered:
.L_overlay_start_2:
0x191: {  	(tag) =	ssettag $0x2  }
0x192: {  	s0 =	rddreg [dreg:$0x0];
	s2 =	stileid.u32  }
0x193: {  	s1 =	rddreg [dreg:$0x1];
	p0 =	sne.s32 s2, $0x0  }
0x194: {  	s3 =	rddreg [dreg:$0x2];
	[bflag:$0x3] =	sbarrier.arrive $0xFFFF;
	s2 =	simm.s32 @!p0 $0x1C07  }
0x195: {  	[timem:s3], [sflag:s2] =	dma.local @!p0 [hbm:s0], s1  }
0x196: {  	s0 =	simm.s32 @!p0 $0x7  }
0x197: {  	_ =	swait.ge @!p0 [sflag:s0], s1  }
0x198: {  	s1 =	ssub.s32 @!p0 $0x0, s1;
	[sflag:s0] =	ssyncset.done @!p0 $0x0  }
0x199: {  	[sflag:s0] =	ssyncadd.s32 @!p0 s1  }
0x19a: {  	[bflag:$0x3] =	sbarrier.arrive $0xFFFF  }
0x19b: {  	_ =	shalt  }

</sc_bundles>
